<compile_context>
chip_gen: v7x
topology: tpu7x:2x2x1
jax: 0.10.2.dev20260603
libtpu: 0.0.44.dev20260713+nightly
codegen_flags: <defaults>
</compile_context>

<pallas_src>
import functools

import jax
import jax.numpy as jnp
from jax import lax
from jax.experimental import pallas as pl
from jax.experimental.pallas import tpu as pltpu
from jax.experimental.pallas import tpu_sc as plsc

_DIM = 128
_H = 512
_FAN = 3 * _DIM


def _full(k):
    return jnp.full((16,), k, dtype=jnp.int32)


def kernel(discrete_data, continuous_data, cat_table, sub_table, ind_table,
           W1, b1, W2, b2):
    mesh = plsc.VectorSubcoreMesh(core_axis_name="c", subcore_axis_name="s")

    @functools.partial(
        pl.kernel,
        mesh=mesh,
        compiler_params=pltpu.CompilerParams(needs_layout_passes=False),
        out_type=jax.ShapeDtypeStruct((32, 8, 16), jnp.float32),
        scratch_types=[
            pltpu.VMEM((3,), jnp.int32),
            pltpu.VMEM((1, 128), jnp.float32),
            pltpu.VMEM((3, _DIM), jnp.float32),
            pltpu.VMEM((3, _DIM), jnp.float32),
            pltpu.VMEM((3, _DIM), jnp.float32),
            pltpu.VMEM((16, _FAN + 3), jnp.float32),
            pltpu.VMEM((32, 16), jnp.float32),
            pltpu.VMEM((2, 16), jnp.float32),
            pltpu.VMEM((16, _DIM), jnp.float32),
            pltpu.VMEM((1, 8, 16), jnp.float32),
            pltpu.SemaphoreType.DMA,
        ],
    )
    def sc_kernel(disc_h, cont_h, cat_h, sub_h, ind_h, w1_h, b1_h, w2_h,
                  out_h, idx_v, cont_v, rows_cat, rows_sub, rows_ind,
                  w1_slab, b1_v, h_loc, w2t_slab, o_parts, sem):
        cid = lax.axis_index("c")
        sid = lax.axis_index("s")
        w = sid * 2 + cid

        pltpu.sync_copy(disc_h, idx_v)
        pltpu.sync_copy(cont_h, cont_v)
        pltpu.async_copy(cat_h.at[idx_v], rows_cat, sem).wait()
        pltpu.async_copy(sub_h.at[idx_v], rows_sub, sem).wait()
        pltpu.async_copy(ind_h.at[idx_v], rows_ind, sem).wait()
        pltpu.sync_copy(w1_h.at[pl.ds(w * 16, 16)], w1_slab)
        pltpu.sync_copy(b1_h, b1_v)
        pltpu.sync_copy(w2_h.at[pl.ds(w * 16, 16)], w2t_slab)

        iota16 = lax.iota(jnp.int32, 16)

        def l1_loop(rows_ref, row_i, col_off, acc):
            def body(k, acc):
                xk = plsc.load_gather(rows_ref, [_full(row_i), _full(k)])
                c = plsc.load_gather(w1_slab, [iota16, _full(col_off + k)])
                return acc + xk * c
            return lax.fori_loop(0, _DIM, body, acc)

        acc = jnp.zeros((16,), jnp.float32)
        acc = l1_loop(rows_cat, 0, 0, acc)
        acc = l1_loop(rows_sub, 1, _DIM, acc)
        acc = l1_loop(rows_ind, 2, 2 * _DIM, acc)
        for i in range(3):
            ck = plsc.load_gather(cont_v, [_full(0), _full(8 + i)])
            acc = acc + ck * plsc.load_gather(w1_slab,
                                              [iota16, _full(_FAN + i)])
        h_loc[1] = jnp.maximum(acc + b1_v[w], 0.0)

        for v in range(8):
            oacc = jnp.zeros((16,), jnp.float32)
            for k in range(16):
                hk = plsc.load_gather(h_loc, [_full(1), _full(k)])
                wc = plsc.load_gather(w2t_slab,
                                      [_full(k), iota16 + 16 * v])
                oacc = oacc + hk * wc
            o_parts[0, v] = oacc
        pltpu.sync_copy(o_parts, out_h.at[pl.ds(w, 1)])

    cont_pad = jnp.pad(continuous_data.reshape(1, 3), ((0, 0), (8, 117)))
    parts = sc_kernel(discrete_data, cont_pad, cat_table, sub_table,
                      ind_table, W1, b1.reshape(32, 16), W2.T)
    return parts.sum(axis=0).reshape(_DIM) + b2

# --- scband reference (transcript-rebuilt; emitter-appended) ---
"""Pipeline reference for scband-project-encoder-for-ac-73126113182139 (READ-ONLY COPY).

The authoritative reference and input builder live on the scoring server;
editing this copy changes nothing except your own understanding.
"""

import jax, jax.numpy as jnp
import numpy as np

LEN_CATEGORY = 1000
LEN_SUB_CATEGORY = 100000
LEN_INDUSTRY = 1000
DIM = 128


def setup_inputs(seed: int = 0) -> dict:
    key = jax.random.key(seed)
    ks = jax.random.split(key, 10)
    discrete_data = jax.random.randint(ks[0], (3,), 0, 1000, dtype=jnp.int64) if jax.config.read('jax_enable_x64') else jax.random.randint(ks[0], (3,), 0, 1000, dtype=jnp.int32)
    continuous_data = jax.random.normal(ks[1], (3,), dtype=jnp.float32)
    cat_table = jax.random.normal(ks[2], (LEN_CATEGORY, DIM), dtype=jnp.float32)
    sub_table = jax.random.normal(ks[3], (LEN_SUB_CATEGORY, DIM), dtype=jnp.float32)
    ind_table = jax.random.normal(ks[4], (LEN_INDUSTRY, DIM), dtype=jnp.float32)
    fan_in1 = DIM * 3 + 3
    W1 = jax.random.normal(ks[5], (DIM * 4, fan_in1), dtype=jnp.float32) / np.sqrt(fan_in1)
    b1 = jnp.zeros((DIM * 4,), dtype=jnp.float32)
    W2 = jax.random.normal(ks[6], (DIM, DIM * 4), dtype=jnp.float32) / np.sqrt(DIM * 4)
    b2 = jnp.zeros((DIM,), dtype=jnp.float32)
    return {
        'discrete_data': discrete_data,
        'continuous_data': continuous_data,
        'cat_table': cat_table,
        'sub_table': sub_table,
        'ind_table': ind_table,
        'W1': W1,
        'b1': b1,
        'W2': W2,
        'b2': b2,
    }


def reference(discrete_data, continuous_data, cat_table, sub_table, ind_table, W1, b1, W2, b2):
    # project = (discrete_data, continuous_data); unpack along dim 0
    category = discrete_data[0]
    sub_category = discrete_data[1]
    industry = discrete_data[2]
    average_score = continuous_data[0]
    client_feedback = continuous_data[1]
    total_awards_and_tips = continuous_data[2]
    fc_input = jnp.concatenate([
        cat_table[category],            # embedding lookup -> [DIM]
        sub_table[sub_category],        # embedding lookup -> [DIM]
        ind_table[industry],            # embedding lookup -> [DIM]
        average_score.reshape(-1),      # [1]
        client_feedback.reshape(-1),    # [1]
        total_awards_and_tips.reshape(-1),  # [1]
    ], axis=-1)                          # [DIM*3 + 3]
    h = jnp.maximum(fc_input @ W1.T + b1, 0.0)
    fc_out = h @ W2.T + b2
    return fc_out

if __name__ == "__main__":
    import jax
    _d = setup_inputs()
    print(jax.jit(kernel)(*tuple(_d.values())))

</pallas_src>

<mosaic_0001>
#map = affine_map<(d0, d1) -> (0)>
#map1 = affine_map<(d0, d1) -> (0, 0)>
#map2 = affine_map<(d0, d1) -> (0, 0, 0)>
module attributes {stable_mosaic.version = 14 : i64} {
  func.func @sc_kernel(%arg0: i32, %arg1: i32, %arg2: memref<3xi32, #tpu.memory_space<hbm>>, %arg3: memref<1x128xf32, #tpu.memory_space<hbm>>, %arg4: memref<1000x128xf32, #tpu.memory_space<hbm>>, %arg5: memref<100000x128xf32, #tpu.memory_space<hbm>>, %arg6: memref<1000x128xf32, #tpu.memory_space<hbm>>, %arg7: memref<512x387xf32, #tpu.memory_space<hbm>>, %arg8: memref<32x16xf32, #tpu.memory_space<hbm>>, %arg9: memref<512x128xf32, #tpu.memory_space<hbm>>, %arg10: memref<32x8x16xf32, #tpu.memory_space<hbm>>, %arg11: memref<3xi32, #tpu.memory_space<vmem>>, %arg12: memref<1x128xf32, #tpu.memory_space<vmem>>, %arg13: memref<3x128xf32, #tpu.memory_space<vmem>>, %arg14: memref<3x128xf32, #tpu.memory_space<vmem>>, %arg15: memref<3x128xf32, #tpu.memory_space<vmem>>, %arg16: memref<16x387xf32, #tpu.memory_space<vmem>>, %arg17: memref<32x16xf32, #tpu.memory_space<vmem>>, %arg18: memref<2x16xf32, #tpu.memory_space<vmem>>, %arg19: memref<16x128xf32, #tpu.memory_space<vmem>>, %arg20: memref<1x8x16xf32, #tpu.memory_space<vmem>>, %arg21: memref<!tpu.dma_semaphore, #tpu.memory_space<semaphore_mem>>) attributes {dimension_semantics = [#tpu.dimension_semantics<core_parallel>, #tpu.dimension_semantics<subcore_parallel>], iteration_bounds = array<i64: 2, 16>, scalar_prefetch = 0 : i64, scratch_operands = 11 : i64, tpu.core_type = #tpu.core_type<sc_vector_subcore>, window_params = [{transform_indices = #map}, {transform_indices = #map1}, {transform_indices = #map1}, {transform_indices = #map1}, {transform_indices = #map1}, {transform_indices = #map1}, {transform_indices = #map1}, {transform_indices = #map1}, {transform_indices = #map2}]} {
    %mul3A = arith.constant 2 : i32
    %mul3A_0 = arith.muli %arg1, %mul3A : i32
    %add3A = arith.addi %mul3A_0, %arg0 : i32
    "tpu.region"() ({
      %run_scoped3A = tpu.sem_alloc : memref<!tpu.dma_semaphore, #tpu.memory_space<semaphore_mem>>
      tpu.enqueue_dma source(%arg2 : memref<3xi32, #tpu.memory_space<hbm>>) target(%arg11 : memref<3xi32, #tpu.memory_space<vmem>>) target_semaphore(%run_scoped3A : memref<!tpu.dma_semaphore, #tpu.memory_space<semaphore_mem>>)
      tpu.wait_dma2 semaphore(%run_scoped3A : memref<!tpu.dma_semaphore, #tpu.memory_space<semaphore_mem>>) src(%arg2 : memref<3xi32, #tpu.memory_space<hbm>>) dst(%arg11 : memref<3xi32, #tpu.memory_space<vmem>>)
      tpu.yield
    }) : () -> ()
    "tpu.region"() ({
      %run_scoped3A = tpu.sem_alloc : memref<!tpu.dma_semaphore, #tpu.memory_space<semaphore_mem>>
      tpu.enqueue_dma source(%arg3 : memref<1x128xf32, #tpu.memory_space<hbm>>) target(%arg12 : memref<1x128xf32, #tpu.memory_space<vmem>>) target_semaphore(%run_scoped3A : memref<!tpu.dma_semaphore, #tpu.memory_space<semaphore_mem>>)
      tpu.wait_dma2 semaphore(%run_scoped3A : memref<!tpu.dma_semaphore, #tpu.memory_space<semaphore_mem>>) src(%arg3 : memref<1x128xf32, #tpu.memory_space<hbm>>) dst(%arg12 : memref<1x128xf32, #tpu.memory_space<vmem>>)
      tpu.yield
    }) : () -> ()
    %dma_start3A = arith.constant 0 : i32
    %dma_start3A_1 = arith.constant 0 : i32
    %dma_start3A_2 = tpu.memref_slice %arg4[%dma_start3A, %dma_start3A_1] : memref<1000x128xf32, #tpu.memory_space<hbm>> -> memref<1000x128xf32, #tpu.memory_space<hbm>>
    tpu.enqueue_indirect_dma source(%dma_start3A_2 : memref<1000x128xf32, #tpu.memory_space<hbm>>) target(%arg13 : memref<3x128xf32, #tpu.memory_space<vmem>>) offsets(%arg11 : memref<3xi32, #tpu.memory_space<vmem>>) semaphore(%arg21 : memref<!tpu.dma_semaphore, #tpu.memory_space<semaphore_mem>>)
    %dma_wait3A = arith.constant 0 : i32
    %dma_wait3A_3 = arith.constant 0 : i32
    %dma_wait3A_4 = tpu.memref_slice %arg4[%dma_wait3A, %dma_wait3A_3] : memref<1000x128xf32, #tpu.memory_space<hbm>> -> memref<1000x128xf32, #tpu.memory_space<hbm>>
    tpu.wait_indirect_dma semaphore(%arg21 : memref<!tpu.dma_semaphore, #tpu.memory_space<semaphore_mem>>) src(%dma_wait3A_4 : memref<1000x128xf32, #tpu.memory_space<hbm>>) dst(%arg13 : memref<3x128xf32, #tpu.memory_space<vmem>>)
    %dma_start3A_5 = arith.constant 0 : i32
    %dma_start3A_6 = arith.constant 0 : i32
    %dma_start3A_7 = tpu.memref_slice %arg5[%dma_start3A_5, %dma_start3A_6] : memref<100000x128xf32, #tpu.memory_space<hbm>> -> memref<100000x128xf32, #tpu.memory_space<hbm>>
    tpu.enqueue_indirect_dma source(%dma_start3A_7 : memref<100000x128xf32, #tpu.memory_space<hbm>>) target(%arg14 : memref<3x128xf32, #tpu.memory_space<vmem>>) offsets(%arg11 : memref<3xi32, #tpu.memory_space<vmem>>) semaphore(%arg21 : memref<!tpu.dma_semaphore, #tpu.memory_space<semaphore_mem>>)
    %dma_wait3A_8 = arith.constant 0 : i32
    %dma_wait3A_9 = arith.constant 0 : i32
    %dma_wait3A_10 = tpu.memref_slice %arg5[%dma_wait3A_8, %dma_wait3A_9] : memref<100000x128xf32, #tpu.memory_space<hbm>> -> memref<100000x128xf32, #tpu.memory_space<hbm>>
    tpu.wait_indirect_dma semaphore(%arg21 : memref<!tpu.dma_semaphore, #tpu.memory_space<semaphore_mem>>) src(%dma_wait3A_10 : memref<100000x128xf32, #tpu.memory_space<hbm>>) dst(%arg14 : memref<3x128xf32, #tpu.memory_space<vmem>>)
    %dma_start3A_11 = arith.constant 0 : i32
    %dma_start3A_12 = arith.constant 0 : i32
    %dma_start3A_13 = tpu.memref_slice %arg6[%dma_start3A_11, %dma_start3A_12] : memref<1000x128xf32, #tpu.memory_space<hbm>> -> memref<1000x128xf32, #tpu.memory_space<hbm>>
    tpu.enqueue_indirect_dma source(%dma_start3A_13 : memref<1000x128xf32, #tpu.memory_space<hbm>>) target(%arg15 : memref<3x128xf32, #tpu.memory_space<vmem>>) offsets(%arg11 : memref<3xi32, #tpu.memory_space<vmem>>) semaphore(%arg21 : memref<!tpu.dma_semaphore, #tpu.memory_space<semaphore_mem>>)
    %dma_wait3A_14 = arith.constant 0 : i32
    %dma_wait3A_15 = arith.constant 0 : i32
    %dma_wait3A_16 = tpu.memref_slice %arg6[%dma_wait3A_14, %dma_wait3A_15] : memref<1000x128xf32, #tpu.memory_space<hbm>> -> memref<1000x128xf32, #tpu.memory_space<hbm>>
    tpu.wait_indirect_dma semaphore(%arg21 : memref<!tpu.dma_semaphore, #tpu.memory_space<semaphore_mem>>) src(%dma_wait3A_16 : memref<1000x128xf32, #tpu.memory_space<hbm>>) dst(%arg15 : memref<3x128xf32, #tpu.memory_space<vmem>>)
    %mul3A_17 = arith.constant 16 : i32
    %mul3A_18 = arith.muli %add3A, %mul3A_17 : i32
    "tpu.region"() ({
      %run_scoped3A = tpu.sem_alloc : memref<!tpu.dma_semaphore, #tpu.memory_space<semaphore_mem>>
      %dma_start3A_1804 = arith.constant 0 : i32
      %dma_start3A_1805 = tpu.memref_slice %arg7[%mul3A_18, %dma_start3A_1804] : memref<512x387xf32, #tpu.memory_space<hbm>> -> memref<16x387xf32, #tpu.memory_space<hbm>>
      %dma_start3A_1806 = arith.constant 0 : i32
      %dma_start3A_1807 = tpu.memref_slice %arg7[%mul3A_18, %dma_start3A_1806] : memref<512x387xf32, #tpu.memory_space<hbm>> -> memref<16x387xf32, #tpu.memory_space<hbm>>
      tpu.enqueue_dma source(%dma_start3A_1807 : memref<16x387xf32, #tpu.memory_space<hbm>>) target(%arg16 : memref<16x387xf32, #tpu.memory_space<vmem>>) target_semaphore(%run_scoped3A : memref<!tpu.dma_semaphore, #tpu.memory_space<semaphore_mem>>)
      %dma_wait3A_1808 = arith.constant 0 : i32
      %dma_wait3A_1809 = tpu.memref_slice %arg7[%mul3A_18, %dma_wait3A_1808] : memref<512x387xf32, #tpu.memory_space<hbm>> -> memref<16x387xf32, #tpu.memory_space<hbm>>
      %dma_wait3A_1810 = arith.constant 0 : i32
      %dma_wait3A_1811 = tpu.memref_slice %arg7[%mul3A_18, %dma_wait3A_1810] : memref<512x387xf32, #tpu.memory_space<hbm>> -> memref<16x387xf32, #tpu.memory_space<hbm>>
      tpu.wait_dma2 semaphore(%run_scoped3A : memref<!tpu.dma_semaphore, #tpu.memory_space<semaphore_mem>>) src(%dma_wait3A_1811 : memref<16x387xf32, #tpu.memory_space<hbm>>) dst(%arg16 : memref<16x387xf32, #tpu.memory_space<vmem>>)
      tpu.yield
    }) : () -> ()
    "tpu.region"() ({
      %run_scoped3A = tpu.sem_alloc : memref<!tpu.dma_semaphore, #tpu.memory_space<semaphore_mem>>
      tpu.enqueue_dma source(%arg8 : memref<32x16xf32, #tpu.memory_space<hbm>>) target(%arg17 : memref<32x16xf32, #tpu.memory_space<vmem>>) target_semaphore(%run_scoped3A : memref<!tpu.dma_semaphore, #tpu.memory_space<semaphore_mem>>)
      tpu.wait_dma2 semaphore(%run_scoped3A : memref<!tpu.dma_semaphore, #tpu.memory_space<semaphore_mem>>) src(%arg8 : memref<32x16xf32, #tpu.memory_space<hbm>>) dst(%arg17 : memref<32x16xf32, #tpu.memory_space<vmem>>)
      tpu.yield
    }) : () -> ()
    %mul3A_19 = arith.constant 16 : i32
    %mul3A_20 = arith.muli %add3A, %mul3A_19 : i32
    "tpu.region"() ({
      %run_scoped3A = tpu.sem_alloc : memref<!tpu.dma_semaphore, #tpu.memory_space<semaphore_mem>>
      %dma_start3A_1804 = arith.constant 0 : i32
      %dma_start3A_1805 = tpu.memref_slice %arg9[%mul3A_20, %dma_start3A_1804] : memref<512x128xf32, #tpu.memory_space<hbm>> -> memref<16x128xf32, #tpu.memory_space<hbm>>
      %dma_start3A_1806 = arith.constant 0 : i32
      %dma_start3A_1807 = tpu.memref_slice %arg9[%mul3A_20, %dma_start3A_1806] : memref<512x128xf32, #tpu.memory_space<hbm>> -> memref<16x128xf32, #tpu.memory_space<hbm>>
      tpu.enqueue_dma source(%dma_start3A_1807 : memref<16x128xf32, #tpu.memory_space<hbm>>) target(%arg19 : memref<16x128xf32, #tpu.memory_space<vmem>>) target_semaphore(%run_scoped3A : memref<!tpu.dma_semaphore, #tpu.memory_space<semaphore_mem>>)
      %dma_wait3A_1808 = arith.constant 0 : i32
      %dma_wait3A_1809 = tpu.memref_slice %arg9[%mul3A_20, %dma_wait3A_1808] : memref<512x128xf32, #tpu.memory_space<hbm>> -> memref<16x128xf32, #tpu.memory_space<hbm>>
      %dma_wait3A_1810 = arith.constant 0 : i32
      %dma_wait3A_1811 = tpu.memref_slice %arg9[%mul3A_20, %dma_wait3A_1810] : memref<512x128xf32, #tpu.memory_space<hbm>> -> memref<16x128xf32, #tpu.memory_space<hbm>>
      tpu.wait_dma2 semaphore(%run_scoped3A : memref<!tpu.dma_semaphore, #tpu.memory_space<semaphore_mem>>) src(%dma_wait3A_1811 : memref<16x128xf32, #tpu.memory_space<hbm>>) dst(%arg19 : memref<16x128xf32, #tpu.memory_space<vmem>>)
      tpu.yield
    }) : () -> ()
    %iota3A = tpu.iota {dimensions = array<i32: 0>} : vector<16xi32>
    %broadcast_in_dim3A = arith.constant 0.000000e+00 : f32
    %broadcast_in_dim3A_21 = vector.broadcast %broadcast_in_dim3A : f32 to vector<16xf32>
    %scan3A = arith.constant 0 : i32
    %scan3A_22 = arith.constant 128 : i32
    %scan3A_23 = arith.addi %scan3A, %scan3A_22 : i32
    %scan3A_24 = arith.constant 1 : i32
    %scan3A_25 = scf.for %scan3A_1804 = %scan3A to %scan3A_23 step %scan3A_24 iter_args(%scan3A_1805 = %broadcast_in_dim3A_21) -> (vector<16xf32>)  : i32 {
      %broadcast_in_dim3A_1806 = arith.constant 0 : i32
      %broadcast_in_dim3A_1807 = vector.broadcast %broadcast_in_dim3A_1806 : i32 to vector<16xi32>
      %broadcast_in_dim3A_1808 = vector.broadcast %scan3A_1804 : i32 to vector<16xi32>
      %gather3A_1809 = tpu.vector_load_idx %arg13[%broadcast_in_dim3A_1807, %broadcast_in_dim3A_1808] : memref<3x128xf32, #tpu.memory_space<vmem>>[vector<16xi32>, vector<16xi32>], vector<16xf32>,
      %add3A_1810 = arith.constant 0 : i32
      %add3A_1811 = arith.addi %add3A_1810, %scan3A_1804 : i32
      %broadcast_in_dim3A_1812 = vector.broadcast %add3A_1811 : i32 to vector<16xi32>
      %gather3A_1813 = tpu.vector_load_idx %arg16[%iota3A, %broadcast_in_dim3A_1812] : memref<16x387xf32, #tpu.memory_space<vmem>>[vector<16xi32>, vector<16xi32>], vector<16xf32>,
      %mul3A_1814 = arith.mulf %gather3A_1809, %gather3A_1813 : vector<16xf32>
      %add3A_1815 = arith.addf %scan3A_1805, %mul3A_1814 : vector<16xf32>
      scf.yield %add3A_1815 : vector<16xf32>
    }
    %scan3A_26 = arith.constant 128 : i32
    %scan3A_27 = arith.constant 0 : i32
    %scan3A_28 = arith.constant 128 : i32
    %scan3A_29 = arith.addi %scan3A_27, %scan3A_28 : i32
    %scan3A_30 = arith.constant 1 : i32
    %scan3A_31 = scf.for %scan3A_1804 = %scan3A_27 to %scan3A_29 step %scan3A_30 iter_args(%scan3A_1805 = %scan3A_25) -> (vector<16xf32>)  : i32 {
      %broadcast_in_dim3A_1806 = arith.constant 1 : i32
      %broadcast_in_dim3A_1807 = vector.broadcast %broadcast_in_dim3A_1806 : i32 to vector<16xi32>
      %broadcast_in_dim3A_1808 = vector.broadcast %scan3A_1804 : i32 to vector<16xi32>
      %gather3A_1809 = tpu.vector_load_idx %arg14[%broadcast_in_dim3A_1807, %broadcast_in_dim3A_1808] : memref<3x128xf32, #tpu.memory_space<vmem>>[vector<16xi32>, vector<16xi32>], vector<16xf32>,
      %add3A_1810 = arith.constant 128 : i32
      %add3A_1811 = arith.addi %add3A_1810, %scan3A_1804 : i32
      %broadcast_in_dim3A_1812 = vector.broadcast %add3A_1811 : i32 to vector<16xi32>
      %gather3A_1813 = tpu.vector_load_idx %arg16[%iota3A, %broadcast_in_dim3A_1812] : memref<16x387xf32, #tpu.memory_space<vmem>>[vector<16xi32>, vector<16xi32>], vector<16xf32>,
      %mul3A_1814 = arith.mulf %gather3A_1809, %gather3A_1813 : vector<16xf32>
      %add3A_1815 = arith.addf %scan3A_1805, %mul3A_1814 : vector<16xf32>
      scf.yield %add3A_1815 : vector<16xf32>
    }
    %scan3A_32 = arith.constant 128 : i32
    %scan3A_33 = arith.constant 0 : i32
    %scan3A_34 = arith.constant 128 : i32
    %scan3A_35 = arith.addi %scan3A_33, %scan3A_34 : i32
    %scan3A_36 = arith.constant 1 : i32
    %scan3A_37 = scf.for %scan3A_1804 = %scan3A_33 to %scan3A_35 step %scan3A_36 iter_args(%scan3A_1805 = %scan3A_31) -> (vector<16xf32>)  : i32 {
      %broadcast_in_dim3A_1806 = arith.constant 2 : i32
      %broadcast_in_dim3A_1807 = vector.broadcast %broadcast_in_dim3A_1806 : i32 to vector<16xi32>
      %broadcast_in_dim3A_1808 = vector.broadcast %scan3A_1804 : i32 to vector<16xi32>
      %gather3A_1809 = tpu.vector_load_idx %arg15[%broadcast_in_dim3A_1807, %broadcast_in_dim3A_1808] : memref<3x128xf32, #tpu.memory_space<vmem>>[vector<16xi32>, vector<16xi32>], vector<16xf32>,
      %add3A_1810 = arith.constant 256 : i32
      %add3A_1811 = arith.addi %add3A_1810, %scan3A_1804 : i32
      %broadcast_in_dim3A_1812 = vector.broadcast %add3A_1811 : i32 to vector<16xi32>
      %gather3A_1813 = tpu.vector_load_idx %arg16[%iota3A, %broadcast_in_dim3A_1812] : memref<16x387xf32, #tpu.memory_space<vmem>>[vector<16xi32>, vector<16xi32>], vector<16xf32>,
      %mul3A_1814 = arith.mulf %gather3A_1809, %gather3A_1813 : vector<16xf32>
      %add3A_1815 = arith.addf %scan3A_1805, %mul3A_1814 : vector<16xf32>
      scf.yield %add3A_1815 : vector<16xf32>
    }
    %scan3A_38 = arith.constant 128 : i32
    %broadcast_in_dim3A_39 = arith.constant 0 : i32
    %broadcast_in_dim3A_40 = vector.broadcast %broadcast_in_dim3A_39 : i32 to vector<16xi32>
    %broadcast_in_dim3A_41 = arith.constant 8 : i32
    %broadcast_in_dim3A_42 = vector.broadcast %broadcast_in_dim3A_41 : i32 to vector<16xi32>
    %gather3A = tpu.vector_load_idx %arg12[%broadcast_in_dim3A_40, %broadcast_in_dim3A_42] : memref<1x128xf32, #tpu.memory_space<vmem>>[vector<16xi32>, vector<16xi32>], vector<16xf32>,
    %broadcast_in_dim3A_43 = arith.constant 384 : i32
    %broadcast_in_dim3A_44 = vector.broadcast %broadcast_in_dim3A_43 : i32 to vector<16xi32>
    %gather3A_45 = tpu.vector_load_idx %arg16[%iota3A, %broadcast_in_dim3A_44] : memref<16x387xf32, #tpu.memory_space<vmem>>[vector<16xi32>, vector<16xi32>], vector<16xf32>,
    %mul3A_46 = arith.mulf %gather3A, %gather3A_45 : vector<16xf32>
    %add3A_47 = arith.addf %scan3A_37, %mul3A_46 : vector<16xf32>
    %broadcast_in_dim3A_48 = arith.constant 0 : i32
    %broadcast_in_dim3A_49 = vector.broadcast %broadcast_in_dim3A_48 : i32 to vector<16xi32>
    %broadcast_in_dim3A_50 = arith.constant 9 : i32
    %broadcast_in_dim3A_51 = vector.broadcast %broadcast_in_dim3A_50 : i32 to vector<16xi32>
    %gather3A_52 = tpu.vector_load_idx %arg12[%broadcast_in_dim3A_49, %broadcast_in_dim3A_51] : memref<1x128xf32, #tpu.memory_space<vmem>>[vector<16xi32>, vector<16xi32>], vector<16xf32>,
    %broadcast_in_dim3A_53 = arith.constant 385 : i32
    %broadcast_in_dim3A_54 = vector.broadcast %broadcast_in_dim3A_53 : i32 to vector<16xi32>
    %gather3A_55 = tpu.vector_load_idx %arg16[%iota3A, %broadcast_in_dim3A_54] : memref<16x387xf32, #tpu.memory_space<vmem>>[vector<16xi32>, vector<16xi32>], vector<16xf32>,
    %mul3A_56 = arith.mulf %gather3A_52, %gather3A_55 : vector<16xf32>
    %add3A_57 = arith.addf %add3A_47, %mul3A_56 : vector<16xf32>
    %broadcast_in_dim3A_58 = arith.constant 0 : i32
    %broadcast_in_dim3A_59 = vector.broadcast %broadcast_in_dim3A_58 : i32 to vector<16xi32>
    %broadcast_in_dim3A_60 = arith.constant 10 : i32
    %broadcast_in_dim3A_61 = vector.broadcast %broadcast_in_dim3A_60 : i32 to vector<16xi32>
    %gather3A_62 = tpu.vector_load_idx %arg12[%broadcast_in_dim3A_59, %broadcast_in_dim3A_61] : memref<1x128xf32, #tpu.memory_space<vmem>>[vector<16xi32>, vector<16xi32>], vector<16xf32>,
    %broadcast_in_dim3A_63 = arith.constant 386 : i32
    %broadcast_in_dim3A_64 = vector.broadcast %broadcast_in_dim3A_63 : i32 to vector<16xi32>
    %gather3A_65 = tpu.vector_load_idx %arg16[%iota3A, %broadcast_in_dim3A_64] : memref<16x387xf32, #tpu.memory_space<vmem>>[vector<16xi32>, vector<16xi32>], vector<16xf32>,
    %mul3A_66 = arith.mulf %gather3A_62, %gather3A_65 : vector<16xf32>
    %add3A_67 = arith.addf %add3A_57, %mul3A_66 : vector<16xf32>
    %get3A = arith.index_cast %add3A : i32 to index
    %get3A_68 = arith.constant 0 : index
    %get3A_69 = tpu.vector_load %arg17[%get3A, %get3A_68] {strides = array<i32>} : memref<32x16xf32, #tpu.memory_space<vmem>>, vector<16xf32>,
    %add3A_70 = arith.addf %add3A_67, %get3A_69 : vector<16xf32>
    %max3A = arith.constant 0.000000e+00 : f32
    %max3A_71 = vector.broadcast %max3A : f32 to vector<16xf32>
    %max3A_72 = arith.maximumf %add3A_70, %max3A_71 : vector<16xf32>
    %swap3A = arith.constant 1 : i32
    %swap3A_73 = arith.index_cast %swap3A : i32 to index
    %swap3A_74 = arith.constant 0 : index
    %swap3A_75 = tpu.vector_load %arg18[%swap3A_73, %swap3A_74] {strides = array<i32>} : memref<2x16xf32, #tpu.memory_space<vmem>>, vector<16xf32>,
    tpu.vector_store %arg18[%swap3A_73, %swap3A_74], %max3A_72 {strides = array<i32>} : memref<2x16xf32, #tpu.memory_space<vmem>>, vector<16xf32>,
    %broadcast_in_dim3A_76 = arith.constant 0.000000e+00 : f32
    %broadcast_in_dim3A_77 = vector.broadcast %broadcast_in_dim3A_76 : f32 to vector<16xf32>
    %broadcast_in_dim3A_78 = arith.constant 1 : i32
    %broadcast_in_dim3A_79 = vector.broadcast %broadcast_in_dim3A_78 : i32 to vector<16xi32>
    %broadcast_in_dim3A_80 = arith.constant 0 : i32
    %broadcast_in_dim3A_81 = vector.broadcast %broadcast_in_dim3A_80 : i32 to vector<16xi32>
    %gather3A_82 = tpu.vector_load_idx %arg18[%broadcast_in_dim3A_79, %broadcast_in_dim3A_81] : memref<2x16xf32, #tpu.memory_space<vmem>>[vector<16xi32>, vector<16xi32>], vector<16xf32>,
    %broadcast_in_dim3A_83 = arith.constant 0 : i32
    %broadcast_in_dim3A_84 = vector.broadcast %broadcast_in_dim3A_83 : i32 to vector<16xi32>
    %add3A_85 = arith.constant 0 : i32
    %add3A_86 = vector.broadcast %add3A_85 : i32 to vector<16xi32>
    %add3A_87 = arith.addi %iota3A, %add3A_86 : vector<16xi32>
    %gather3A_88 = tpu.vector_load_idx %arg19[%broadcast_in_dim3A_84, %add3A_87] : memref<16x128xf32, #tpu.memory_space<vmem>>[vector<16xi32>, vector<16xi32>], vector<16xf32>,
    %mul3A_89 = arith.mulf %gather3A_82, %gather3A_88 : vector<16xf32>
    %add3A_90 = arith.addf %broadcast_in_dim3A_77, %mul3A_89 : vector<16xf32>
    %broadcast_in_dim3A_91 = arith.constant 1 : i32
    %broadcast_in_dim3A_92 = vector.broadcast %broadcast_in_dim3A_91 : i32 to vector<16xi32>
    %broadcast_in_dim3A_93 = arith.constant 1 : i32
    %broadcast_in_dim3A_94 = vector.broadcast %broadcast_in_dim3A_93 : i32 to vector<16xi32>
    %gather3A_95 = tpu.vector_load_idx %arg18[%broadcast_in_dim3A_92, %broadcast_in_dim3A_94] : memref<2x16xf32, #tpu.memory_space<vmem>>[vector<16xi32>, vector<16xi32>], vector<16xf32>,
    %broadcast_in_dim3A_96 = arith.constant 1 : i32
    %broadcast_in_dim3A_97 = vector.broadcast %broadcast_in_dim3A_96 : i32 to vector<16xi32>
    %add3A_98 = arith.constant 0 : i32
    %add3A_99 = vector.broadcast %add3A_98 : i32 to vector<16xi32>
    %add3A_100 = arith.addi %iota3A, %add3A_99 : vector<16xi32>
    %gather3A_101 = tpu.vector_load_idx %arg19[%broadcast_in_dim3A_97, %add3A_100] : memref<16x128xf32, #tpu.memory_space<vmem>>[vector<16xi32>, vector<16xi32>], vector<16xf32>,
    %mul3A_102 = arith.mulf %gather3A_95, %gather3A_101 : vector<16xf32>
    %add3A_103 = arith.addf %add3A_90, %mul3A_102 : vector<16xf32>
    %broadcast_in_dim3A_104 = arith.constant 1 : i32
    %broadcast_in_dim3A_105 = vector.broadcast %broadcast_in_dim3A_104 : i32 to vector<16xi32>
    %broadcast_in_dim3A_106 = arith.constant 2 : i32
    %broadcast_in_dim3A_107 = vector.broadcast %broadcast_in_dim3A_106 : i32 to vector<16xi32>
    %gather3A_108 = tpu.vector_load_idx %arg18[%broadcast_in_dim3A_105, %broadcast_in_dim3A_107] : memref<2x16xf32, #tpu.memory_space<vmem>>[vector<16xi32>, vector<16xi32>], vector<16xf32>,
    %broadcast_in_dim3A_109 = arith.constant 2 : i32
    %broadcast_in_dim3A_110 = vector.broadcast %broadcast_in_dim3A_109 : i32 to vector<16xi32>
    %add3A_111 = arith.constant 0 : i32
    %add3A_112 = vector.broadcast %add3A_111 : i32 to vector<16xi32>
    %add3A_113 = arith.addi %iota3A, %add3A_112 : vector<16xi32>
    %gather3A_114 = tpu.vector_load_idx %arg19[%broadcast_in_dim3A_110, %add3A_113] : memref<16x128xf32, #tpu.memory_space<vmem>>[vector<16xi32>, vector<16xi32>], vector<16xf32>,
    %mul3A_115 = arith.mulf %gather3A_108, %gather3A_114 : vector<16xf32>
    %add3A_116 = arith.addf %add3A_103, %mul3A_115 : vector<16xf32>
    %broadcast_in_dim3A_117 = arith.constant 1 : i32
    %broadcast_in_dim3A_118 = vector.broadcast %broadcast_in_dim3A_117 : i32 to vector<16xi32>
    %broadcast_in_dim3A_119 = arith.constant 3 : i32
    %broadcast_in_dim3A_120 = vector.broadcast %broadcast_in_dim3A_119 : i32 to vector<16xi32>
    %gather3A_121 = tpu.vector_load_idx %arg18[%broadcast_in_dim3A_118, %broadcast_in_dim3A_120] : memref<2x16xf32, #tpu.memory_space<vmem>>[vector<16xi32>, vector<16xi32>], vector<16xf32>,
    %broadcast_in_dim3A_122 = arith.constant 3 : i32
    %broadcast_in_dim3A_123 = vector.broadcast %broadcast_in_dim3A_122 : i32 to vector<16xi32>
    %add3A_124 = arith.constant 0 : i32
    %add3A_125 = vector.broadcast %add3A_124 : i32 to vector<16xi32>
    %add3A_126 = arith.addi %iota3A, %add3A_125 : vector<16xi32>
    %gather3A_127 = tpu.vector_load_idx %arg19[%broadcast_in_dim3A_123, %add3A_126] : memref<16x128xf32, #tpu.memory_space<vmem>>[vector<16xi32>, vector<16xi32>], vector<16xf32>,
    %mul3A_128 = arith.mulf %gather3A_121, %gather3A_127 : vector<16xf32>
    %add3A_129 = arith.addf %add3A_116, %mul3A_128 : vector<16xf32>
    %broadcast_in_dim3A_130 = arith.constant 1 : i32
    %broadcast_in_dim3A_131 = vector.broadcast %broadcast_in_dim3A_130 : i32 to vector<16xi32>
    %broadcast_in_dim3A_132 = arith.constant 4 : i32
    %broadcast_in_dim3A_133 = vector.broadcast %broadcast_in_dim3A_132 : i32 to vector<16xi32>
    %gather3A_134 = tpu.vector_load_idx %arg18[%broadcast_in_dim3A_131, %broadcast_in_dim3A_133] : memref<2x16xf32, #tpu.memory_space<vmem>>[vector<16xi32>, vector<16xi32>], vector<16xf32>,
    %broadcast_in_dim3A_135 = arith.constant 4 : i32
    %broadcast_in_dim3A_136 = vector.broadcast %broadcast_in_dim3A_135 : i32 to vector<16xi32>
    %add3A_137 = arith.constant 0 : i32
    %add3A_138 = vector.broadcast %add3A_137 : i32 to vector<16xi32>
    %add3A_139 = arith.addi %iota3A, %add3A_138 : vector<16xi32>
    %gather3A_140 = tpu.vector_load_idx %arg19[%broadcast_in_dim3A_136, %add3A_139] : memref<16x128xf32, #tpu.memory_space<vmem>>[vector<16xi32>, vector<16xi32>], vector<16xf32>,
    %mul3A_141 = arith.mulf %gather3A_134, %gather3A_140 : vector<16xf32>
    %add3A_142 = arith.addf %add3A_129, %mul3A_141 : vector<16xf32>
    %broadcast_in_dim3A_143 = arith.constant 1 : i32
    %broadcast_in_dim3A_144 = vector.broadcast %broadcast_in_dim3A_143 : i32 to vector<16xi32>
    %broadcast_in_dim3A_145 = arith.constant 5 : i32
    %broadcast_in_dim3A_146 = vector.broadcast %broadcast_in_dim3A_145 : i32 to vector<16xi32>
    %gather3A_147 = tpu.vector_load_idx %arg18[%broadcast_in_dim3A_144, %broadcast_in_dim3A_146] : memref<2x16xf32, #tpu.memory_space<vmem>>[vector<16xi32>, vector<16xi32>], vector<16xf32>,
    %broadcast_in_dim3A_148 = arith.constant 5 : i32
    %broadcast_in_dim3A_149 = vector.broadcast %broadcast_in_dim3A_148 : i32 to vector<16xi32>
    %add3A_150 = arith.constant 0 : i32
    %add3A_151 = vector.broadcast %add3A_150 : i32 to vector<16xi32>
    %add3A_152 = arith.addi %iota3A, %add3A_151 : vector<16xi32>
    %gather3A_153 = tpu.vector_load_idx %arg19[%broadcast_in_dim3A_149, %add3A_152] : memref<16x128xf32, #tpu.memory_space<vmem>>[vector<16xi32>, vector<16xi32>], vector<16xf32>,
    %mul3A_154 = arith.mulf %gather3A_147, %gather3A_153 : vector<16xf32>
    %add3A_155 = arith.addf %add3A_142, %mul3A_154 : vector<16xf32>
    %broadcast_in_dim3A_156 = arith.constant 1 : i32
    %broadcast_in_dim3A_157 = vector.broadcast %broadcast_in_dim3A_156 : i32 to vector<16xi32>
    %broadcast_in_dim3A_158 = arith.constant 6 : i32
    %broadcast_in_dim3A_159 = vector.broadcast %broadcast_in_dim3A_158 : i32 to vector<16xi32>
    %gather3A_160 = tpu.vector_load_idx %arg18[%broadcast_in_dim3A_157, %broadcast_in_dim3A_159] : memref<2x16xf32, #tpu.memory_space<vmem>>[vector<16xi32>, vector<16xi32>], vector<16xf32>,
    %broadcast_in_dim3A_161 = arith.constant 6 : i32
    %broadcast_in_dim3A_162 = vector.broadcast %broadcast_in_dim3A_161 : i32 to vector<16xi32>
    %add3A_163 = arith.constant 0 : i32
    %add3A_164 = vector.broadcast %add3A_163 : i32 to vector<16xi32>
    %add3A_165 = arith.addi %iota3A, %add3A_164 : vector<16xi32>
    %gather3A_166 = tpu.vector_load_idx %arg19[%broadcast_in_dim3A_162, %add3A_165] : memref<16x128xf32, #tpu.memory_space<vmem>>[vector<16xi32>, vector<16xi32>], vector<16xf32>,
    %mul3A_167 = arith.mulf %gather3A_160, %gather3A_166 : vector<16xf32>
    %add3A_168 = arith.addf %add3A_155, %mul3A_167 : vector<16xf32>
    %broadcast_in_dim3A_169 = arith.constant 1 : i32
    %broadcast_in_dim3A_170 = vector.broadcast %broadcast_in_dim3A_169 : i32 to vector<16xi32>
    %broadcast_in_dim3A_171 = arith.constant 7 : i32
    %broadcast_in_dim3A_172 = vector.broadcast %broadcast_in_dim3A_171 : i32 to vector<16xi32>
    %gather3A_173 = tpu.vector_load_idx %arg18[%broadcast_in_dim3A_170, %broadcast_in_dim3A_172] : memref<2x16xf32, #tpu.memory_space<vmem>>[vector<16xi32>, vector<16xi32>], vector<16xf32>,
    %broadcast_in_dim3A_174 = arith.constant 7 : i32
    %broadcast_in_dim3A_175 = vector.broadcast %broadcast_in_dim3A_174 : i32 to vector<16xi32>
    %add3A_176 = arith.constant 0 : i32
    %add3A_177 = vector.broadcast %add3A_176 : i32 to vector<16xi32>
    %add3A_178 = arith.addi %iota3A, %add3A_177 : vector<16xi32>
    %gather3A_179 = tpu.vector_load_idx %arg19[%broadcast_in_dim3A_175, %add3A_178] : memref<16x128xf32, #tpu.memory_space<vmem>>[vector<16xi32>, vector<16xi32>], vector<16xf32>,
    %mul3A_180 = arith.mulf %gather3A_173, %gather3A_179 : vector<16xf32>
    %add3A_181 = arith.addf %add3A_168, %mul3A_180 : vector<16xf32>
    %broadcast_in_dim3A_182 = arith.constant 1 : i32
    %broadcast_in_dim3A_183 = vector.broadcast %broadcast_in_dim3A_182 : i32 to vector<16xi32>
    %broadcast_in_dim3A_184 = arith.constant 8 : i32
    %broadcast_in_dim3A_185 = vector.broadcast %broadcast_in_dim3A_184 : i32 to vector<16xi32>
    %gather3A_186 = tpu.vector_load_idx %arg18[%broadcast_in_dim3A_183, %broadcast_in_dim3A_185] : memref<2x16xf32, #tpu.memory_space<vmem>>[vector<16xi32>, vector<16xi32>], vector<16xf32>,
    %broadcast_in_dim3A_187 = arith.constant 8 : i32
    %broadcast_in_dim3A_188 = vector.broadcast %broadcast_in_dim3A_187 : i32 to vector<16xi32>
    %add3A_189 = arith.constant 0 : i32
    %add3A_190 = vector.broadcast %add3A_189 : i32 to vector<16xi32>
    %add3A_191 = arith.addi %iota3A, %add3A_190 : vector<16xi32>
    %gather3A_192 = tpu.vector_load_idx %arg19[%broadcast_in_dim3A_188, %add3A_191] : memref<16x128xf32, #tpu.memory_space<vmem>>[vector<16xi32>, vector<16xi32>], vector<16xf32>,
    %mul3A_193 = arith.mulf %gather3A_186, %gather3A_192 : vector<16xf32>
    %add3A_194 = arith.addf %add3A_181, %mul3A_193 : vector<16xf32>
    %broadcast_in_dim3A_195 = arith.constant 1 : i32
    %broadcast_in_dim3A_196 = vector.broadcast %broadcast_in_dim3A_195 : i32 to vector<16xi32>
    %broadcast_in_dim3A_197 = arith.constant 9 : i32
    %broadcast_in_dim3A_198 = vector.broadcast %broadcast_in_dim3A_197 : i32 to vector<16xi32>
    %gather3A_199 = tpu.vector_load_idx %arg18[%broadcast_in_dim3A_196, %broadcast_in_dim3A_198] : memref<2x16xf32, #tpu.memory_space<vmem>>[vector<16xi32>, vector<16xi32>], vector<16xf32>,
    %broadcast_in_dim3A_200 = arith.constant 9 : i32
    %broadcast_in_dim3A_201 = vector.broadcast %broadcast_in_dim3A_200 : i32 to vector<16xi32>
    %add3A_202 = arith.constant 0 : i32
    %add3A_203 = vector.broadcast %add3A_202 : i32 to vector<16xi32>
    %add3A_204 = arith.addi %iota3A, %add3A_203 : vector<16xi32>
    %gather3A_205 = tpu.vector_load_idx %arg19[%broadcast_in_dim3A_201, %add3A_204] : memref<16x128xf32, #tpu.memory_space<vmem>>[vector<16xi32>, vector<16xi32>], vector<16xf32>,
    %mul3A_206 = arith.mulf %gather3A_199, %gather3A_205 : vector<16xf32>
    %add3A_207 = arith.addf %add3A_194, %mul3A_206 : vector<16xf32>
    %broadcast_in_dim3A_208 = arith.constant 1 : i32
    %broadcast_in_dim3A_209 = vector.broadcast %broadcast_in_dim3A_208 : i32 to vector<16xi32>
    %broadcast_in_dim3A_210 = arith.constant 10 : i32
    %broadcast_in_dim3A_211 = vector.broadcast %broadcast_in_dim3A_210 : i32 to vector<16xi32>
    %gather3A_212 = tpu.vector_load_idx %arg18[%broadcast_in_dim3A_209, %broadcast_in_dim3A_211] : memref<2x16xf32, #tpu.memory_space<vmem>>[vector<16xi32>, vector<16xi32>], vector<16xf32>,
    %broadcast_in_dim3A_213 = arith.constant 10 : i32
    %broadcast_in_dim3A_214 = vector.broadcast %broadcast_in_dim3A_213 : i32 to vector<16xi32>
    %add3A_215 = arith.constant 0 : i32
    %add3A_216 = vector.broadcast %add3A_215 : i32 to vector<16xi32>
    %add3A_217 = arith.addi %iota3A, %add3A_216 : vector<16xi32>
    %gather3A_218 = tpu.vector_load_idx %arg19[%broadcast_in_dim3A_214, %add3A_217] : memref<16x128xf32, #tpu.memory_space<vmem>>[vector<16xi32>, vector<16xi32>], vector<16xf32>,
    %mul3A_219 = arith.mulf %gather3A_212, %gather3A_218 : vector<16xf32>
    %add3A_220 = arith.addf %add3A_207, %mul3A_219 : vector<16xf32>
    %broadcast_in_dim3A_221 = arith.constant 1 : i32
    %broadcast_in_dim3A_222 = vector.broadcast %broadcast_in_dim3A_221 : i32 to vector<16xi32>
    %broadcast_in_dim3A_223 = arith.constant 11 : i32
    %broadcast_in_dim3A_224 = vector.broadcast %broadcast_in_dim3A_223 : i32 to vector<16xi32>
    %gather3A_225 = tpu.vector_load_idx %arg18[%broadcast_in_dim3A_222, %broadcast_in_dim3A_224] : memref<2x16xf32, #tpu.memory_space<vmem>>[vector<16xi32>, vector<16xi32>], vector<16xf32>,
    %broadcast_in_dim3A_226 = arith.constant 11 : i32
    %broadcast_in_dim3A_227 = vector.broadcast %broadcast_in_dim3A_226 : i32 to vector<16xi32>
    %add3A_228 = arith.constant 0 : i32
    %add3A_229 = vector.broadcast %add3A_228 : i32 to vector<16xi32>
    %add3A_230 = arith.addi %iota3A, %add3A_229 : vector<16xi32>
    %gather3A_231 = tpu.vector_load_idx %arg19[%broadcast_in_dim3A_227, %add3A_230] : memref<16x128xf32, #tpu.memory_space<vmem>>[vector<16xi32>, vector<16xi32>], vector<16xf32>,
    %mul3A_232 = arith.mulf %gather3A_225, %gather3A_231 : vector<16xf32>
    %add3A_233 = arith.addf %add3A_220, %mul3A_232 : vector<16xf32>
    %broadcast_in_dim3A_234 = arith.constant 1 : i32
    %broadcast_in_dim3A_235 = vector.broadcast %broadcast_in_dim3A_234 : i32 to vector<16xi32>
    %broadcast_in_dim3A_236 = arith.constant 12 : i32
    %broadcast_in_dim3A_237 = vector.broadcast %broadcast_in_dim3A_236 : i32 to vector<16xi32>
    %gather3A_238 = tpu.vector_load_idx %arg18[%broadcast_in_dim3A_235, %broadcast_in_dim3A_237] : memref<2x16xf32, #tpu.memory_space<vmem>>[vector<16xi32>, vector<16xi32>], vector<16xf32>,
    %broadcast_in_dim3A_239 = arith.constant 12 : i32
    %broadcast_in_dim3A_240 = vector.broadcast %broadcast_in_dim3A_239 : i32 to vector<16xi32>
    %add3A_241 = arith.constant 0 : i32
    %add3A_242 = vector.broadcast %add3A_241 : i32 to vector<16xi32>
    %add3A_243 = arith.addi %iota3A, %add3A_242 : vector<16xi32>
    %gather3A_244 = tpu.vector_load_idx %arg19[%broadcast_in_dim3A_240, %add3A_243] : memref<16x128xf32, #tpu.memory_space<vmem>>[vector<16xi32>, vector<16xi32>], vector<16xf32>,
    %mul3A_245 = arith.mulf %gather3A_238, %gather3A_244 : vector<16xf32>
    %add3A_246 = arith.addf %add3A_233, %mul3A_245 : vector<16xf32>
    %broadcast_in_dim3A_247 = arith.constant 1 : i32
    %broadcast_in_dim3A_248 = vector.broadcast %broadcast_in_dim3A_247 : i32 to vector<16xi32>
    %broadcast_in_dim3A_249 = arith.constant 13 : i32
    %broadcast_in_dim3A_250 = vector.broadcast %broadcast_in_dim3A_249 : i32 to vector<16xi32>
    %gather3A_251 = tpu.vector_load_idx %arg18[%broadcast_in_dim3A_248, %broadcast_in_dim3A_250] : memref<2x16xf32, #tpu.memory_space<vmem>>[vector<16xi32>, vector<16xi32>], vector<16xf32>,
    %broadcast_in_dim3A_252 = arith.constant 13 : i32
    %broadcast_in_dim3A_253 = vector.broadcast %broadcast_in_dim3A_252 : i32 to vector<16xi32>
    %add3A_254 = arith.constant 0 : i32
    %add3A_255 = vector.broadcast %add3A_254 : i32 to vector<16xi32>
    %add3A_256 = arith.addi %iota3A, %add3A_255 : vector<16xi32>
    %gather3A_257 = tpu.vector_load_idx %arg19[%broadcast_in_dim3A_253, %add3A_256] : memref<16x128xf32, #tpu.memory_space<vmem>>[vector<16xi32>, vector<16xi32>], vector<16xf32>,
    %mul3A_258 = arith.mulf %gather3A_251, %gather3A_257 : vector<16xf32>
    %add3A_259 = arith.addf %add3A_246, %mul3A_258 : vector<16xf32>
    %broadcast_in_dim3A_260 = arith.constant 1 : i32
    %broadcast_in_dim3A_261 = vector.broadcast %broadcast_in_dim3A_260 : i32 to vector<16xi32>
    %broadcast_in_dim3A_262 = arith.constant 14 : i32
    %broadcast_in_dim3A_263 = vector.broadcast %broadcast_in_dim3A_262 : i32 to vector<16xi32>
    %gather3A_264 = tpu.vector_load_idx %arg18[%broadcast_in_dim3A_261, %broadcast_in_dim3A_263] : memref<2x16xf32, #tpu.memory_space<vmem>>[vector<16xi32>, vector<16xi32>], vector<16xf32>,
    %broadcast_in_dim3A_265 = arith.constant 14 : i32
    %broadcast_in_dim3A_266 = vector.broadcast %broadcast_in_dim3A_265 : i32 to vector<16xi32>
    %add3A_267 = arith.constant 0 : i32
    %add3A_268 = vector.broadcast %add3A_267 : i32 to vector<16xi32>
    %add3A_269 = arith.addi %iota3A, %add3A_268 : vector<16xi32>
    %gather3A_270 = tpu.vector_load_idx %arg19[%broadcast_in_dim3A_266, %add3A_269] : memref<16x128xf32, #tpu.memory_space<vmem>>[vector<16xi32>, vector<16xi32>], vector<16xf32>,
    %mul3A_271 = arith.mulf %gather3A_264, %gather3A_270 : vector<16xf32>
    %add3A_272 = arith.addf %add3A_259, %mul3A_271 : vector<16xf32>
    %broadcast_in_dim3A_273 = arith.constant 1 : i32
    %broadcast_in_dim3A_274 = vector.broadcast %broadcast_in_dim3A_273 : i32 to vector<16xi32>
    %broadcast_in_dim3A_275 = arith.constant 15 : i32
    %broadcast_in_dim3A_276 = vector.broadcast %broadcast_in_dim3A_275 : i32 to vector<16xi32>
    %gather3A_277 = tpu.vector_load_idx %arg18[%broadcast_in_dim3A_274, %broadcast_in_dim3A_276] : memref<2x16xf32, #tpu.memory_space<vmem>>[vector<16xi32>, vector<16xi32>], vector<16xf32>,
    %broadcast_in_dim3A_278 = arith.constant 15 : i32
    %broadcast_in_dim3A_279 = vector.broadcast %broadcast_in_dim3A_278 : i32 to vector<16xi32>
    %add3A_280 = arith.constant 0 : i32
    %add3A_281 = vector.broadcast %add3A_280 : i32 to vector<16xi32>
    %add3A_282 = arith.addi %iota3A, %add3A_281 : vector<16xi32>
    %gather3A_283 = tpu.vector_load_idx %arg19[%broadcast_in_dim3A_279, %add3A_282] : memref<16x128xf32, #tpu.memory_space<vmem>>[vector<16xi32>, vector<16xi32>], vector<16xf32>,
    %mul3A_284 = arith.mulf %gather3A_277, %gather3A_283 : vector<16xf32>
    %add3A_285 = arith.addf %add3A_272, %mul3A_284 : vector<16xf32>
    %swap3A_286 = arith.constant 0 : i32
    %swap3A_287 = arith.constant 0 : i32
    %swap3A_288 = arith.index_cast %swap3A_286 : i32 to index
    %swap3A_289 = arith.index_cast %swap3A_287 : i32 to index
    %swap3A_290 = arith.constant 0 : index
    %swap3A_291 = tpu.vector_load %arg20[%swap3A_288, %swap3A_289, %swap3A_290] {strides = array<i32>} : memref<1x8x16xf32, #tpu.memory_space<vmem>>, vector<16xf32>,
    tpu.vector_store %arg20[%swap3A_288, %swap3A_289, %swap3A_290], %add3A_285 {strides = array<i32>} : memref<1x8x16xf32, #tpu.memory_space<vmem>>, vector<16xf32>,
    %broadcast_in_dim3A_292 = arith.constant 0.000000e+00 : f32
    %broadcast_in_dim3A_293 = vector.broadcast %broadcast_in_dim3A_292 : f32 to vector<16xf32>
    %broadcast_in_dim3A_294 = arith.constant 1 : i32
    %broadcast_in_dim3A_295 = vector.broadcast %broadcast_in_dim3A_294 : i32 to vector<16xi32>
    %broadcast_in_dim3A_296 = arith.constant 0 : i32
    %broadcast_in_dim3A_297 = vector.broadcast %broadcast_in_dim3A_296 : i32 to vector<16xi32>
    %gather3A_298 = tpu.vector_load_idx %arg18[%broadcast_in_dim3A_295, %broadcast_in_dim3A_297] : memref<2x16xf32, #tpu.memory_space<vmem>>[vector<16xi32>, vector<16xi32>], vector<16xf32>,
    %broadcast_in_dim3A_299 = arith.constant 0 : i32
    %broadcast_in_dim3A_300 = vector.broadcast %broadcast_in_dim3A_299 : i32 to vector<16xi32>
    %add3A_301 = arith.constant 16 : i32
    %add3A_302 = vector.broadcast %add3A_301 : i32 to vector<16xi32>
    %add3A_303 = arith.addi %iota3A, %add3A_302 : vector<16xi32>
    %gather3A_304 = tpu.vector_load_idx %arg19[%broadcast_in_dim3A_300, %add3A_303] : memref<16x128xf32, #tpu.memory_space<vmem>>[vector<16xi32>, vector<16xi32>], vector<16xf32>,
    %mul3A_305 = arith.mulf %gather3A_298, %gather3A_304 : vector<16xf32>
    %add3A_306 = arith.addf %broadcast_in_dim3A_293, %mul3A_305 : vector<16xf32>
    %broadcast_in_dim3A_307 = arith.constant 1 : i32
    %broadcast_in_dim3A_308 = vector.broadcast %broadcast_in_dim3A_307 : i32 to vector<16xi32>
    %broadcast_in_dim3A_309 = arith.constant 1 : i32
    %broadcast_in_dim3A_310 = vector.broadcast %broadcast_in_dim3A_309 : i32 to vector<16xi32>
    %gather3A_311 = tpu.vector_load_idx %arg18[%broadcast_in_dim3A_308, %broadcast_in_dim3A_310] : memref<2x16xf32, #tpu.memory_space<vmem>>[vector<16xi32>, vector<16xi32>], vector<16xf32>,
    %broadcast_in_dim3A_312 = arith.constant 1 : i32
    %broadcast_in_dim3A_313 = vector.broadcast %broadcast_in_dim3A_312 : i32 to vector<16xi32>
    %add3A_314 = arith.constant 16 : i32
    %add3A_315 = vector.broadcast %add3A_314 : i32 to vector<16xi32>
    %add3A_316 = arith.addi %iota3A, %add3A_315 : vector<16xi32>
    %gather3A_317 = tpu.vector_load_idx %arg19[%broadcast_in_dim3A_313, %add3A_316] : memref<16x128xf32, #tpu.memory_space<vmem>>[vector<16xi32>, vector<16xi32>], vector<16xf32>,
    %mul3A_318 = arith.mulf %gather3A_311, %gather3A_317 : vector<16xf32>
    %add3A_319 = arith.addf %add3A_306, %mul3A_318 : vector<16xf32>
    %broadcast_in_dim3A_320 = arith.constant 1 : i32
    %broadcast_in_dim3A_321 = vector.broadcast %broadcast_in_dim3A_320 : i32 to vector<16xi32>
    %broadcast_in_dim3A_322 = arith.constant 2 : i32
    %broadcast_in_dim3A_323 = vector.broadcast %broadcast_in_dim3A_322 : i32 to vector<16xi32>
    %gather3A_324 = tpu.vector_load_idx %arg18[%broadcast_in_dim3A_321, %broadcast_in_dim3A_323] : memref<2x16xf32, #tpu.memory_space<vmem>>[vector<16xi32>, vector<16xi32>], vector<16xf32>,
    %broadcast_in_dim3A_325 = arith.constant 2 : i32
    %broadcast_in_dim3A_326 = vector.broadcast %broadcast_in_dim3A_325 : i32 to vector<16xi32>
    %add3A_327 = arith.constant 16 : i32
    %add3A_328 = vector.broadcast %add3A_327 : i32 to vector<16xi32>
    %add3A_329 = arith.addi %iota3A, %add3A_328 : vector<16xi32>
    %gather3A_330 = tpu.vector_load_idx %arg19[%broadcast_in_dim3A_326, %add3A_329] : memref<16x128xf32, #tpu.memory_space<vmem>>[vector<16xi32>, vector<16xi32>], vector<16xf32>,
    %mul3A_331 = arith.mulf %gather3A_324, %gather3A_330 : vector<16xf32>
    %add3A_332 = arith.addf %add3A_319, %mul3A_331 : vector<16xf32>
    %broadcast_in_dim3A_333 = arith.constant 1 : i32
    %broadcast_in_dim3A_334 = vector.broadcast %broadcast_in_dim3A_333 : i32 to vector<16xi32>
    %broadcast_in_dim3A_335 = arith.constant 3 : i32
    %broadcast_in_dim3A_336 = vector.broadcast %broadcast_in_dim3A_335 : i32 to vector<16xi32>
    %gather3A_337 = tpu.vector_load_idx %arg18[%broadcast_in_dim3A_334, %broadcast_in_dim3A_336] : memref<2x16xf32, #tpu.memory_space<vmem>>[vector<16xi32>, vector<16xi32>], vector<16xf32>,
    %broadcast_in_dim3A_338 = arith.constant 3 : i32
    %broadcast_in_dim3A_339 = vector.broadcast %broadcast_in_dim3A_338 : i32 to vector<16xi32>
    %add3A_340 = arith.constant 16 : i32
    %add3A_341 = vector.broadcast %add3A_340 : i32 to vector<16xi32>
    %add3A_342 = arith.addi %iota3A, %add3A_341 : vector<16xi32>
    %gather3A_343 = tpu.vector_load_idx %arg19[%broadcast_in_dim3A_339, %add3A_342] : memref<16x128xf32, #tpu.memory_space<vmem>>[vector<16xi32>, vector<16xi32>], vector<16xf32>,
    %mul3A_344 = arith.mulf %gather3A_337, %gather3A_343 : vector<16xf32>
    %add3A_345 = arith.addf %add3A_332, %mul3A_344 : vector<16xf32>
    %broadcast_in_dim3A_346 = arith.constant 1 : i32
    %broadcast_in_dim3A_347 = vector.broadcast %broadcast_in_dim3A_346 : i32 to vector<16xi32>
    %broadcast_in_dim3A_348 = arith.constant 4 : i32
    %broadcast_in_dim3A_349 = vector.broadcast %broadcast_in_dim3A_348 : i32 to vector<16xi32>
    %gather3A_350 = tpu.vector_load_idx %arg18[%broadcast_in_dim3A_347, %broadcast_in_dim3A_349] : memref<2x16xf32, #tpu.memory_space<vmem>>[vector<16xi32>, vector<16xi32>], vector<16xf32>,
    %broadcast_in_dim3A_351 = arith.constant 4 : i32
    %broadcast_in_dim3A_352 = vector.broadcast %broadcast_in_dim3A_351 : i32 to vector<16xi32>
    %add3A_353 = arith.constant 16 : i32
    %add3A_354 = vector.broadcast %add3A_353 : i32 to vector<16xi32>
    %add3A_355 = arith.addi %iota3A, %add3A_354 : vector<16xi32>
    %gather3A_356 = tpu.vector_load_idx %arg19[%broadcast_in_dim3A_352, %add3A_355] : memref<16x128xf32, #tpu.memory_space<vmem>>[vector<16xi32>, vector<16xi32>], vector<16xf32>,
    %mul3A_357 = arith.mulf %gather3A_350, %gather3A_356 : vector<16xf32>
    %add3A_358 = arith.addf %add3A_345, %mul3A_357 : vector<16xf32>
    %broadcast_in_dim3A_359 = arith.constant 1 : i32
    %broadcast_in_dim3A_360 = vector.broadcast %broadcast_in_dim3A_359 : i32 to vector<16xi32>
    %broadcast_in_dim3A_361 = arith.constant 5 : i32
    %broadcast_in_dim3A_362 = vector.broadcast %broadcast_in_dim3A_361 : i32 to vector<16xi32>
    %gather3A_363 = tpu.vector_load_idx %arg18[%broadcast_in_dim3A_360, %broadcast_in_dim3A_362] : memref<2x16xf32, #tpu.memory_space<vmem>>[vector<16xi32>, vector<16xi32>], vector<16xf32>,
    %broadcast_in_dim3A_364 = arith.constant 5 : i32
    %broadcast_in_dim3A_365 = vector.broadcast %broadcast_in_dim3A_364 : i32 to vector<16xi32>
    %add3A_366 = arith.constant 16 : i32
    %add3A_367 = vector.broadcast %add3A_366 : i32 to vector<16xi32>
    %add3A_368 = arith.addi %iota3A, %add3A_367 : vector<16xi32>
    %gather3A_369 = tpu.vector_load_idx %arg19[%broadcast_in_dim3A_365, %add3A_368] : memref<16x128xf32, #tpu.memory_space<vmem>>[vector<16xi32>, vector<16xi32>], vector<16xf32>,
    %mul3A_370 = arith.mulf %gather3A_363, %gather3A_369 : vector<16xf32>
    %add3A_371 = arith.addf %add3A_358, %mul3A_370 : vector<16xf32>
    %broadcast_in_dim3A_372 = arith.constant 1 : i32
    %broadcast_in_dim3A_373 = vector.broadcast %broadcast_in_dim3A_372 : i32 to vector<16xi32>
    %broadcast_in_dim3A_374 = arith.constant 6 : i32
    %broadcast_in_dim3A_375 = vector.broadcast %broadcast_in_dim3A_374 : i32 to vector<16xi32>
    %gather3A_376 = tpu.vector_load_idx %arg18[%broadcast_in_dim3A_373, %broadcast_in_dim3A_375] : memref<2x16xf32, #tpu.memory_space<vmem>>[vector<16xi32>, vector<16xi32>], vector<16xf32>,
    %broadcast_in_dim3A_377 = arith.constant 6 : i32
    %broadcast_in_dim3A_378 = vector.broadcast %broadcast_in_dim3A_377 : i32 to vector<16xi32>
    %add3A_379 = arith.constant 16 : i32
    %add3A_380 = vector.broadcast %add3A_379 : i32 to vector<16xi32>
    %add3A_381 = arith.addi %iota3A, %add3A_380 : vector<16xi32>
    %gather3A_382 = tpu.vector_load_idx %arg19[%broadcast_in_dim3A_378, %add3A_381] : memref<16x128xf32, #tpu.memory_space<vmem>>[vector<16xi32>, vector<16xi32>], vector<16xf32>,
    %mul3A_383 = arith.mulf %gather3A_376, %gather3A_382 : vector<16xf32>
    %add3A_384 = arith.addf %add3A_371, %mul3A_383 : vector<16xf32>
    %broadcast_in_dim3A_385 = arith.constant 1 : i32
    %broadcast_in_dim3A_386 = vector.broadcast %broadcast_in_dim3A_385 : i32 to vector<16xi32>
    %broadcast_in_dim3A_387 = arith.constant 7 : i32
    %broadcast_in_dim3A_388 = vector.broadcast %broadcast_in_dim3A_387 : i32 to vector<16xi32>
    %gather3A_389 = tpu.vector_load_idx %arg18[%broadcast_in_dim3A_386, %broadcast_in_dim3A_388] : memref<2x16xf32, #tpu.memory_space<vmem>>[vector<16xi32>, vector<16xi32>], vector<16xf32>,
    %broadcast_in_dim3A_390 = arith.constant 7 : i32
    %broadcast_in_dim3A_391 = vector.broadcast %broadcast_in_dim3A_390 : i32 to vector<16xi32>
    %add3A_392 = arith.constant 16 : i32
    %add3A_393 = vector.broadcast %add3A_392 : i32 to vector<16xi32>
    %add3A_394 = arith.addi %iota3A, %add3A_393 : vector<16xi32>
    %gather3A_395 = tpu.vector_load_idx %arg19[%broadcast_in_dim3A_391, %add3A_394] : memref<16x128xf32, #tpu.memory_space<vmem>>[vector<16xi32>, vector<16xi32>], vector<16xf32>,
    %mul3A_396 = arith.mulf %gather3A_389, %gather3A_395 : vector<16xf32>
    %add3A_397 = arith.addf %add3A_384, %mul3A_396 : vector<16xf32>
    %broadcast_in_dim3A_398 = arith.constant 1 : i32
    %broadcast_in_dim3A_399 = vector.broadcast %broadcast_in_dim3A_398 : i32 to vector<16xi32>
    %broadcast_in_dim3A_400 = arith.constant 8 : i32
    %broadcast_in_dim3A_401 = vector.broadcast %broadcast_in_dim3A_400 : i32 to vector<16xi32>
    %gather3A_402 = tpu.vector_load_idx %arg18[%broadcast_in_dim3A_399, %broadcast_in_dim3A_401] : memref<2x16xf32, #tpu.memory_space<vmem>>[vector<16xi32>, vector<16xi32>], vector<16xf32>,
    %broadcast_in_dim3A_403 = arith.constant 8 : i32
    %broadcast_in_dim3A_404 = vector.broadcast %broadcast_in_dim3A_403 : i32 to vector<16xi32>
    %add3A_405 = arith.constant 16 : i32
    %add3A_406 = vector.broadcast %add3A_405 : i32 to vector<16xi32>
    %add3A_407 = arith.addi %iota3A, %add3A_406 : vector<16xi32>
    %gather3A_408 = tpu.vector_load_idx %arg19[%broadcast_in_dim3A_404, %add3A_407] : memref<16x128xf32, #tpu.memory_space<vmem>>[vector<16xi32>, vector<16xi32>], vector<16xf32>,
    %mul3A_409 = arith.mulf %gather3A_402, %gather3A_408 : vector<16xf32>
    %add3A_410 = arith.addf %add3A_397, %mul3A_409 : vector<16xf32>
    %broadcast_in_dim3A_411 = arith.constant 1 : i32
    %broadcast_in_dim3A_412 = vector.broadcast %broadcast_in_dim3A_411 : i32 to vector<16xi32>
    %broadcast_in_dim3A_413 = arith.constant 9 : i32
    %broadcast_in_dim3A_414 = vector.broadcast %broadcast_in_dim3A_413 : i32 to vector<16xi32>
    %gather3A_415 = tpu.vector_load_idx %arg18[%broadcast_in_dim3A_412, %broadcast_in_dim3A_414] : memref<2x16xf32, #tpu.memory_space<vmem>>[vector<16xi32>, vector<16xi32>], vector<16xf32>,
    %broadcast_in_dim3A_416 = arith.constant 9 : i32
    %broadcast_in_dim3A_417 = vector.broadcast %broadcast_in_dim3A_416 : i32 to vector<16xi32>
    %add3A_418 = arith.constant 16 : i32
    %add3A_419 = vector.broadcast %add3A_418 : i32 to vector<16xi32>
    %add3A_420 = arith.addi %iota3A, %add3A_419 : vector<16xi32>
    %gather3A_421 = tpu.vector_load_idx %arg19[%broadcast_in_dim3A_417, %add3A_420] : memref<16x128xf32, #tpu.memory_space<vmem>>[vector<16xi32>, vector<16xi32>], vector<16xf32>,
    %mul3A_422 = arith.mulf %gather3A_415, %gather3A_421 : vector<16xf32>
    %add3A_423 = arith.addf %add3A_410, %mul3A_422 : vector<16xf32>
    %broadcast_in_dim3A_424 = arith.constant 1 : i32
    %broadcast_in_dim3A_425 = vector.broadcast %broadcast_in_dim3A_424 : i32 to vector<16xi32>
    %broadcast_in_dim3A_426 = arith.constant 10 : i32
    %broadcast_in_dim3A_427 = vector.broadcast %broadcast_in_dim3A_426 : i32 to vector<16xi32>
    %gather3A_428 = tpu.vector_load_idx %arg18[%broadcast_in_dim3A_425, %broadcast_in_dim3A_427] : memref<2x16xf32, #tpu.memory_space<vmem>>[vector<16xi32>, vector<16xi32>], vector<16xf32>,
    %broadcast_in_dim3A_429 = arith.constant 10 : i32
    %broadcast_in_dim3A_430 = vector.broadcast %broadcast_in_dim3A_429 : i32 to vector<16xi32>
    %add3A_431 = arith.constant 16 : i32
    %add3A_432 = vector.broadcast %add3A_431 : i32 to vector<16xi32>
    %add3A_433 = arith.addi %iota3A, %add3A_432 : vector<16xi32>
    %gather3A_434 = tpu.vector_load_idx %arg19[%broadcast_in_dim3A_430, %add3A_433] : memref<16x128xf32, #tpu.memory_space<vmem>>[vector<16xi32>, vector<16xi32>], vector<16xf32>,
    %mul3A_435 = arith.mulf %gather3A_428, %gather3A_434 : vector<16xf32>
    %add3A_436 = arith.addf %add3A_423, %mul3A_435 : vector<16xf32>
    %broadcast_in_dim3A_437 = arith.constant 1 : i32
    %broadcast_in_dim3A_438 = vector.broadcast %broadcast_in_dim3A_437 : i32 to vector<16xi32>
    %broadcast_in_dim3A_439 = arith.constant 11 : i32
    %broadcast_in_dim3A_440 = vector.broadcast %broadcast_in_dim3A_439 : i32 to vector<16xi32>
    %gather3A_441 = tpu.vector_load_idx %arg18[%broadcast_in_dim3A_438, %broadcast_in_dim3A_440] : memref<2x16xf32, #tpu.memory_space<vmem>>[vector<16xi32>, vector<16xi32>], vector<16xf32>,
    %broadcast_in_dim3A_442 = arith.constant 11 : i32
    %broadcast_in_dim3A_443 = vector.broadcast %broadcast_in_dim3A_442 : i32 to vector<16xi32>
    %add3A_444 = arith.constant 16 : i32
    %add3A_445 = vector.broadcast %add3A_444 : i32 to vector<16xi32>
    %add3A_446 = arith.addi %iota3A, %add3A_445 : vector<16xi32>
    %gather3A_447 = tpu.vector_load_idx %arg19[%broadcast_in_dim3A_443, %add3A_446] : memref<16x128xf32, #tpu.memory_space<vmem>>[vector<16xi32>, vector<16xi32>], vector<16xf32>,
    %mul3A_448 = arith.mulf %gather3A_441, %gather3A_447 : vector<16xf32>
    %add3A_449 = arith.addf %add3A_436, %mul3A_448 : vector<16xf32>
    %broadcast_in_dim3A_450 = arith.constant 1 : i32
    %broadcast_in_dim3A_451 = vector.broadcast %broadcast_in_dim3A_450 : i32 to vector<16xi32>
    %broadcast_in_dim3A_452 = arith.constant 12 : i32
    %broadcast_in_dim3A_453 = vector.broadcast %broadcast_in_dim3A_452 : i32 to vector<16xi32>
    %gather3A_454 = tpu.vector_load_idx %arg18[%broadcast_in_dim3A_451, %broadcast_in_dim3A_453] : memref<2x16xf32, #tpu.memory_space<vmem>>[vector<16xi32>, vector<16xi32>], vector<16xf32>,
    %broadcast_in_dim3A_455 = arith.constant 12 : i32
    %broadcast_in_dim3A_456 = vector.broadcast %broadcast_in_dim3A_455 : i32 to vector<16xi32>
    %add3A_457 = arith.constant 16 : i32
    %add3A_458 = vector.broadcast %add3A_457 : i32 to vector<16xi32>
    %add3A_459 = arith.addi %iota3A, %add3A_458 : vector<16xi32>
    %gather3A_460 = tpu.vector_load_idx %arg19[%broadcast_in_dim3A_456, %add3A_459] : memref<16x128xf32, #tpu.memory_space<vmem>>[vector<16xi32>, vector<16xi32>], vector<16xf32>,
    %mul3A_461 = arith.mulf %gather3A_454, %gather3A_460 : vector<16xf32>
    %add3A_462 = arith.addf %add3A_449, %mul3A_461 : vector<16xf32>
    %broadcast_in_dim3A_463 = arith.constant 1 : i32
    %broadcast_in_dim3A_464 = vector.broadcast %broadcast_in_dim3A_463 : i32 to vector<16xi32>
    %broadcast_in_dim3A_465 = arith.constant 13 : i32
    %broadcast_in_dim3A_466 = vector.broadcast %broadcast_in_dim3A_465 : i32 to vector<16xi32>
    %gather3A_467 = tpu.vector_load_idx %arg18[%broadcast_in_dim3A_464, %broadcast_in_dim3A_466] : memref<2x16xf32, #tpu.memory_space<vmem>>[vector<16xi32>, vector<16xi32>], vector<16xf32>,
    %broadcast_in_dim3A_468 = arith.constant 13 : i32
    %broadcast_in_dim3A_469 = vector.broadcast %broadcast_in_dim3A_468 : i32 to vector<16xi32>
    %add3A_470 = arith.constant 16 : i32
    %add3A_471 = vector.broadcast %add3A_470 : i32 to vector<16xi32>
    %add3A_472 = arith.addi %iota3A, %add3A_471 : vector<16xi32>
    %gather3A_473 = tpu.vector_load_idx %arg19[%broadcast_in_dim3A_469, %add3A_472] : memref<16x128xf32, #tpu.memory_space<vmem>>[vector<16xi32>, vector<16xi32>], vector<16xf32>,
    %mul3A_474 = arith.mulf %gather3A_467, %gather3A_473 : vector<16xf32>
    %add3A_475 = arith.addf %add3A_462, %mul3A_474 : vector<16xf32>
    %broadcast_in_dim3A_476 = arith.constant 1 : i32
    %broadcast_in_dim3A_477 = vector.broadcast %broadcast_in_dim3A_476 : i32 to vector<16xi32>
    %broadcast_in_dim3A_478 = arith.constant 14 : i32
    %broadcast_in_dim3A_479 = vector.broadcast %broadcast_in_dim3A_478 : i32 to vector<16xi32>
    %gather3A_480 = tpu.vector_load_idx %arg18[%broadcast_in_dim3A_477, %broadcast_in_dim3A_479] : memref<2x16xf32, #tpu.memory_space<vmem>>[vector<16xi32>, vector<16xi32>], vector<16xf32>,
    %broadcast_in_dim3A_481 = arith.constant 14 : i32
    %broadcast_in_dim3A_482 = vector.broadcast %broadcast_in_dim3A_481 : i32 to vector<16xi32>
    %add3A_483 = arith.constant 16 : i32
    %add3A_484 = vector.broadcast %add3A_483 : i32 to vector<16xi32>
    %add3A_485 = arith.addi %iota3A, %add3A_484 : vector<16xi32>
    %gather3A_486 = tpu.vector_load_idx %arg19[%broadcast_in_dim3A_482, %add3A_485] : memref<16x128xf32, #tpu.memory_space<vmem>>[vector<16xi32>, vector<16xi32>], vector<16xf32>,
    %mul3A_487 = arith.mulf %gather3A_480, %gather3A_486 : vector<16xf32>
    %add3A_488 = arith.addf %add3A_475, %mul3A_487 : vector<16xf32>
    %broadcast_in_dim3A_489 = arith.constant 1 : i32
    %broadcast_in_dim3A_490 = vector.broadcast %broadcast_in_dim3A_489 : i32 to vector<16xi32>
    %broadcast_in_dim3A_491 = arith.constant 15 : i32
    %broadcast_in_dim3A_492 = vector.broadcast %broadcast_in_dim3A_491 : i32 to vector<16xi32>
    %gather3A_493 = tpu.vector_load_idx %arg18[%broadcast_in_dim3A_490, %broadcast_in_dim3A_492] : memref<2x16xf32, #tpu.memory_space<vmem>>[vector<16xi32>, vector<16xi32>], vector<16xf32>,
    %broadcast_in_dim3A_494 = arith.constant 15 : i32
    %broadcast_in_dim3A_495 = vector.broadcast %broadcast_in_dim3A_494 : i32 to vector<16xi32>
    %add3A_496 = arith.constant 16 : i32
    %add3A_497 = vector.broadcast %add3A_496 : i32 to vector<16xi32>
    %add3A_498 = arith.addi %iota3A, %add3A_497 : vector<16xi32>
    %gather3A_499 = tpu.vector_load_idx %arg19[%broadcast_in_dim3A_495, %add3A_498] : memref<16x128xf32, #tpu.memory_space<vmem>>[vector<16xi32>, vector<16xi32>], vector<16xf32>,
    %mul3A_500 = arith.mulf %gather3A_493, %gather3A_499 : vector<16xf32>
    %add3A_501 = arith.addf %add3A_488, %mul3A_500 : vector<16xf32>
    %swap3A_502 = arith.constant 0 : i32
    %swap3A_503 = arith.constant 1 : i32
    %swap3A_504 = arith.index_cast %swap3A_502 : i32 to index
    %swap3A_505 = arith.index_cast %swap3A_503 : i32 to index
    %swap3A_506 = arith.constant 0 : index
    %swap3A_507 = tpu.vector_load %arg20[%swap3A_504, %swap3A_505, %swap3A_506] {strides = array<i32>} : memref<1x8x16xf32, #tpu.memory_space<vmem>>, vector<16xf32>,
    tpu.vector_store %arg20[%swap3A_504, %swap3A_505, %swap3A_506], %add3A_501 {strides = array<i32>} : memref<1x8x16xf32, #tpu.memory_space<vmem>>, vector<16xf32>,
    %broadcast_in_dim3A_508 = arith.constant 0.000000e+00 : f32
    %broadcast_in_dim3A_509 = vector.broadcast %broadcast_in_dim3A_508 : f32 to vector<16xf32>
    %broadcast_in_dim3A_510 = arith.constant 1 : i32
    %broadcast_in_dim3A_511 = vector.broadcast %broadcast_in_dim3A_510 : i32 to vector<16xi32>
    %broadcast_in_dim3A_512 = arith.constant 0 : i32
    %broadcast_in_dim3A_513 = vector.broadcast %broadcast_in_dim3A_512 : i32 to vector<16xi32>
    %gather3A_514 = tpu.vector_load_idx %arg18[%broadcast_in_dim3A_511, %broadcast_in_dim3A_513] : memref<2x16xf32, #tpu.memory_space<vmem>>[vector<16xi32>, vector<16xi32>], vector<16xf32>,
    %broadcast_in_dim3A_515 = arith.constant 0 : i32
    %broadcast_in_dim3A_516 = vector.broadcast %broadcast_in_dim3A_515 : i32 to vector<16xi32>
    %add3A_517 = arith.constant 32 : i32
    %add3A_518 = vector.broadcast %add3A_517 : i32 to vector<16xi32>
    %add3A_519 = arith.addi %iota3A, %add3A_518 : vector<16xi32>
    %gather3A_520 = tpu.vector_load_idx %arg19[%broadcast_in_dim3A_516, %add3A_519] : memref<16x128xf32, #tpu.memory_space<vmem>>[vector<16xi32>, vector<16xi32>], vector<16xf32>,
    %mul3A_521 = arith.mulf %gather3A_514, %gather3A_520 : vector<16xf32>
    %add3A_522 = arith.addf %broadcast_in_dim3A_509, %mul3A_521 : vector<16xf32>
    %broadcast_in_dim3A_523 = arith.constant 1 : i32
    %broadcast_in_dim3A_524 = vector.broadcast %broadcast_in_dim3A_523 : i32 to vector<16xi32>
    %broadcast_in_dim3A_525 = arith.constant 1 : i32
    %broadcast_in_dim3A_526 = vector.broadcast %broadcast_in_dim3A_525 : i32 to vector<16xi32>
    %gather3A_527 = tpu.vector_load_idx %arg18[%broadcast_in_dim3A_524, %broadcast_in_dim3A_526] : memref<2x16xf32, #tpu.memory_space<vmem>>[vector<16xi32>, vector<16xi32>], vector<16xf32>,
    %broadcast_in_dim3A_528 = arith.constant 1 : i32
    %broadcast_in_dim3A_529 = vector.broadcast %broadcast_in_dim3A_528 : i32 to vector<16xi32>
    %add3A_530 = arith.constant 32 : i32
    %add3A_531 = vector.broadcast %add3A_530 : i32 to vector<16xi32>
    %add3A_532 = arith.addi %iota3A, %add3A_531 : vector<16xi32>
    %gather3A_533 = tpu.vector_load_idx %arg19[%broadcast_in_dim3A_529, %add3A_532] : memref<16x128xf32, #tpu.memory_space<vmem>>[vector<16xi32>, vector<16xi32>], vector<16xf32>,
    %mul3A_534 = arith.mulf %gather3A_527, %gather3A_533 : vector<16xf32>
    %add3A_535 = arith.addf %add3A_522, %mul3A_534 : vector<16xf32>
    %broadcast_in_dim3A_536 = arith.constant 1 : i32
    %broadcast_in_dim3A_537 = vector.broadcast %broadcast_in_dim3A_536 : i32 to vector<16xi32>
    %broadcast_in_dim3A_538 = arith.constant 2 : i32
    %broadcast_in_dim3A_539 = vector.broadcast %broadcast_in_dim3A_538 : i32 to vector<16xi32>
    %gather3A_540 = tpu.vector_load_idx %arg18[%broadcast_in_dim3A_537, %broadcast_in_dim3A_539] : memref<2x16xf32, #tpu.memory_space<vmem>>[vector<16xi32>, vector<16xi32>], vector<16xf32>,
    %broadcast_in_dim3A_541 = arith.constant 2 : i32
    %broadcast_in_dim3A_542 = vector.broadcast %broadcast_in_dim3A_541 : i32 to vector<16xi32>
    %add3A_543 = arith.constant 32 : i32
    %add3A_544 = vector.broadcast %add3A_543 : i32 to vector<16xi32>
    %add3A_545 = arith.addi %iota3A, %add3A_544 : vector<16xi32>
    %gather3A_546 = tpu.vector_load_idx %arg19[%broadcast_in_dim3A_542, %add3A_545] : memref<16x128xf32, #tpu.memory_space<vmem>>[vector<16xi32>, vector<16xi32>], vector<16xf32>,
    %mul3A_547 = arith.mulf %gather3A_540, %gather3A_546 : vector<16xf32>
    %add3A_548 = arith.addf %add3A_535, %mul3A_547 : vector<16xf32>
    %broadcast_in_dim3A_549 = arith.constant 1 : i32
    %broadcast_in_dim3A_550 = vector.broadcast %broadcast_in_dim3A_549 : i32 to vector<16xi32>
    %broadcast_in_dim3A_551 = arith.constant 3 : i32
    %broadcast_in_dim3A_552 = vector.broadcast %broadcast_in_dim3A_551 : i32 to vector<16xi32>
    %gather3A_553 = tpu.vector_load_idx %arg18[%broadcast_in_dim3A_550, %broadcast_in_dim3A_552] : memref<2x16xf32, #tpu.memory_space<vmem>>[vector<16xi32>, vector<16xi32>], vector<16xf32>,
    %broadcast_in_dim3A_554 = arith.constant 3 : i32
    %broadcast_in_dim3A_555 = vector.broadcast %broadcast_in_dim3A_554 : i32 to vector<16xi32>
    %add3A_556 = arith.constant 32 : i32
    %add3A_557 = vector.broadcast %add3A_556 : i32 to vector<16xi32>
    %add3A_558 = arith.addi %iota3A, %add3A_557 : vector<16xi32>
    %gather3A_559 = tpu.vector_load_idx %arg19[%broadcast_in_dim3A_555, %add3A_558] : memref<16x128xf32, #tpu.memory_space<vmem>>[vector<16xi32>, vector<16xi32>], vector<16xf32>,
    %mul3A_560 = arith.mulf %gather3A_553, %gather3A_559 : vector<16xf32>
    %add3A_561 = arith.addf %add3A_548, %mul3A_560 : vector<16xf32>
    %broadcast_in_dim3A_562 = arith.constant 1 : i32
    %broadcast_in_dim3A_563 = vector.broadcast %broadcast_in_dim3A_562 : i32 to vector<16xi32>
    %broadcast_in_dim3A_564 = arith.constant 4 : i32
    %broadcast_in_dim3A_565 = vector.broadcast %broadcast_in_dim3A_564 : i32 to vector<16xi32>
    %gather3A_566 = tpu.vector_load_idx %arg18[%broadcast_in_dim3A_563, %broadcast_in_dim3A_565] : memref<2x16xf32, #tpu.memory_space<vmem>>[vector<16xi32>, vector<16xi32>], vector<16xf32>,
    %broadcast_in_dim3A_567 = arith.constant 4 : i32
    %broadcast_in_dim3A_568 = vector.broadcast %broadcast_in_dim3A_567 : i32 to vector<16xi32>
    %add3A_569 = arith.constant 32 : i32
    %add3A_570 = vector.broadcast %add3A_569 : i32 to vector<16xi32>
    %add3A_571 = arith.addi %iota3A, %add3A_570 : vector<16xi32>
    %gather3A_572 = tpu.vector_load_idx %arg19[%broadcast_in_dim3A_568, %add3A_571] : memref<16x128xf32, #tpu.memory_space<vmem>>[vector<16xi32>, vector<16xi32>], vector<16xf32>,
    %mul3A_573 = arith.mulf %gather3A_566, %gather3A_572 : vector<16xf32>
    %add3A_574 = arith.addf %add3A_561, %mul3A_573 : vector<16xf32>
    %broadcast_in_dim3A_575 = arith.constant 1 : i32
    %broadcast_in_dim3A_576 = vector.broadcast %broadcast_in_dim3A_575 : i32 to vector<16xi32>
    %broadcast_in_dim3A_577 = arith.constant 5 : i32
    %broadcast_in_dim3A_578 = vector.broadcast %broadcast_in_dim3A_577 : i32 to vector<16xi32>
    %gather3A_579 = tpu.vector_load_idx %arg18[%broadcast_in_dim3A_576, %broadcast_in_dim3A_578] : memref<2x16xf32, #tpu.memory_space<vmem>>[vector<16xi32>, vector<16xi32>], vector<16xf32>,
    %broadcast_in_dim3A_580 = arith.constant 5 : i32
    %broadcast_in_dim3A_581 = vector.broadcast %broadcast_in_dim3A_580 : i32 to vector<16xi32>
    %add3A_582 = arith.constant 32 : i32
    %add3A_583 = vector.broadcast %add3A_582 : i32 to vector<16xi32>
    %add3A_584 = arith.addi %iota3A, %add3A_583 : vector<16xi32>
    %gather3A_585 = tpu.vector_load_idx %arg19[%broadcast_in_dim3A_581, %add3A_584] : memref<16x128xf32, #tpu.memory_space<vmem>>[vector<16xi32>, vector<16xi32>], vector<16xf32>,
    %mul3A_586 = arith.mulf %gather3A_579, %gather3A_585 : vector<16xf32>
    %add3A_587 = arith.addf %add3A_574, %mul3A_586 : vector<16xf32>
    %broadcast_in_dim3A_588 = arith.constant 1 : i32
    %broadcast_in_dim3A_589 = vector.broadcast %broadcast_in_dim3A_588 : i32 to vector<16xi32>
    %broadcast_in_dim3A_590 = arith.constant 6 : i32
    %broadcast_in_dim3A_591 = vector.broadcast %broadcast_in_dim3A_590 : i32 to vector<16xi32>
    %gather3A_592 = tpu.vector_load_idx %arg18[%broadcast_in_dim3A_589, %broadcast_in_dim3A_591] : memref<2x16xf32, #tpu.memory_space<vmem>>[vector<16xi32>, vector<16xi32>], vector<16xf32>,
    %broadcast_in_dim3A_593 = arith.constant 6 : i32
    %broadcast_in_dim3A_594 = vector.broadcast %broadcast_in_dim3A_593 : i32 to vector<16xi32>
    %add3A_595 = arith.constant 32 : i32
    %add3A_596 = vector.broadcast %add3A_595 : i32 to vector<16xi32>
    %add3A_597 = arith.addi %iota3A, %add3A_596 : vector<16xi32>
    %gather3A_598 = tpu.vector_load_idx %arg19[%broadcast_in_dim3A_594, %add3A_597] : memref<16x128xf32, #tpu.memory_space<vmem>>[vector<16xi32>, vector<16xi32>], vector<16xf32>,
    %mul3A_599 = arith.mulf %gather3A_592, %gather3A_598 : vector<16xf32>
    %add3A_600 = arith.addf %add3A_587, %mul3A_599 : vector<16xf32>
    %broadcast_in_dim3A_601 = arith.constant 1 : i32
    %broadcast_in_dim3A_602 = vector.broadcast %broadcast_in_dim3A_601 : i32 to vector<16xi32>
    %broadcast_in_dim3A_603 = arith.constant 7 : i32
    %broadcast_in_dim3A_604 = vector.broadcast %broadcast_in_dim3A_603 : i32 to vector<16xi32>
    %gather3A_605 = tpu.vector_load_idx %arg18[%broadcast_in_dim3A_602, %broadcast_in_dim3A_604] : memref<2x16xf32, #tpu.memory_space<vmem>>[vector<16xi32>, vector<16xi32>], vector<16xf32>,
    %broadcast_in_dim3A_606 = arith.constant 7 : i32
    %broadcast_in_dim3A_607 = vector.broadcast %broadcast_in_dim3A_606 : i32 to vector<16xi32>
    %add3A_608 = arith.constant 32 : i32
    %add3A_609 = vector.broadcast %add3A_608 : i32 to vector<16xi32>
    %add3A_610 = arith.addi %iota3A, %add3A_609 : vector<16xi32>
    %gather3A_611 = tpu.vector_load_idx %arg19[%broadcast_in_dim3A_607, %add3A_610] : memref<16x128xf32, #tpu.memory_space<vmem>>[vector<16xi32>, vector<16xi32>], vector<16xf32>,
    %mul3A_612 = arith.mulf %gather3A_605, %gather3A_611 : vector<16xf32>
    %add3A_613 = arith.addf %add3A_600, %mul3A_612 : vector<16xf32>
    %broadcast_in_dim3A_614 = arith.constant 1 : i32
    %broadcast_in_dim3A_615 = vector.broadcast %broadcast_in_dim3A_614 : i32 to vector<16xi32>
    %broadcast_in_dim3A_616 = arith.constant 8 : i32
    %broadcast_in_dim3A_617 = vector.broadcast %broadcast_in_dim3A_616 : i32 to vector<16xi32>
    %gather3A_618 = tpu.vector_load_idx %arg18[%broadcast_in_dim3A_615, %broadcast_in_dim3A_617] : memref<2x16xf32, #tpu.memory_space<vmem>>[vector<16xi32>, vector<16xi32>], vector<16xf32>,
    %broadcast_in_dim3A_619 = arith.constant 8 : i32
    %broadcast_in_dim3A_620 = vector.broadcast %broadcast_in_dim3A_619 : i32 to vector<16xi32>
    %add3A_621 = arith.constant 32 : i32
    %add3A_622 = vector.broadcast %add3A_621 : i32 to vector<16xi32>
    %add3A_623 = arith.addi %iota3A, %add3A_622 : vector<16xi32>
    %gather3A_624 = tpu.vector_load_idx %arg19[%broadcast_in_dim3A_620, %add3A_623] : memref<16x128xf32, #tpu.memory_space<vmem>>[vector<16xi32>, vector<16xi32>], vector<16xf32>,
    %mul3A_625 = arith.mulf %gather3A_618, %gather3A_624 : vector<16xf32>
    %add3A_626 = arith.addf %add3A_613, %mul3A_625 : vector<16xf32>
    %broadcast_in_dim3A_627 = arith.constant 1 : i32
    %broadcast_in_dim3A_628 = vector.broadcast %broadcast_in_dim3A_627 : i32 to vector<16xi32>
    %broadcast_in_dim3A_629 = arith.constant 9 : i32
    %broadcast_in_dim3A_630 = vector.broadcast %broadcast_in_dim3A_629 : i32 to vector<16xi32>
    %gather3A_631 = tpu.vector_load_idx %arg18[%broadcast_in_dim3A_628, %broadcast_in_dim3A_630] : memref<2x16xf32, #tpu.memory_space<vmem>>[vector<16xi32>, vector<16xi32>], vector<16xf32>,
    %broadcast_in_dim3A_632 = arith.constant 9 : i32
    %broadcast_in_dim3A_633 = vector.broadcast %broadcast_in_dim3A_632 : i32 to vector<16xi32>
    %add3A_634 = arith.constant 32 : i32
    %add3A_635 = vector.broadcast %add3A_634 : i32 to vector<16xi32>
    %add3A_636 = arith.addi %iota3A, %add3A_635 : vector<16xi32>
    %gather3A_637 = tpu.vector_load_idx %arg19[%broadcast_in_dim3A_633, %add3A_636] : memref<16x128xf32, #tpu.memory_space<vmem>>[vector<16xi32>, vector<16xi32>], vector<16xf32>,
    %mul3A_638 = arith.mulf %gather3A_631, %gather3A_637 : vector<16xf32>
    %add3A_639 = arith.addf %add3A_626, %mul3A_638 : vector<16xf32>
    %broadcast_in_dim3A_640 = arith.constant 1 : i32
    %broadcast_in_dim3A_641 = vector.broadcast %broadcast_in_dim3A_640 : i32 to vector<16xi32>
    %broadcast_in_dim3A_642 = arith.constant 10 : i32
    %broadcast_in_dim3A_643 = vector.broadcast %broadcast_in_dim3A_642 : i32 to vector<16xi32>
    %gather3A_644 = tpu.vector_load_idx %arg18[%broadcast_in_dim3A_641, %broadcast_in_dim3A_643] : memref<2x16xf32, #tpu.memory_space<vmem>>[vector<16xi32>, vector<16xi32>], vector<16xf32>,
    %broadcast_in_dim3A_645 = arith.constant 10 : i32
    %broadcast_in_dim3A_646 = vector.broadcast %broadcast_in_dim3A_645 : i32 to vector<16xi32>
    %add3A_647 = arith.constant 32 : i32
    %add3A_648 = vector.broadcast %add3A_647 : i32 to vector<16xi32>
    %add3A_649 = arith.addi %iota3A, %add3A_648 : vector<16xi32>
    %gather3A_650 = tpu.vector_load_idx %arg19[%broadcast_in_dim3A_646, %add3A_649] : memref<16x128xf32, #tpu.memory_space<vmem>>[vector<16xi32>, vector<16xi32>], vector<16xf32>,
    %mul3A_651 = arith.mulf %gather3A_644, %gather3A_650 : vector<16xf32>
    %add3A_652 = arith.addf %add3A_639, %mul3A_651 : vector<16xf32>
    %broadcast_in_dim3A_653 = arith.constant 1 : i32
    %broadcast_in_dim3A_654 = vector.broadcast %broadcast_in_dim3A_653 : i32 to vector<16xi32>
    %broadcast_in_dim3A_655 = arith.constant 11 : i32
    %broadcast_in_dim3A_656 = vector.broadcast %broadcast_in_dim3A_655 : i32 to vector<16xi32>
    %gather3A_657 = tpu.vector_load_idx %arg18[%broadcast_in_dim3A_654, %broadcast_in_dim3A_656] : memref<2x16xf32, #tpu.memory_space<vmem>>[vector<16xi32>, vector<16xi32>], vector<16xf32>,
    %broadcast_in_dim3A_658 = arith.constant 11 : i32
    %broadcast_in_dim3A_659 = vector.broadcast %broadcast_in_dim3A_658 : i32 to vector<16xi32>
    %add3A_660 = arith.constant 32 : i32
    %add3A_661 = vector.broadcast %add3A_660 : i32 to vector<16xi32>
    %add3A_662 = arith.addi %iota3A, %add3A_661 : vector<16xi32>
    %gather3A_663 = tpu.vector_load_idx %arg19[%broadcast_in_dim3A_659, %add3A_662] : memref<16x128xf32, #tpu.memory_space<vmem>>[vector<16xi32>, vector<16xi32>], vector<16xf32>,
    %mul3A_664 = arith.mulf %gather3A_657, %gather3A_663 : vector<16xf32>
    %add3A_665 = arith.addf %add3A_652, %mul3A_664 : vector<16xf32>
    %broadcast_in_dim3A_666 = arith.constant 1 : i32
    %broadcast_in_dim3A_667 = vector.broadcast %broadcast_in_dim3A_666 : i32 to vector<16xi32>
    %broadcast_in_dim3A_668 = arith.constant 12 : i32
    %broadcast_in_dim3A_669 = vector.broadcast %broadcast_in_dim3A_668 : i32 to vector<16xi32>
    %gather3A_670 = tpu.vector_load_idx %arg18[%broadcast_in_dim3A_667, %broadcast_in_dim3A_669] : memref<2x16xf32, #tpu.memory_space<vmem>>[vector<16xi32>, vector<16xi32>], vector<16xf32>,
    %broadcast_in_dim3A_671 = arith.constant 12 : i32
    %broadcast_in_dim3A_672 = vector.broadcast %broadcast_in_dim3A_671 : i32 to vector<16xi32>
    %add3A_673 = arith.constant 32 : i32
    %add3A_674 = vector.broadcast %add3A_673 : i32 to vector<16xi32>
    %add3A_675 = arith.addi %iota3A, %add3A_674 : vector<16xi32>
    %gather3A_676 = tpu.vector_load_idx %arg19[%broadcast_in_dim3A_672, %add3A_675] : memref<16x128xf32, #tpu.memory_space<vmem>>[vector<16xi32>, vector<16xi32>], vector<16xf32>,
    %mul3A_677 = arith.mulf %gather3A_670, %gather3A_676 : vector<16xf32>
    %add3A_678 = arith.addf %add3A_665, %mul3A_677 : vector<16xf32>
    %broadcast_in_dim3A_679 = arith.constant 1 : i32
    %broadcast_in_dim3A_680 = vector.broadcast %broadcast_in_dim3A_679 : i32 to vector<16xi32>
    %broadcast_in_dim3A_681 = arith.constant 13 : i32
    %broadcast_in_dim3A_682 = vector.broadcast %broadcast_in_dim3A_681 : i32 to vector<16xi32>
    %gather3A_683 = tpu.vector_load_idx %arg18[%broadcast_in_dim3A_680, %broadcast_in_dim3A_682] : memref<2x16xf32, #tpu.memory_space<vmem>>[vector<16xi32>, vector<16xi32>], vector<16xf32>,
    %broadcast_in_dim3A_684 = arith.constant 13 : i32
    %broadcast_in_dim3A_685 = vector.broadcast %broadcast_in_dim3A_684 : i32 to vector<16xi32>
    %add3A_686 = arith.constant 32 : i32
    %add3A_687 = vector.broadcast %add3A_686 : i32 to vector<16xi32>
    %add3A_688 = arith.addi %iota3A, %add3A_687 : vector<16xi32>
    %gather3A_689 = tpu.vector_load_idx %arg19[%broadcast_in_dim3A_685, %add3A_688] : memref<16x128xf32, #tpu.memory_space<vmem>>[vector<16xi32>, vector<16xi32>], vector<16xf32>,
    %mul3A_690 = arith.mulf %gather3A_683, %gather3A_689 : vector<16xf32>
    %add3A_691 = arith.addf %add3A_678, %mul3A_690 : vector<16xf32>
    %broadcast_in_dim3A_692 = arith.constant 1 : i32
    %broadcast_in_dim3A_693 = vector.broadcast %broadcast_in_dim3A_692 : i32 to vector<16xi32>
    %broadcast_in_dim3A_694 = arith.constant 14 : i32
    %broadcast_in_dim3A_695 = vector.broadcast %broadcast_in_dim3A_694 : i32 to vector<16xi32>
    %gather3A_696 = tpu.vector_load_idx %arg18[%broadcast_in_dim3A_693, %broadcast_in_dim3A_695] : memref<2x16xf32, #tpu.memory_space<vmem>>[vector<16xi32>, vector<16xi32>], vector<16xf32>,
    %broadcast_in_dim3A_697 = arith.constant 14 : i32
    %broadcast_in_dim3A_698 = vector.broadcast %broadcast_in_dim3A_697 : i32 to vector<16xi32>
    %add3A_699 = arith.constant 32 : i32
    %add3A_700 = vector.broadcast %add3A_699 : i32 to vector<16xi32>
    %add3A_701 = arith.addi %iota3A, %add3A_700 : vector<16xi32>
    %gather3A_702 = tpu.vector_load_idx %arg19[%broadcast_in_dim3A_698, %add3A_701] : memref<16x128xf32, #tpu.memory_space<vmem>>[vector<16xi32>, vector<16xi32>], vector<16xf32>,
    %mul3A_703 = arith.mulf %gather3A_696, %gather3A_702 : vector<16xf32>
    %add3A_704 = arith.addf %add3A_691, %mul3A_703 : vector<16xf32>
    %broadcast_in_dim3A_705 = arith.constant 1 : i32
    %broadcast_in_dim3A_706 = vector.broadcast %broadcast_in_dim3A_705 : i32 to vector<16xi32>
    %broadcast_in_dim3A_707 = arith.constant 15 : i32
    %broadcast_in_dim3A_708 = vector.broadcast %broadcast_in_dim3A_707 : i32 to vector<16xi32>
    %gather3A_709 = tpu.vector_load_idx %arg18[%broadcast_in_dim3A_706, %broadcast_in_dim3A_708] : memref<2x16xf32, #tpu.memory_space<vmem>>[vector<16xi32>, vector<16xi32>], vector<16xf32>,
    %broadcast_in_dim3A_710 = arith.constant 15 : i32
    %broadcast_in_dim3A_711 = vector.broadcast %broadcast_in_dim3A_710 : i32 to vector<16xi32>
    %add3A_712 = arith.constant 32 : i32
    %add3A_713 = vector.broadcast %add3A_712 : i32 to vector<16xi32>
    %add3A_714 = arith.addi %iota3A, %add3A_713 : vector<16xi32>
    %gather3A_715 = tpu.vector_load_idx %arg19[%broadcast_in_dim3A_711, %add3A_714] : memref<16x128xf32, #tpu.memory_space<vmem>>[vector<16xi32>, vector<16xi32>], vector<16xf32>,
    %mul3A_716 = arith.mulf %gather3A_709, %gather3A_715 : vector<16xf32>
    %add3A_717 = arith.addf %add3A_704, %mul3A_716 : vector<16xf32>
    %swap3A_718 = arith.constant 0 : i32
    %swap3A_719 = arith.constant 2 : i32
    %swap3A_720 = arith.index_cast %swap3A_718 : i32 to index
    %swap3A_721 = arith.index_cast %swap3A_719 : i32 to index
    %swap3A_722 = arith.constant 0 : index
    %swap3A_723 = tpu.vector_load %arg20[%swap3A_720, %swap3A_721, %swap3A_722] {strides = array<i32>} : memref<1x8x16xf32, #tpu.memory_space<vmem>>, vector<16xf32>,
    tpu.vector_store %arg20[%swap3A_720, %swap3A_721, %swap3A_722], %add3A_717 {strides = array<i32>} : memref<1x8x16xf32, #tpu.memory_space<vmem>>, vector<16xf32>,
    %broadcast_in_dim3A_724 = arith.constant 0.000000e+00 : f32
    %broadcast_in_dim3A_725 = vector.broadcast %broadcast_in_dim3A_724 : f32 to vector<16xf32>
    %broadcast_in_dim3A_726 = arith.constant 1 : i32
    %broadcast_in_dim3A_727 = vector.broadcast %broadcast_in_dim3A_726 : i32 to vector<16xi32>
    %broadcast_in_dim3A_728 = arith.constant 0 : i32
    %broadcast_in_dim3A_729 = vector.broadcast %broadcast_in_dim3A_728 : i32 to vector<16xi32>
    %gather3A_730 = tpu.vector_load_idx %arg18[%broadcast_in_dim3A_727, %broadcast_in_dim3A_729] : memref<2x16xf32, #tpu.memory_space<vmem>>[vector<16xi32>, vector<16xi32>], vector<16xf32>,
    %broadcast_in_dim3A_731 = arith.constant 0 : i32
    %broadcast_in_dim3A_732 = vector.broadcast %broadcast_in_dim3A_731 : i32 to vector<16xi32>
    %add3A_733 = arith.constant 48 : i32
    %add3A_734 = vector.broadcast %add3A_733 : i32 to vector<16xi32>
    %add3A_735 = arith.addi %iota3A, %add3A_734 : vector<16xi32>
    %gather3A_736 = tpu.vector_load_idx %arg19[%broadcast_in_dim3A_732, %add3A_735] : memref<16x128xf32, #tpu.memory_space<vmem>>[vector<16xi32>, vector<16xi32>], vector<16xf32>,
    %mul3A_737 = arith.mulf %gather3A_730, %gather3A_736 : vector<16xf32>
    %add3A_738 = arith.addf %broadcast_in_dim3A_725, %mul3A_737 : vector<16xf32>
    %broadcast_in_dim3A_739 = arith.constant 1 : i32
    %broadcast_in_dim3A_740 = vector.broadcast %broadcast_in_dim3A_739 : i32 to vector<16xi32>
    %broadcast_in_dim3A_741 = arith.constant 1 : i32
    %broadcast_in_dim3A_742 = vector.broadcast %broadcast_in_dim3A_741 : i32 to vector<16xi32>
    %gather3A_743 = tpu.vector_load_idx %arg18[%broadcast_in_dim3A_740, %broadcast_in_dim3A_742] : memref<2x16xf32, #tpu.memory_space<vmem>>[vector<16xi32>, vector<16xi32>], vector<16xf32>,
    %broadcast_in_dim3A_744 = arith.constant 1 : i32
    %broadcast_in_dim3A_745 = vector.broadcast %broadcast_in_dim3A_744 : i32 to vector<16xi32>
    %add3A_746 = arith.constant 48 : i32
    %add3A_747 = vector.broadcast %add3A_746 : i32 to vector<16xi32>
    %add3A_748 = arith.addi %iota3A, %add3A_747 : vector<16xi32>
    %gather3A_749 = tpu.vector_load_idx %arg19[%broadcast_in_dim3A_745, %add3A_748] : memref<16x128xf32, #tpu.memory_space<vmem>>[vector<16xi32>, vector<16xi32>], vector<16xf32>,
    %mul3A_750 = arith.mulf %gather3A_743, %gather3A_749 : vector<16xf32>
    %add3A_751 = arith.addf %add3A_738, %mul3A_750 : vector<16xf32>
    %broadcast_in_dim3A_752 = arith.constant 1 : i32
    %broadcast_in_dim3A_753 = vector.broadcast %broadcast_in_dim3A_752 : i32 to vector<16xi32>
    %broadcast_in_dim3A_754 = arith.constant 2 : i32
    %broadcast_in_dim3A_755 = vector.broadcast %broadcast_in_dim3A_754 : i32 to vector<16xi32>
    %gather3A_756 = tpu.vector_load_idx %arg18[%broadcast_in_dim3A_753, %broadcast_in_dim3A_755] : memref<2x16xf32, #tpu.memory_space<vmem>>[vector<16xi32>, vector<16xi32>], vector<16xf32>,
    %broadcast_in_dim3A_757 = arith.constant 2 : i32
    %broadcast_in_dim3A_758 = vector.broadcast %broadcast_in_dim3A_757 : i32 to vector<16xi32>
    %add3A_759 = arith.constant 48 : i32
    %add3A_760 = vector.broadcast %add3A_759 : i32 to vector<16xi32>
    %add3A_761 = arith.addi %iota3A, %add3A_760 : vector<16xi32>
    %gather3A_762 = tpu.vector_load_idx %arg19[%broadcast_in_dim3A_758, %add3A_761] : memref<16x128xf32, #tpu.memory_space<vmem>>[vector<16xi32>, vector<16xi32>], vector<16xf32>,
    %mul3A_763 = arith.mulf %gather3A_756, %gather3A_762 : vector<16xf32>
    %add3A_764 = arith.addf %add3A_751, %mul3A_763 : vector<16xf32>
    %broadcast_in_dim3A_765 = arith.constant 1 : i32
    %broadcast_in_dim3A_766 = vector.broadcast %broadcast_in_dim3A_765 : i32 to vector<16xi32>
    %broadcast_in_dim3A_767 = arith.constant 3 : i32
    %broadcast_in_dim3A_768 = vector.broadcast %broadcast_in_dim3A_767 : i32 to vector<16xi32>
    %gather3A_769 = tpu.vector_load_idx %arg18[%broadcast_in_dim3A_766, %broadcast_in_dim3A_768] : memref<2x16xf32, #tpu.memory_space<vmem>>[vector<16xi32>, vector<16xi32>], vector<16xf32>,
    %broadcast_in_dim3A_770 = arith.constant 3 : i32
    %broadcast_in_dim3A_771 = vector.broadcast %broadcast_in_dim3A_770 : i32 to vector<16xi32>
    %add3A_772 = arith.constant 48 : i32
    %add3A_773 = vector.broadcast %add3A_772 : i32 to vector<16xi32>
    %add3A_774 = arith.addi %iota3A, %add3A_773 : vector<16xi32>
    %gather3A_775 = tpu.vector_load_idx %arg19[%broadcast_in_dim3A_771, %add3A_774] : memref<16x128xf32, #tpu.memory_space<vmem>>[vector<16xi32>, vector<16xi32>], vector<16xf32>,
    %mul3A_776 = arith.mulf %gather3A_769, %gather3A_775 : vector<16xf32>
    %add3A_777 = arith.addf %add3A_764, %mul3A_776 : vector<16xf32>
    %broadcast_in_dim3A_778 = arith.constant 1 : i32
    %broadcast_in_dim3A_779 = vector.broadcast %broadcast_in_dim3A_778 : i32 to vector<16xi32>
    %broadcast_in_dim3A_780 = arith.constant 4 : i32
    %broadcast_in_dim3A_781 = vector.broadcast %broadcast_in_dim3A_780 : i32 to vector<16xi32>
    %gather3A_782 = tpu.vector_load_idx %arg18[%broadcast_in_dim3A_779, %broadcast_in_dim3A_781] : memref<2x16xf32, #tpu.memory_space<vmem>>[vector<16xi32>, vector<16xi32>], vector<16xf32>,
    %broadcast_in_dim3A_783 = arith.constant 4 : i32
    %broadcast_in_dim3A_784 = vector.broadcast %broadcast_in_dim3A_783 : i32 to vector<16xi32>
    %add3A_785 = arith.constant 48 : i32
    %add3A_786 = vector.broadcast %add3A_785 : i32 to vector<16xi32>
    %add3A_787 = arith.addi %iota3A, %add3A_786 : vector<16xi32>
    %gather3A_788 = tpu.vector_load_idx %arg19[%broadcast_in_dim3A_784, %add3A_787] : memref<16x128xf32, #tpu.memory_space<vmem>>[vector<16xi32>, vector<16xi32>], vector<16xf32>,
    %mul3A_789 = arith.mulf %gather3A_782, %gather3A_788 : vector<16xf32>
    %add3A_790 = arith.addf %add3A_777, %mul3A_789 : vector<16xf32>
    %broadcast_in_dim3A_791 = arith.constant 1 : i32
    %broadcast_in_dim3A_792 = vector.broadcast %broadcast_in_dim3A_791 : i32 to vector<16xi32>
    %broadcast_in_dim3A_793 = arith.constant 5 : i32
    %broadcast_in_dim3A_794 = vector.broadcast %broadcast_in_dim3A_793 : i32 to vector<16xi32>
    %gather3A_795 = tpu.vector_load_idx %arg18[%broadcast_in_dim3A_792, %broadcast_in_dim3A_794] : memref<2x16xf32, #tpu.memory_space<vmem>>[vector<16xi32>, vector<16xi32>], vector<16xf32>,
    %broadcast_in_dim3A_796 = arith.constant 5 : i32
    %broadcast_in_dim3A_797 = vector.broadcast %broadcast_in_dim3A_796 : i32 to vector<16xi32>
    %add3A_798 = arith.constant 48 : i32
    %add3A_799 = vector.broadcast %add3A_798 : i32 to vector<16xi32>
    %add3A_800 = arith.addi %iota3A, %add3A_799 : vector<16xi32>
    %gather3A_801 = tpu.vector_load_idx %arg19[%broadcast_in_dim3A_797, %add3A_800] : memref<16x128xf32, #tpu.memory_space<vmem>>[vector<16xi32>, vector<16xi32>], vector<16xf32>,
    %mul3A_802 = arith.mulf %gather3A_795, %gather3A_801 : vector<16xf32>
    %add3A_803 = arith.addf %add3A_790, %mul3A_802 : vector<16xf32>
    %broadcast_in_dim3A_804 = arith.constant 1 : i32
    %broadcast_in_dim3A_805 = vector.broadcast %broadcast_in_dim3A_804 : i32 to vector<16xi32>
    %broadcast_in_dim3A_806 = arith.constant 6 : i32
    %broadcast_in_dim3A_807 = vector.broadcast %broadcast_in_dim3A_806 : i32 to vector<16xi32>
    %gather3A_808 = tpu.vector_load_idx %arg18[%broadcast_in_dim3A_805, %broadcast_in_dim3A_807] : memref<2x16xf32, #tpu.memory_space<vmem>>[vector<16xi32>, vector<16xi32>], vector<16xf32>,
    %broadcast_in_dim3A_809 = arith.constant 6 : i32
    %broadcast_in_dim3A_810 = vector.broadcast %broadcast_in_dim3A_809 : i32 to vector<16xi32>
    %add3A_811 = arith.constant 48 : i32
    %add3A_812 = vector.broadcast %add3A_811 : i32 to vector<16xi32>
    %add3A_813 = arith.addi %iota3A, %add3A_812 : vector<16xi32>
    %gather3A_814 = tpu.vector_load_idx %arg19[%broadcast_in_dim3A_810, %add3A_813] : memref<16x128xf32, #tpu.memory_space<vmem>>[vector<16xi32>, vector<16xi32>], vector<16xf32>,
    %mul3A_815 = arith.mulf %gather3A_808, %gather3A_814 : vector<16xf32>
    %add3A_816 = arith.addf %add3A_803, %mul3A_815 : vector<16xf32>
    %broadcast_in_dim3A_817 = arith.constant 1 : i32
    %broadcast_in_dim3A_818 = vector.broadcast %broadcast_in_dim3A_817 : i32 to vector<16xi32>
    %broadcast_in_dim3A_819 = arith.constant 7 : i32
    %broadcast_in_dim3A_820 = vector.broadcast %broadcast_in_dim3A_819 : i32 to vector<16xi32>
    %gather3A_821 = tpu.vector_load_idx %arg18[%broadcast_in_dim3A_818, %broadcast_in_dim3A_820] : memref<2x16xf32, #tpu.memory_space<vmem>>[vector<16xi32>, vector<16xi32>], vector<16xf32>,
    %broadcast_in_dim3A_822 = arith.constant 7 : i32
    %broadcast_in_dim3A_823 = vector.broadcast %broadcast_in_dim3A_822 : i32 to vector<16xi32>
    %add3A_824 = arith.constant 48 : i32
    %add3A_825 = vector.broadcast %add3A_824 : i32 to vector<16xi32>
    %add3A_826 = arith.addi %iota3A, %add3A_825 : vector<16xi32>
    %gather3A_827 = tpu.vector_load_idx %arg19[%broadcast_in_dim3A_823, %add3A_826] : memref<16x128xf32, #tpu.memory_space<vmem>>[vector<16xi32>, vector<16xi32>], vector<16xf32>,
    %mul3A_828 = arith.mulf %gather3A_821, %gather3A_827 : vector<16xf32>
    %add3A_829 = arith.addf %add3A_816, %mul3A_828 : vector<16xf32>
    %broadcast_in_dim3A_830 = arith.constant 1 : i32
    %broadcast_in_dim3A_831 = vector.broadcast %broadcast_in_dim3A_830 : i32 to vector<16xi32>
    %broadcast_in_dim3A_832 = arith.constant 8 : i32
    %broadcast_in_dim3A_833 = vector.broadcast %broadcast_in_dim3A_832 : i32 to vector<16xi32>
    %gather3A_834 = tpu.vector_load_idx %arg18[%broadcast_in_dim3A_831, %broadcast_in_dim3A_833] : memref<2x16xf32, #tpu.memory_space<vmem>>[vector<16xi32>, vector<16xi32>], vector<16xf32>,
    %broadcast_in_dim3A_835 = arith.constant 8 : i32
    %broadcast_in_dim3A_836 = vector.broadcast %broadcast_in_dim3A_835 : i32 to vector<16xi32>
    %add3A_837 = arith.constant 48 : i32
    %add3A_838 = vector.broadcast %add3A_837 : i32 to vector<16xi32>
    %add3A_839 = arith.addi %iota3A, %add3A_838 : vector<16xi32>
    %gather3A_840 = tpu.vector_load_idx %arg19[%broadcast_in_dim3A_836, %add3A_839] : memref<16x128xf32, #tpu.memory_space<vmem>>[vector<16xi32>, vector<16xi32>], vector<16xf32>,
    %mul3A_841 = arith.mulf %gather3A_834, %gather3A_840 : vector<16xf32>
    %add3A_842 = arith.addf %add3A_829, %mul3A_841 : vector<16xf32>
    %broadcast_in_dim3A_843 = arith.constant 1 : i32
    %broadcast_in_dim3A_844 = vector.broadcast %broadcast_in_dim3A_843 : i32 to vector<16xi32>
    %broadcast_in_dim3A_845 = arith.constant 9 : i32
    %broadcast_in_dim3A_846 = vector.broadcast %broadcast_in_dim3A_845 : i32 to vector<16xi32>
    %gather3A_847 = tpu.vector_load_idx %arg18[%broadcast_in_dim3A_844, %broadcast_in_dim3A_846] : memref<2x16xf32, #tpu.memory_space<vmem>>[vector<16xi32>, vector<16xi32>], vector<16xf32>,
    %broadcast_in_dim3A_848 = arith.constant 9 : i32
    %broadcast_in_dim3A_849 = vector.broadcast %broadcast_in_dim3A_848 : i32 to vector<16xi32>
    %add3A_850 = arith.constant 48 : i32
    %add3A_851 = vector.broadcast %add3A_850 : i32 to vector<16xi32>
    %add3A_852 = arith.addi %iota3A, %add3A_851 : vector<16xi32>
    %gather3A_853 = tpu.vector_load_idx %arg19[%broadcast_in_dim3A_849, %add3A_852] : memref<16x128xf32, #tpu.memory_space<vmem>>[vector<16xi32>, vector<16xi32>], vector<16xf32>,
    %mul3A_854 = arith.mulf %gather3A_847, %gather3A_853 : vector<16xf32>
    %add3A_855 = arith.addf %add3A_842, %mul3A_854 : vector<16xf32>
    %broadcast_in_dim3A_856 = arith.constant 1 : i32
    %broadcast_in_dim3A_857 = vector.broadcast %broadcast_in_dim3A_856 : i32 to vector<16xi32>
    %broadcast_in_dim3A_858 = arith.constant 10 : i32
    %broadcast_in_dim3A_859 = vector.broadcast %broadcast_in_dim3A_858 : i32 to vector<16xi32>
    %gather3A_860 = tpu.vector_load_idx %arg18[%broadcast_in_dim3A_857, %broadcast_in_dim3A_859] : memref<2x16xf32, #tpu.memory_space<vmem>>[vector<16xi32>, vector<16xi32>], vector<16xf32>,
    %broadcast_in_dim3A_861 = arith.constant 10 : i32
    %broadcast_in_dim3A_862 = vector.broadcast %broadcast_in_dim3A_861 : i32 to vector<16xi32>
    %add3A_863 = arith.constant 48 : i32
    %add3A_864 = vector.broadcast %add3A_863 : i32 to vector<16xi32>
    %add3A_865 = arith.addi %iota3A, %add3A_864 : vector<16xi32>
    %gather3A_866 = tpu.vector_load_idx %arg19[%broadcast_in_dim3A_862, %add3A_865] : memref<16x128xf32, #tpu.memory_space<vmem>>[vector<16xi32>, vector<16xi32>], vector<16xf32>,
    %mul3A_867 = arith.mulf %gather3A_860, %gather3A_866 : vector<16xf32>
    %add3A_868 = arith.addf %add3A_855, %mul3A_867 : vector<16xf32>
    %broadcast_in_dim3A_869 = arith.constant 1 : i32
    %broadcast_in_dim3A_870 = vector.broadcast %broadcast_in_dim3A_869 : i32 to vector<16xi32>
    %broadcast_in_dim3A_871 = arith.constant 11 : i32
    %broadcast_in_dim3A_872 = vector.broadcast %broadcast_in_dim3A_871 : i32 to vector<16xi32>
    %gather3A_873 = tpu.vector_load_idx %arg18[%broadcast_in_dim3A_870, %broadcast_in_dim3A_872] : memref<2x16xf32, #tpu.memory_space<vmem>>[vector<16xi32>, vector<16xi32>], vector<16xf32>,
    %broadcast_in_dim3A_874 = arith.constant 11 : i32
    %broadcast_in_dim3A_875 = vector.broadcast %broadcast_in_dim3A_874 : i32 to vector<16xi32>
    %add3A_876 = arith.constant 48 : i32
    %add3A_877 = vector.broadcast %add3A_876 : i32 to vector<16xi32>
    %add3A_878 = arith.addi %iota3A, %add3A_877 : vector<16xi32>
    %gather3A_879 = tpu.vector_load_idx %arg19[%broadcast_in_dim3A_875, %add3A_878] : memref<16x128xf32, #tpu.memory_space<vmem>>[vector<16xi32>, vector<16xi32>], vector<16xf32>,
    %mul3A_880 = arith.mulf %gather3A_873, %gather3A_879 : vector<16xf32>
    %add3A_881 = arith.addf %add3A_868, %mul3A_880 : vector<16xf32>
    %broadcast_in_dim3A_882 = arith.constant 1 : i32
    %broadcast_in_dim3A_883 = vector.broadcast %broadcast_in_dim3A_882 : i32 to vector<16xi32>
    %broadcast_in_dim3A_884 = arith.constant 12 : i32
    %broadcast_in_dim3A_885 = vector.broadcast %broadcast_in_dim3A_884 : i32 to vector<16xi32>
    %gather3A_886 = tpu.vector_load_idx %arg18[%broadcast_in_dim3A_883, %broadcast_in_dim3A_885] : memref<2x16xf32, #tpu.memory_space<vmem>>[vector<16xi32>, vector<16xi32>], vector<16xf32>,
    %broadcast_in_dim3A_887 = arith.constant 12 : i32
    %broadcast_in_dim3A_888 = vector.broadcast %broadcast_in_dim3A_887 : i32 to vector<16xi32>
    %add3A_889 = arith.constant 48 : i32
    %add3A_890 = vector.broadcast %add3A_889 : i32 to vector<16xi32>
    %add3A_891 = arith.addi %iota3A, %add3A_890 : vector<16xi32>
    %gather3A_892 = tpu.vector_load_idx %arg19[%broadcast_in_dim3A_888, %add3A_891] : memref<16x128xf32, #tpu.memory_space<vmem>>[vector<16xi32>, vector<16xi32>], vector<16xf32>,
    %mul3A_893 = arith.mulf %gather3A_886, %gather3A_892 : vector<16xf32>
    %add3A_894 = arith.addf %add3A_881, %mul3A_893 : vector<16xf32>
    %broadcast_in_dim3A_895 = arith.constant 1 : i32
    %broadcast_in_dim3A_896 = vector.broadcast %broadcast_in_dim3A_895 : i32 to vector<16xi32>
    %broadcast_in_dim3A_897 = arith.constant 13 : i32
    %broadcast_in_dim3A_898 = vector.broadcast %broadcast_in_dim3A_897 : i32 to vector<16xi32>
    %gather3A_899 = tpu.vector_load_idx %arg18[%broadcast_in_dim3A_896, %broadcast_in_dim3A_898] : memref<2x16xf32, #tpu.memory_space<vmem>>[vector<16xi32>, vector<16xi32>], vector<16xf32>,
    %broadcast_in_dim3A_900 = arith.constant 13 : i32
    %broadcast_in_dim3A_901 = vector.broadcast %broadcast_in_dim3A_900 : i32 to vector<16xi32>
    %add3A_902 = arith.constant 48 : i32
    %add3A_903 = vector.broadcast %add3A_902 : i32 to vector<16xi32>
    %add3A_904 = arith.addi %iota3A, %add3A_903 : vector<16xi32>
    %gather3A_905 = tpu.vector_load_idx %arg19[%broadcast_in_dim3A_901, %add3A_904] : memref<16x128xf32, #tpu.memory_space<vmem>>[vector<16xi32>, vector<16xi32>], vector<16xf32>,
    %mul3A_906 = arith.mulf %gather3A_899, %gather3A_905 : vector<16xf32>
    %add3A_907 = arith.addf %add3A_894, %mul3A_906 : vector<16xf32>
    %broadcast_in_dim3A_908 = arith.constant 1 : i32
    %broadcast_in_dim3A_909 = vector.broadcast %broadcast_in_dim3A_908 : i32 to vector<16xi32>
    %broadcast_in_dim3A_910 = arith.constant 14 : i32
    %broadcast_in_dim3A_911 = vector.broadcast %broadcast_in_dim3A_910 : i32 to vector<16xi32>
    %gather3A_912 = tpu.vector_load_idx %arg18[%broadcast_in_dim3A_909, %broadcast_in_dim3A_911] : memref<2x16xf32, #tpu.memory_space<vmem>>[vector<16xi32>, vector<16xi32>], vector<16xf32>,
    %broadcast_in_dim3A_913 = arith.constant 14 : i32
    %broadcast_in_dim3A_914 = vector.broadcast %broadcast_in_dim3A_913 : i32 to vector<16xi32>
    %add3A_915 = arith.constant 48 : i32
    %add3A_916 = vector.broadcast %add3A_915 : i32 to vector<16xi32>
    %add3A_917 = arith.addi %iota3A, %add3A_916 : vector<16xi32>
    %gather3A_918 = tpu.vector_load_idx %arg19[%broadcast_in_dim3A_914, %add3A_917] : memref<16x128xf32, #tpu.memory_space<vmem>>[vector<16xi32>, vector<16xi32>], vector<16xf32>,
    %mul3A_919 = arith.mulf %gather3A_912, %gather3A_918 : vector<16xf32>
    %add3A_920 = arith.addf %add3A_907, %mul3A_919 : vector<16xf32>
    %broadcast_in_dim3A_921 = arith.constant 1 : i32
    %broadcast_in_dim3A_922 = vector.broadcast %broadcast_in_dim3A_921 : i32 to vector<16xi32>
    %broadcast_in_dim3A_923 = arith.constant 15 : i32
    %broadcast_in_dim3A_924 = vector.broadcast %broadcast_in_dim3A_923 : i32 to vector<16xi32>
    %gather3A_925 = tpu.vector_load_idx %arg18[%broadcast_in_dim3A_922, %broadcast_in_dim3A_924] : memref<2x16xf32, #tpu.memory_space<vmem>>[vector<16xi32>, vector<16xi32>], vector<16xf32>,
    %broadcast_in_dim3A_926 = arith.constant 15 : i32
    %broadcast_in_dim3A_927 = vector.broadcast %broadcast_in_dim3A_926 : i32 to vector<16xi32>
    %add3A_928 = arith.constant 48 : i32
    %add3A_929 = vector.broadcast %add3A_928 : i32 to vector<16xi32>
    %add3A_930 = arith.addi %iota3A, %add3A_929 : vector<16xi32>
    %gather3A_931 = tpu.vector_load_idx %arg19[%broadcast_in_dim3A_927, %add3A_930] : memref<16x128xf32, #tpu.memory_space<vmem>>[vector<16xi32>, vector<16xi32>], vector<16xf32>,
    %mul3A_932 = arith.mulf %gather3A_925, %gather3A_931 : vector<16xf32>
    %add3A_933 = arith.addf %add3A_920, %mul3A_932 : vector<16xf32>
    %swap3A_934 = arith.constant 0 : i32
    %swap3A_935 = arith.constant 3 : i32
    %swap3A_936 = arith.index_cast %swap3A_934 : i32 to index
    %swap3A_937 = arith.index_cast %swap3A_935 : i32 to index
    %swap3A_938 = arith.constant 0 : index
    %swap3A_939 = tpu.vector_load %arg20[%swap3A_936, %swap3A_937, %swap3A_938] {strides = array<i32>} : memref<1x8x16xf32, #tpu.memory_space<vmem>>, vector<16xf32>,
    tpu.vector_store %arg20[%swap3A_936, %swap3A_937, %swap3A_938], %add3A_933 {strides = array<i32>} : memref<1x8x16xf32, #tpu.memory_space<vmem>>, vector<16xf32>,
    %broadcast_in_dim3A_940 = arith.constant 0.000000e+00 : f32
    %broadcast_in_dim3A_941 = vector.broadcast %broadcast_in_dim3A_940 : f32 to vector<16xf32>
    %broadcast_in_dim3A_942 = arith.constant 1 : i32
    %broadcast_in_dim3A_943 = vector.broadcast %broadcast_in_dim3A_942 : i32 to vector<16xi32>
    %broadcast_in_dim3A_944 = arith.constant 0 : i32
    %broadcast_in_dim3A_945 = vector.broadcast %broadcast_in_dim3A_944 : i32 to vector<16xi32>
    %gather3A_946 = tpu.vector_load_idx %arg18[%broadcast_in_dim3A_943, %broadcast_in_dim3A_945] : memref<2x16xf32, #tpu.memory_space<vmem>>[vector<16xi32>, vector<16xi32>], vector<16xf32>,
    %broadcast_in_dim3A_947 = arith.constant 0 : i32
    %broadcast_in_dim3A_948 = vector.broadcast %broadcast_in_dim3A_947 : i32 to vector<16xi32>
    %add3A_949 = arith.constant 64 : i32
    %add3A_950 = vector.broadcast %add3A_949 : i32 to vector<16xi32>
    %add3A_951 = arith.addi %iota3A, %add3A_950 : vector<16xi32>
    %gather3A_952 = tpu.vector_load_idx %arg19[%broadcast_in_dim3A_948, %add3A_951] : memref<16x128xf32, #tpu.memory_space<vmem>>[vector<16xi32>, vector<16xi32>], vector<16xf32>,
    %mul3A_953 = arith.mulf %gather3A_946, %gather3A_952 : vector<16xf32>
    %add3A_954 = arith.addf %broadcast_in_dim3A_941, %mul3A_953 : vector<16xf32>
    %broadcast_in_dim3A_955 = arith.constant 1 : i32
    %broadcast_in_dim3A_956 = vector.broadcast %broadcast_in_dim3A_955 : i32 to vector<16xi32>
    %broadcast_in_dim3A_957 = arith.constant 1 : i32
    %broadcast_in_dim3A_958 = vector.broadcast %broadcast_in_dim3A_957 : i32 to vector<16xi32>
    %gather3A_959 = tpu.vector_load_idx %arg18[%broadcast_in_dim3A_956, %broadcast_in_dim3A_958] : memref<2x16xf32, #tpu.memory_space<vmem>>[vector<16xi32>, vector<16xi32>], vector<16xf32>,
    %broadcast_in_dim3A_960 = arith.constant 1 : i32
    %broadcast_in_dim3A_961 = vector.broadcast %broadcast_in_dim3A_960 : i32 to vector<16xi32>
    %add3A_962 = arith.constant 64 : i32
    %add3A_963 = vector.broadcast %add3A_962 : i32 to vector<16xi32>
    %add3A_964 = arith.addi %iota3A, %add3A_963 : vector<16xi32>
    %gather3A_965 = tpu.vector_load_idx %arg19[%broadcast_in_dim3A_961, %add3A_964] : memref<16x128xf32, #tpu.memory_space<vmem>>[vector<16xi32>, vector<16xi32>], vector<16xf32>,
    %mul3A_966 = arith.mulf %gather3A_959, %gather3A_965 : vector<16xf32>
    %add3A_967 = arith.addf %add3A_954, %mul3A_966 : vector<16xf32>
    %broadcast_in_dim3A_968 = arith.constant 1 : i32
    %broadcast_in_dim3A_969 = vector.broadcast %broadcast_in_dim3A_968 : i32 to vector<16xi32>
    %broadcast_in_dim3A_970 = arith.constant 2 : i32
    %broadcast_in_dim3A_971 = vector.broadcast %broadcast_in_dim3A_970 : i32 to vector<16xi32>
    %gather3A_972 = tpu.vector_load_idx %arg18[%broadcast_in_dim3A_969, %broadcast_in_dim3A_971] : memref<2x16xf32, #tpu.memory_space<vmem>>[vector<16xi32>, vector<16xi32>], vector<16xf32>,
    %broadcast_in_dim3A_973 = arith.constant 2 : i32
    %broadcast_in_dim3A_974 = vector.broadcast %broadcast_in_dim3A_973 : i32 to vector<16xi32>
    %add3A_975 = arith.constant 64 : i32
    %add3A_976 = vector.broadcast %add3A_975 : i32 to vector<16xi32>
    %add3A_977 = arith.addi %iota3A, %add3A_976 : vector<16xi32>
    %gather3A_978 = tpu.vector_load_idx %arg19[%broadcast_in_dim3A_974, %add3A_977] : memref<16x128xf32, #tpu.memory_space<vmem>>[vector<16xi32>, vector<16xi32>], vector<16xf32>,
    %mul3A_979 = arith.mulf %gather3A_972, %gather3A_978 : vector<16xf32>
    %add3A_980 = arith.addf %add3A_967, %mul3A_979 : vector<16xf32>
    %broadcast_in_dim3A_981 = arith.constant 1 : i32
    %broadcast_in_dim3A_982 = vector.broadcast %broadcast_in_dim3A_981 : i32 to vector<16xi32>
    %broadcast_in_dim3A_983 = arith.constant 3 : i32
    %broadcast_in_dim3A_984 = vector.broadcast %broadcast_in_dim3A_983 : i32 to vector<16xi32>
    %gather3A_985 = tpu.vector_load_idx %arg18[%broadcast_in_dim3A_982, %broadcast_in_dim3A_984] : memref<2x16xf32, #tpu.memory_space<vmem>>[vector<16xi32>, vector<16xi32>], vector<16xf32>,
    %broadcast_in_dim3A_986 = arith.constant 3 : i32
    %broadcast_in_dim3A_987 = vector.broadcast %broadcast_in_dim3A_986 : i32 to vector<16xi32>
    %add3A_988 = arith.constant 64 : i32
    %add3A_989 = vector.broadcast %add3A_988 : i32 to vector<16xi32>
    %add3A_990 = arith.addi %iota3A, %add3A_989 : vector<16xi32>
    %gather3A_991 = tpu.vector_load_idx %arg19[%broadcast_in_dim3A_987, %add3A_990] : memref<16x128xf32, #tpu.memory_space<vmem>>[vector<16xi32>, vector<16xi32>], vector<16xf32>,
    %mul3A_992 = arith.mulf %gather3A_985, %gather3A_991 : vector<16xf32>
    %add3A_993 = arith.addf %add3A_980, %mul3A_992 : vector<16xf32>
    %broadcast_in_dim3A_994 = arith.constant 1 : i32
    %broadcast_in_dim3A_995 = vector.broadcast %broadcast_in_dim3A_994 : i32 to vector<16xi32>
    %broadcast_in_dim3A_996 = arith.constant 4 : i32
    %broadcast_in_dim3A_997 = vector.broadcast %broadcast_in_dim3A_996 : i32 to vector<16xi32>
    %gather3A_998 = tpu.vector_load_idx %arg18[%broadcast_in_dim3A_995, %broadcast_in_dim3A_997] : memref<2x16xf32, #tpu.memory_space<vmem>>[vector<16xi32>, vector<16xi32>], vector<16xf32>,
    %broadcast_in_dim3A_999 = arith.constant 4 : i32
    %broadcast_in_dim3A_1000 = vector.broadcast %broadcast_in_dim3A_999 : i32 to vector<16xi32>
    %add3A_1001 = arith.constant 64 : i32
    %add3A_1002 = vector.broadcast %add3A_1001 : i32 to vector<16xi32>
    %add3A_1003 = arith.addi %iota3A, %add3A_1002 : vector<16xi32>
    %gather3A_1004 = tpu.vector_load_idx %arg19[%broadcast_in_dim3A_1000, %add3A_1003] : memref<16x128xf32, #tpu.memory_space<vmem>>[vector<16xi32>, vector<16xi32>], vector<16xf32>,
    %mul3A_1005 = arith.mulf %gather3A_998, %gather3A_1004 : vector<16xf32>
    %add3A_1006 = arith.addf %add3A_993, %mul3A_1005 : vector<16xf32>
    %broadcast_in_dim3A_1007 = arith.constant 1 : i32
    %broadcast_in_dim3A_1008 = vector.broadcast %broadcast_in_dim3A_1007 : i32 to vector<16xi32>
    %broadcast_in_dim3A_1009 = arith.constant 5 : i32
    %broadcast_in_dim3A_1010 = vector.broadcast %broadcast_in_dim3A_1009 : i32 to vector<16xi32>
    %gather3A_1011 = tpu.vector_load_idx %arg18[%broadcast_in_dim3A_1008, %broadcast_in_dim3A_1010] : memref<2x16xf32, #tpu.memory_space<vmem>>[vector<16xi32>, vector<16xi32>], vector<16xf32>,
    %broadcast_in_dim3A_1012 = arith.constant 5 : i32
    %broadcast_in_dim3A_1013 = vector.broadcast %broadcast_in_dim3A_1012 : i32 to vector<16xi32>
    %add3A_1014 = arith.constant 64 : i32
    %add3A_1015 = vector.broadcast %add3A_1014 : i32 to vector<16xi32>
    %add3A_1016 = arith.addi %iota3A, %add3A_1015 : vector<16xi32>
    %gather3A_1017 = tpu.vector_load_idx %arg19[%broadcast_in_dim3A_1013, %add3A_1016] : memref<16x128xf32, #tpu.memory_space<vmem>>[vector<16xi32>, vector<16xi32>], vector<16xf32>,
    %mul3A_1018 = arith.mulf %gather3A_1011, %gather3A_1017 : vector<16xf32>
    %add3A_1019 = arith.addf %add3A_1006, %mul3A_1018 : vector<16xf32>
    %broadcast_in_dim3A_1020 = arith.constant 1 : i32
    %broadcast_in_dim3A_1021 = vector.broadcast %broadcast_in_dim3A_1020 : i32 to vector<16xi32>
    %broadcast_in_dim3A_1022 = arith.constant 6 : i32
    %broadcast_in_dim3A_1023 = vector.broadcast %broadcast_in_dim3A_1022 : i32 to vector<16xi32>
    %gather3A_1024 = tpu.vector_load_idx %arg18[%broadcast_in_dim3A_1021, %broadcast_in_dim3A_1023] : memref<2x16xf32, #tpu.memory_space<vmem>>[vector<16xi32>, vector<16xi32>], vector<16xf32>,
    %broadcast_in_dim3A_1025 = arith.constant 6 : i32
    %broadcast_in_dim3A_1026 = vector.broadcast %broadcast_in_dim3A_1025 : i32 to vector<16xi32>
    %add3A_1027 = arith.constant 64 : i32
    %add3A_1028 = vector.broadcast %add3A_1027 : i32 to vector<16xi32>
    %add3A_1029 = arith.addi %iota3A, %add3A_1028 : vector<16xi32>
    %gather3A_1030 = tpu.vector_load_idx %arg19[%broadcast_in_dim3A_1026, %add3A_1029] : memref<16x128xf32, #tpu.memory_space<vmem>>[vector<16xi32>, vector<16xi32>], vector<16xf32>,
    %mul3A_1031 = arith.mulf %gather3A_1024, %gather3A_1030 : vector<16xf32>
    %add3A_1032 = arith.addf %add3A_1019, %mul3A_1031 : vector<16xf32>
    %broadcast_in_dim3A_1033 = arith.constant 1 : i32
    %broadcast_in_dim3A_1034 = vector.broadcast %broadcast_in_dim3A_1033 : i32 to vector<16xi32>
    %broadcast_in_dim3A_1035 = arith.constant 7 : i32
    %broadcast_in_dim3A_1036 = vector.broadcast %broadcast_in_dim3A_1035 : i32 to vector<16xi32>
    %gather3A_1037 = tpu.vector_load_idx %arg18[%broadcast_in_dim3A_1034, %broadcast_in_dim3A_1036] : memref<2x16xf32, #tpu.memory_space<vmem>>[vector<16xi32>, vector<16xi32>], vector<16xf32>,
    %broadcast_in_dim3A_1038 = arith.constant 7 : i32
    %broadcast_in_dim3A_1039 = vector.broadcast %broadcast_in_dim3A_1038 : i32 to vector<16xi32>
    %add3A_1040 = arith.constant 64 : i32
    %add3A_1041 = vector.broadcast %add3A_1040 : i32 to vector<16xi32>
    %add3A_1042 = arith.addi %iota3A, %add3A_1041 : vector<16xi32>
    %gather3A_1043 = tpu.vector_load_idx %arg19[%broadcast_in_dim3A_1039, %add3A_1042] : memref<16x128xf32, #tpu.memory_space<vmem>>[vector<16xi32>, vector<16xi32>], vector<16xf32>,
    %mul3A_1044 = arith.mulf %gather3A_1037, %gather3A_1043 : vector<16xf32>
    %add3A_1045 = arith.addf %add3A_1032, %mul3A_1044 : vector<16xf32>
    %broadcast_in_dim3A_1046 = arith.constant 1 : i32
    %broadcast_in_dim3A_1047 = vector.broadcast %broadcast_in_dim3A_1046 : i32 to vector<16xi32>
    %broadcast_in_dim3A_1048 = arith.constant 8 : i32
    %broadcast_in_dim3A_1049 = vector.broadcast %broadcast_in_dim3A_1048 : i32 to vector<16xi32>
    %gather3A_1050 = tpu.vector_load_idx %arg18[%broadcast_in_dim3A_1047, %broadcast_in_dim3A_1049] : memref<2x16xf32, #tpu.memory_space<vmem>>[vector<16xi32>, vector<16xi32>], vector<16xf32>,
    %broadcast_in_dim3A_1051 = arith.constant 8 : i32
    %broadcast_in_dim3A_1052 = vector.broadcast %broadcast_in_dim3A_1051 : i32 to vector<16xi32>
    %add3A_1053 = arith.constant 64 : i32
    %add3A_1054 = vector.broadcast %add3A_1053 : i32 to vector<16xi32>
    %add3A_1055 = arith.addi %iota3A, %add3A_1054 : vector<16xi32>
    %gather3A_1056 = tpu.vector_load_idx %arg19[%broadcast_in_dim3A_1052, %add3A_1055] : memref<16x128xf32, #tpu.memory_space<vmem>>[vector<16xi32>, vector<16xi32>], vector<16xf32>,
    %mul3A_1057 = arith.mulf %gather3A_1050, %gather3A_1056 : vector<16xf32>
    %add3A_1058 = arith.addf %add3A_1045, %mul3A_1057 : vector<16xf32>
    %broadcast_in_dim3A_1059 = arith.constant 1 : i32
    %broadcast_in_dim3A_1060 = vector.broadcast %broadcast_in_dim3A_1059 : i32 to vector<16xi32>
    %broadcast_in_dim3A_1061 = arith.constant 9 : i32
    %broadcast_in_dim3A_1062 = vector.broadcast %broadcast_in_dim3A_1061 : i32 to vector<16xi32>
    %gather3A_1063 = tpu.vector_load_idx %arg18[%broadcast_in_dim3A_1060, %broadcast_in_dim3A_1062] : memref<2x16xf32, #tpu.memory_space<vmem>>[vector<16xi32>, vector<16xi32>], vector<16xf32>,
    %broadcast_in_dim3A_1064 = arith.constant 9 : i32
    %broadcast_in_dim3A_1065 = vector.broadcast %broadcast_in_dim3A_1064 : i32 to vector<16xi32>
    %add3A_1066 = arith.constant 64 : i32
    %add3A_1067 = vector.broadcast %add3A_1066 : i32 to vector<16xi32>
    %add3A_1068 = arith.addi %iota3A, %add3A_1067 : vector<16xi32>
    %gather3A_1069 = tpu.vector_load_idx %arg19[%broadcast_in_dim3A_1065, %add3A_1068] : memref<16x128xf32, #tpu.memory_space<vmem>>[vector<16xi32>, vector<16xi32>], vector<16xf32>,
    %mul3A_1070 = arith.mulf %gather3A_1063, %gather3A_1069 : vector<16xf32>
    %add3A_1071 = arith.addf %add3A_1058, %mul3A_1070 : vector<16xf32>
    %broadcast_in_dim3A_1072 = arith.constant 1 : i32
    %broadcast_in_dim3A_1073 = vector.broadcast %broadcast_in_dim3A_1072 : i32 to vector<16xi32>
    %broadcast_in_dim3A_1074 = arith.constant 10 : i32
    %broadcast_in_dim3A_1075 = vector.broadcast %broadcast_in_dim3A_1074 : i32 to vector<16xi32>
    %gather3A_1076 = tpu.vector_load_idx %arg18[%broadcast_in_dim3A_1073, %broadcast_in_dim3A_1075] : memref<2x16xf32, #tpu.memory_space<vmem>>[vector<16xi32>, vector<16xi32>], vector<16xf32>,
    %broadcast_in_dim3A_1077 = arith.constant 10 : i32
    %broadcast_in_dim3A_1078 = vector.broadcast %broadcast_in_dim3A_1077 : i32 to vector<16xi32>
    %add3A_1079 = arith.constant 64 : i32
    %add3A_1080 = vector.broadcast %add3A_1079 : i32 to vector<16xi32>
    %add3A_1081 = arith.addi %iota3A, %add3A_1080 : vector<16xi32>
    %gather3A_1082 = tpu.vector_load_idx %arg19[%broadcast_in_dim3A_1078, %add3A_1081] : memref<16x128xf32, #tpu.memory_space<vmem>>[vector<16xi32>, vector<16xi32>], vector<16xf32>,
    %mul3A_1083 = arith.mulf %gather3A_1076, %gather3A_1082 : vector<16xf32>
    %add3A_1084 = arith.addf %add3A_1071, %mul3A_1083 : vector<16xf32>
    %broadcast_in_dim3A_1085 = arith.constant 1 : i32
    %broadcast_in_dim3A_1086 = vector.broadcast %broadcast_in_dim3A_1085 : i32 to vector<16xi32>
    %broadcast_in_dim3A_1087 = arith.constant 11 : i32
    %broadcast_in_dim3A_1088 = vector.broadcast %broadcast_in_dim3A_1087 : i32 to vector<16xi32>
    %gather3A_1089 = tpu.vector_load_idx %arg18[%broadcast_in_dim3A_1086, %broadcast_in_dim3A_1088] : memref<2x16xf32, #tpu.memory_space<vmem>>[vector<16xi32>, vector<16xi32>], vector<16xf32>,
    %broadcast_in_dim3A_1090 = arith.constant 11 : i32
    %broadcast_in_dim3A_1091 = vector.broadcast %broadcast_in_dim3A_1090 : i32 to vector<16xi32>
    %add3A_1092 = arith.constant 64 : i32
    %add3A_1093 = vector.broadcast %add3A_1092 : i32 to vector<16xi32>
    %add3A_1094 = arith.addi %iota3A, %add3A_1093 : vector<16xi32>
    %gather3A_1095 = tpu.vector_load_idx %arg19[%broadcast_in_dim3A_1091, %add3A_1094] : memref<16x128xf32, #tpu.memory_space<vmem>>[vector<16xi32>, vector<16xi32>], vector<16xf32>,
    %mul3A_1096 = arith.mulf %gather3A_1089, %gather3A_1095 : vector<16xf32>
    %add3A_1097 = arith.addf %add3A_1084, %mul3A_1096 : vector<16xf32>
    %broadcast_in_dim3A_1098 = arith.constant 1 : i32
    %broadcast_in_dim3A_1099 = vector.broadcast %broadcast_in_dim3A_1098 : i32 to vector<16xi32>
    %broadcast_in_dim3A_1100 = arith.constant 12 : i32
    %broadcast_in_dim3A_1101 = vector.broadcast %broadcast_in_dim3A_1100 : i32 to vector<16xi32>
    %gather3A_1102 = tpu.vector_load_idx %arg18[%broadcast_in_dim3A_1099, %broadcast_in_dim3A_1101] : memref<2x16xf32, #tpu.memory_space<vmem>>[vector<16xi32>, vector<16xi32>], vector<16xf32>,
    %broadcast_in_dim3A_1103 = arith.constant 12 : i32
    %broadcast_in_dim3A_1104 = vector.broadcast %broadcast_in_dim3A_1103 : i32 to vector<16xi32>
    %add3A_1105 = arith.constant 64 : i32
    %add3A_1106 = vector.broadcast %add3A_1105 : i32 to vector<16xi32>
    %add3A_1107 = arith.addi %iota3A, %add3A_1106 : vector<16xi32>
    %gather3A_1108 = tpu.vector_load_idx %arg19[%broadcast_in_dim3A_1104, %add3A_1107] : memref<16x128xf32, #tpu.memory_space<vmem>>[vector<16xi32>, vector<16xi32>], vector<16xf32>,
    %mul3A_1109 = arith.mulf %gather3A_1102, %gather3A_1108 : vector<16xf32>
    %add3A_1110 = arith.addf %add3A_1097, %mul3A_1109 : vector<16xf32>
    %broadcast_in_dim3A_1111 = arith.constant 1 : i32
    %broadcast_in_dim3A_1112 = vector.broadcast %broadcast_in_dim3A_1111 : i32 to vector<16xi32>
    %broadcast_in_dim3A_1113 = arith.constant 13 : i32
    %broadcast_in_dim3A_1114 = vector.broadcast %broadcast_in_dim3A_1113 : i32 to vector<16xi32>
    %gather3A_1115 = tpu.vector_load_idx %arg18[%broadcast_in_dim3A_1112, %broadcast_in_dim3A_1114] : memref<2x16xf32, #tpu.memory_space<vmem>>[vector<16xi32>, vector<16xi32>], vector<16xf32>,
    %broadcast_in_dim3A_1116 = arith.constant 13 : i32
    %broadcast_in_dim3A_1117 = vector.broadcast %broadcast_in_dim3A_1116 : i32 to vector<16xi32>
    %add3A_1118 = arith.constant 64 : i32
    %add3A_1119 = vector.broadcast %add3A_1118 : i32 to vector<16xi32>
    %add3A_1120 = arith.addi %iota3A, %add3A_1119 : vector<16xi32>
    %gather3A_1121 = tpu.vector_load_idx %arg19[%broadcast_in_dim3A_1117, %add3A_1120] : memref<16x128xf32, #tpu.memory_space<vmem>>[vector<16xi32>, vector<16xi32>], vector<16xf32>,
    %mul3A_1122 = arith.mulf %gather3A_1115, %gather3A_1121 : vector<16xf32>
    %add3A_1123 = arith.addf %add3A_1110, %mul3A_1122 : vector<16xf32>
    %broadcast_in_dim3A_1124 = arith.constant 1 : i32
    %broadcast_in_dim3A_1125 = vector.broadcast %broadcast_in_dim3A_1124 : i32 to vector<16xi32>
    %broadcast_in_dim3A_1126 = arith.constant 14 : i32
    %broadcast_in_dim3A_1127 = vector.broadcast %broadcast_in_dim3A_1126 : i32 to vector<16xi32>
    %gather3A_1128 = tpu.vector_load_idx %arg18[%broadcast_in_dim3A_1125, %broadcast_in_dim3A_1127] : memref<2x16xf32, #tpu.memory_space<vmem>>[vector<16xi32>, vector<16xi32>], vector<16xf32>,
    %broadcast_in_dim3A_1129 = arith.constant 14 : i32
    %broadcast_in_dim3A_1130 = vector.broadcast %broadcast_in_dim3A_1129 : i32 to vector<16xi32>
    %add3A_1131 = arith.constant 64 : i32
    %add3A_1132 = vector.broadcast %add3A_1131 : i32 to vector<16xi32>
    %add3A_1133 = arith.addi %iota3A, %add3A_1132 : vector<16xi32>
    %gather3A_1134 = tpu.vector_load_idx %arg19[%broadcast_in_dim3A_1130, %add3A_1133] : memref<16x128xf32, #tpu.memory_space<vmem>>[vector<16xi32>, vector<16xi32>], vector<16xf32>,
    %mul3A_1135 = arith.mulf %gather3A_1128, %gather3A_1134 : vector<16xf32>
    %add3A_1136 = arith.addf %add3A_1123, %mul3A_1135 : vector<16xf32>
    %broadcast_in_dim3A_1137 = arith.constant 1 : i32
    %broadcast_in_dim3A_1138 = vector.broadcast %broadcast_in_dim3A_1137 : i32 to vector<16xi32>
    %broadcast_in_dim3A_1139 = arith.constant 15 : i32
    %broadcast_in_dim3A_1140 = vector.broadcast %broadcast_in_dim3A_1139 : i32 to vector<16xi32>
    %gather3A_1141 = tpu.vector_load_idx %arg18[%broadcast_in_dim3A_1138, %broadcast_in_dim3A_1140] : memref<2x16xf32, #tpu.memory_space<vmem>>[vector<16xi32>, vector<16xi32>], vector<16xf32>,
    %broadcast_in_dim3A_1142 = arith.constant 15 : i32
    %broadcast_in_dim3A_1143 = vector.broadcast %broadcast_in_dim3A_1142 : i32 to vector<16xi32>
    %add3A_1144 = arith.constant 64 : i32
    %add3A_1145 = vector.broadcast %add3A_1144 : i32 to vector<16xi32>
    %add3A_1146 = arith.addi %iota3A, %add3A_1145 : vector<16xi32>
    %gather3A_1147 = tpu.vector_load_idx %arg19[%broadcast_in_dim3A_1143, %add3A_1146] : memref<16x128xf32, #tpu.memory_space<vmem>>[vector<16xi32>, vector<16xi32>], vector<16xf32>,
    %mul3A_1148 = arith.mulf %gather3A_1141, %gather3A_1147 : vector<16xf32>
    %add3A_1149 = arith.addf %add3A_1136, %mul3A_1148 : vector<16xf32>
    %swap3A_1150 = arith.constant 0 : i32
    %swap3A_1151 = arith.constant 4 : i32
    %swap3A_1152 = arith.index_cast %swap3A_1150 : i32 to index
    %swap3A_1153 = arith.index_cast %swap3A_1151 : i32 to index
    %swap3A_1154 = arith.constant 0 : index
    %swap3A_1155 = tpu.vector_load %arg20[%swap3A_1152, %swap3A_1153, %swap3A_1154] {strides = array<i32>} : memref<1x8x16xf32, #tpu.memory_space<vmem>>, vector<16xf32>,
    tpu.vector_store %arg20[%swap3A_1152, %swap3A_1153, %swap3A_1154], %add3A_1149 {strides = array<i32>} : memref<1x8x16xf32, #tpu.memory_space<vmem>>, vector<16xf32>,
    %broadcast_in_dim3A_1156 = arith.constant 0.000000e+00 : f32
    %broadcast_in_dim3A_1157 = vector.broadcast %broadcast_in_dim3A_1156 : f32 to vector<16xf32>
    %broadcast_in_dim3A_1158 = arith.constant 1 : i32
    %broadcast_in_dim3A_1159 = vector.broadcast %broadcast_in_dim3A_1158 : i32 to vector<16xi32>
    %broadcast_in_dim3A_1160 = arith.constant 0 : i32
    %broadcast_in_dim3A_1161 = vector.broadcast %broadcast_in_dim3A_1160 : i32 to vector<16xi32>
    %gather3A_1162 = tpu.vector_load_idx %arg18[%broadcast_in_dim3A_1159, %broadcast_in_dim3A_1161] : memref<2x16xf32, #tpu.memory_space<vmem>>[vector<16xi32>, vector<16xi32>], vector<16xf32>,
    %broadcast_in_dim3A_1163 = arith.constant 0 : i32
    %broadcast_in_dim3A_1164 = vector.broadcast %broadcast_in_dim3A_1163 : i32 to vector<16xi32>
    %add3A_1165 = arith.constant 80 : i32
    %add3A_1166 = vector.broadcast %add3A_1165 : i32 to vector<16xi32>
    %add3A_1167 = arith.addi %iota3A, %add3A_1166 : vector<16xi32>
    %gather3A_1168 = tpu.vector_load_idx %arg19[%broadcast_in_dim3A_1164, %add3A_1167] : memref<16x128xf32, #tpu.memory_space<vmem>>[vector<16xi32>, vector<16xi32>], vector<16xf32>,
    %mul3A_1169 = arith.mulf %gather3A_1162, %gather3A_1168 : vector<16xf32>
    %add3A_1170 = arith.addf %broadcast_in_dim3A_1157, %mul3A_1169 : vector<16xf32>
    %broadcast_in_dim3A_1171 = arith.constant 1 : i32
    %broadcast_in_dim3A_1172 = vector.broadcast %broadcast_in_dim3A_1171 : i32 to vector<16xi32>
    %broadcast_in_dim3A_1173 = arith.constant 1 : i32
    %broadcast_in_dim3A_1174 = vector.broadcast %broadcast_in_dim3A_1173 : i32 to vector<16xi32>
    %gather3A_1175 = tpu.vector_load_idx %arg18[%broadcast_in_dim3A_1172, %broadcast_in_dim3A_1174] : memref<2x16xf32, #tpu.memory_space<vmem>>[vector<16xi32>, vector<16xi32>], vector<16xf32>,
    %broadcast_in_dim3A_1176 = arith.constant 1 : i32
    %broadcast_in_dim3A_1177 = vector.broadcast %broadcast_in_dim3A_1176 : i32 to vector<16xi32>
    %add3A_1178 = arith.constant 80 : i32
    %add3A_1179 = vector.broadcast %add3A_1178 : i32 to vector<16xi32>
    %add3A_1180 = arith.addi %iota3A, %add3A_1179 : vector<16xi32>
    %gather3A_1181 = tpu.vector_load_idx %arg19[%broadcast_in_dim3A_1177, %add3A_1180] : memref<16x128xf32, #tpu.memory_space<vmem>>[vector<16xi32>, vector<16xi32>], vector<16xf32>,
    %mul3A_1182 = arith.mulf %gather3A_1175, %gather3A_1181 : vector<16xf32>
    %add3A_1183 = arith.addf %add3A_1170, %mul3A_1182 : vector<16xf32>
    %broadcast_in_dim3A_1184 = arith.constant 1 : i32
    %broadcast_in_dim3A_1185 = vector.broadcast %broadcast_in_dim3A_1184 : i32 to vector<16xi32>
    %broadcast_in_dim3A_1186 = arith.constant 2 : i32
    %broadcast_in_dim3A_1187 = vector.broadcast %broadcast_in_dim3A_1186 : i32 to vector<16xi32>
    %gather3A_1188 = tpu.vector_load_idx %arg18[%broadcast_in_dim3A_1185, %broadcast_in_dim3A_1187] : memref<2x16xf32, #tpu.memory_space<vmem>>[vector<16xi32>, vector<16xi32>], vector<16xf32>,
    %broadcast_in_dim3A_1189 = arith.constant 2 : i32
    %broadcast_in_dim3A_1190 = vector.broadcast %broadcast_in_dim3A_1189 : i32 to vector<16xi32>
    %add3A_1191 = arith.constant 80 : i32
    %add3A_1192 = vector.broadcast %add3A_1191 : i32 to vector<16xi32>
    %add3A_1193 = arith.addi %iota3A, %add3A_1192 : vector<16xi32>
    %gather3A_1194 = tpu.vector_load_idx %arg19[%broadcast_in_dim3A_1190, %add3A_1193] : memref<16x128xf32, #tpu.memory_space<vmem>>[vector<16xi32>, vector<16xi32>], vector<16xf32>,
    %mul3A_1195 = arith.mulf %gather3A_1188, %gather3A_1194 : vector<16xf32>
    %add3A_1196 = arith.addf %add3A_1183, %mul3A_1195 : vector<16xf32>
    %broadcast_in_dim3A_1197 = arith.constant 1 : i32
    %broadcast_in_dim3A_1198 = vector.broadcast %broadcast_in_dim3A_1197 : i32 to vector<16xi32>
    %broadcast_in_dim3A_1199 = arith.constant 3 : i32
    %broadcast_in_dim3A_1200 = vector.broadcast %broadcast_in_dim3A_1199 : i32 to vector<16xi32>
    %gather3A_1201 = tpu.vector_load_idx %arg18[%broadcast_in_dim3A_1198, %broadcast_in_dim3A_1200] : memref<2x16xf32, #tpu.memory_space<vmem>>[vector<16xi32>, vector<16xi32>], vector<16xf32>,
    %broadcast_in_dim3A_1202 = arith.constant 3 : i32
    %broadcast_in_dim3A_1203 = vector.broadcast %broadcast_in_dim3A_1202 : i32 to vector<16xi32>
    %add3A_1204 = arith.constant 80 : i32
    %add3A_1205 = vector.broadcast %add3A_1204 : i32 to vector<16xi32>
    %add3A_1206 = arith.addi %iota3A, %add3A_1205 : vector<16xi32>
    %gather3A_1207 = tpu.vector_load_idx %arg19[%broadcast_in_dim3A_1203, %add3A_1206] : memref<16x128xf32, #tpu.memory_space<vmem>>[vector<16xi32>, vector<16xi32>], vector<16xf32>,
    %mul3A_1208 = arith.mulf %gather3A_1201, %gather3A_1207 : vector<16xf32>
    %add3A_1209 = arith.addf %add3A_1196, %mul3A_1208 : vector<16xf32>
    %broadcast_in_dim3A_1210 = arith.constant 1 : i32
    %broadcast_in_dim3A_1211 = vector.broadcast %broadcast_in_dim3A_1210 : i32 to vector<16xi32>
    %broadcast_in_dim3A_1212 = arith.constant 4 : i32
    %broadcast_in_dim3A_1213 = vector.broadcast %broadcast_in_dim3A_1212 : i32 to vector<16xi32>
    %gather3A_1214 = tpu.vector_load_idx %arg18[%broadcast_in_dim3A_1211, %broadcast_in_dim3A_1213] : memref<2x16xf32, #tpu.memory_space<vmem>>[vector<16xi32>, vector<16xi32>], vector<16xf32>,
    %broadcast_in_dim3A_1215 = arith.constant 4 : i32
    %broadcast_in_dim3A_1216 = vector.broadcast %broadcast_in_dim3A_1215 : i32 to vector<16xi32>
    %add3A_1217 = arith.constant 80 : i32
    %add3A_1218 = vector.broadcast %add3A_1217 : i32 to vector<16xi32>
    %add3A_1219 = arith.addi %iota3A, %add3A_1218 : vector<16xi32>
    %gather3A_1220 = tpu.vector_load_idx %arg19[%broadcast_in_dim3A_1216, %add3A_1219] : memref<16x128xf32, #tpu.memory_space<vmem>>[vector<16xi32>, vector<16xi32>], vector<16xf32>,
    %mul3A_1221 = arith.mulf %gather3A_1214, %gather3A_1220 : vector<16xf32>
    %add3A_1222 = arith.addf %add3A_1209, %mul3A_1221 : vector<16xf32>
    %broadcast_in_dim3A_1223 = arith.constant 1 : i32
    %broadcast_in_dim3A_1224 = vector.broadcast %broadcast_in_dim3A_1223 : i32 to vector<16xi32>
    %broadcast_in_dim3A_1225 = arith.constant 5 : i32
    %broadcast_in_dim3A_1226 = vector.broadcast %broadcast_in_dim3A_1225 : i32 to vector<16xi32>
    %gather3A_1227 = tpu.vector_load_idx %arg18[%broadcast_in_dim3A_1224, %broadcast_in_dim3A_1226] : memref<2x16xf32, #tpu.memory_space<vmem>>[vector<16xi32>, vector<16xi32>], vector<16xf32>,
    %broadcast_in_dim3A_1228 = arith.constant 5 : i32
    %broadcast_in_dim3A_1229 = vector.broadcast %broadcast_in_dim3A_1228 : i32 to vector<16xi32>
    %add3A_1230 = arith.constant 80 : i32
    %add3A_1231 = vector.broadcast %add3A_1230 : i32 to vector<16xi32>
    %add3A_1232 = arith.addi %iota3A, %add3A_1231 : vector<16xi32>
    %gather3A_1233 = tpu.vector_load_idx %arg19[%broadcast_in_dim3A_1229, %add3A_1232] : memref<16x128xf32, #tpu.memory_space<vmem>>[vector<16xi32>, vector<16xi32>], vector<16xf32>,
    %mul3A_1234 = arith.mulf %gather3A_1227, %gather3A_1233 : vector<16xf32>
    %add3A_1235 = arith.addf %add3A_1222, %mul3A_1234 : vector<16xf32>
    %broadcast_in_dim3A_1236 = arith.constant 1 : i32
    %broadcast_in_dim3A_1237 = vector.broadcast %broadcast_in_dim3A_1236 : i32 to vector<16xi32>
    %broadcast_in_dim3A_1238 = arith.constant 6 : i32
    %broadcast_in_dim3A_1239 = vector.broadcast %broadcast_in_dim3A_1238 : i32 to vector<16xi32>
    %gather3A_1240 = tpu.vector_load_idx %arg18[%broadcast_in_dim3A_1237, %broadcast_in_dim3A_1239] : memref<2x16xf32, #tpu.memory_space<vmem>>[vector<16xi32>, vector<16xi32>], vector<16xf32>,
    %broadcast_in_dim3A_1241 = arith.constant 6 : i32
    %broadcast_in_dim3A_1242 = vector.broadcast %broadcast_in_dim3A_1241 : i32 to vector<16xi32>
    %add3A_1243 = arith.constant 80 : i32
    %add3A_1244 = vector.broadcast %add3A_1243 : i32 to vector<16xi32>
    %add3A_1245 = arith.addi %iota3A, %add3A_1244 : vector<16xi32>
    %gather3A_1246 = tpu.vector_load_idx %arg19[%broadcast_in_dim3A_1242, %add3A_1245] : memref<16x128xf32, #tpu.memory_space<vmem>>[vector<16xi32>, vector<16xi32>], vector<16xf32>,
    %mul3A_1247 = arith.mulf %gather3A_1240, %gather3A_1246 : vector<16xf32>
    %add3A_1248 = arith.addf %add3A_1235, %mul3A_1247 : vector<16xf32>
    %broadcast_in_dim3A_1249 = arith.constant 1 : i32
    %broadcast_in_dim3A_1250 = vector.broadcast %broadcast_in_dim3A_1249 : i32 to vector<16xi32>
    %broadcast_in_dim3A_1251 = arith.constant 7 : i32
    %broadcast_in_dim3A_1252 = vector.broadcast %broadcast_in_dim3A_1251 : i32 to vector<16xi32>
    %gather3A_1253 = tpu.vector_load_idx %arg18[%broadcast_in_dim3A_1250, %broadcast_in_dim3A_1252] : memref<2x16xf32, #tpu.memory_space<vmem>>[vector<16xi32>, vector<16xi32>], vector<16xf32>,
    %broadcast_in_dim3A_1254 = arith.constant 7 : i32
    %broadcast_in_dim3A_1255 = vector.broadcast %broadcast_in_dim3A_1254 : i32 to vector<16xi32>
    %add3A_1256 = arith.constant 80 : i32
    %add3A_1257 = vector.broadcast %add3A_1256 : i32 to vector<16xi32>
    %add3A_1258 = arith.addi %iota3A, %add3A_1257 : vector<16xi32>
    %gather3A_1259 = tpu.vector_load_idx %arg19[%broadcast_in_dim3A_1255, %add3A_1258] : memref<16x128xf32, #tpu.memory_space<vmem>>[vector<16xi32>, vector<16xi32>], vector<16xf32>,
    %mul3A_1260 = arith.mulf %gather3A_1253, %gather3A_1259 : vector<16xf32>
    %add3A_1261 = arith.addf %add3A_1248, %mul3A_1260 : vector<16xf32>
    %broadcast_in_dim3A_1262 = arith.constant 1 : i32
    %broadcast_in_dim3A_1263 = vector.broadcast %broadcast_in_dim3A_1262 : i32 to vector<16xi32>
    %broadcast_in_dim3A_1264 = arith.constant 8 : i32
    %broadcast_in_dim3A_1265 = vector.broadcast %broadcast_in_dim3A_1264 : i32 to vector<16xi32>
    %gather3A_1266 = tpu.vector_load_idx %arg18[%broadcast_in_dim3A_1263, %broadcast_in_dim3A_1265] : memref<2x16xf32, #tpu.memory_space<vmem>>[vector<16xi32>, vector<16xi32>], vector<16xf32>,
    %broadcast_in_dim3A_1267 = arith.constant 8 : i32
    %broadcast_in_dim3A_1268 = vector.broadcast %broadcast_in_dim3A_1267 : i32 to vector<16xi32>
    %add3A_1269 = arith.constant 80 : i32
    %add3A_1270 = vector.broadcast %add3A_1269 : i32 to vector<16xi32>
    %add3A_1271 = arith.addi %iota3A, %add3A_1270 : vector<16xi32>
    %gather3A_1272 = tpu.vector_load_idx %arg19[%broadcast_in_dim3A_1268, %add3A_1271] : memref<16x128xf32, #tpu.memory_space<vmem>>[vector<16xi32>, vector<16xi32>], vector<16xf32>,
    %mul3A_1273 = arith.mulf %gather3A_1266, %gather3A_1272 : vector<16xf32>
    %add3A_1274 = arith.addf %add3A_1261, %mul3A_1273 : vector<16xf32>
    %broadcast_in_dim3A_1275 = arith.constant 1 : i32
    %broadcast_in_dim3A_1276 = vector.broadcast %broadcast_in_dim3A_1275 : i32 to vector<16xi32>
    %broadcast_in_dim3A_1277 = arith.constant 9 : i32
    %broadcast_in_dim3A_1278 = vector.broadcast %broadcast_in_dim3A_1277 : i32 to vector<16xi32>
    %gather3A_1279 = tpu.vector_load_idx %arg18[%broadcast_in_dim3A_1276, %broadcast_in_dim3A_1278] : memref<2x16xf32, #tpu.memory_space<vmem>>[vector<16xi32>, vector<16xi32>], vector<16xf32>,
    %broadcast_in_dim3A_1280 = arith.constant 9 : i32
    %broadcast_in_dim3A_1281 = vector.broadcast %broadcast_in_dim3A_1280 : i32 to vector<16xi32>
    %add3A_1282 = arith.constant 80 : i32
    %add3A_1283 = vector.broadcast %add3A_1282 : i32 to vector<16xi32>
    %add3A_1284 = arith.addi %iota3A, %add3A_1283 : vector<16xi32>
    %gather3A_1285 = tpu.vector_load_idx %arg19[%broadcast_in_dim3A_1281, %add3A_1284] : memref<16x128xf32, #tpu.memory_space<vmem>>[vector<16xi32>, vector<16xi32>], vector<16xf32>,
    %mul3A_1286 = arith.mulf %gather3A_1279, %gather3A_1285 : vector<16xf32>
    %add3A_1287 = arith.addf %add3A_1274, %mul3A_1286 : vector<16xf32>
    %broadcast_in_dim3A_1288 = arith.constant 1 : i32
    %broadcast_in_dim3A_1289 = vector.broadcast %broadcast_in_dim3A_1288 : i32 to vector<16xi32>
    %broadcast_in_dim3A_1290 = arith.constant 10 : i32
    %broadcast_in_dim3A_1291 = vector.broadcast %broadcast_in_dim3A_1290 : i32 to vector<16xi32>
    %gather3A_1292 = tpu.vector_load_idx %arg18[%broadcast_in_dim3A_1289, %broadcast_in_dim3A_1291] : memref<2x16xf32, #tpu.memory_space<vmem>>[vector<16xi32>, vector<16xi32>], vector<16xf32>,
    %broadcast_in_dim3A_1293 = arith.constant 10 : i32
    %broadcast_in_dim3A_1294 = vector.broadcast %broadcast_in_dim3A_1293 : i32 to vector<16xi32>
    %add3A_1295 = arith.constant 80 : i32
    %add3A_1296 = vector.broadcast %add3A_1295 : i32 to vector<16xi32>
    %add3A_1297 = arith.addi %iota3A, %add3A_1296 : vector<16xi32>
    %gather3A_1298 = tpu.vector_load_idx %arg19[%broadcast_in_dim3A_1294, %add3A_1297] : memref<16x128xf32, #tpu.memory_space<vmem>>[vector<16xi32>, vector<16xi32>], vector<16xf32>,
    %mul3A_1299 = arith.mulf %gather3A_1292, %gather3A_1298 : vector<16xf32>
    %add3A_1300 = arith.addf %add3A_1287, %mul3A_1299 : vector<16xf32>
    %broadcast_in_dim3A_1301 = arith.constant 1 : i32
    %broadcast_in_dim3A_1302 = vector.broadcast %broadcast_in_dim3A_1301 : i32 to vector<16xi32>
    %broadcast_in_dim3A_1303 = arith.constant 11 : i32
    %broadcast_in_dim3A_1304 = vector.broadcast %broadcast_in_dim3A_1303 : i32 to vector<16xi32>
    %gather3A_1305 = tpu.vector_load_idx %arg18[%broadcast_in_dim3A_1302, %broadcast_in_dim3A_1304] : memref<2x16xf32, #tpu.memory_space<vmem>>[vector<16xi32>, vector<16xi32>], vector<16xf32>,
    %broadcast_in_dim3A_1306 = arith.constant 11 : i32
    %broadcast_in_dim3A_1307 = vector.broadcast %broadcast_in_dim3A_1306 : i32 to vector<16xi32>
    %add3A_1308 = arith.constant 80 : i32
    %add3A_1309 = vector.broadcast %add3A_1308 : i32 to vector<16xi32>
    %add3A_1310 = arith.addi %iota3A, %add3A_1309 : vector<16xi32>
    %gather3A_1311 = tpu.vector_load_idx %arg19[%broadcast_in_dim3A_1307, %add3A_1310] : memref<16x128xf32, #tpu.memory_space<vmem>>[vector<16xi32>, vector<16xi32>], vector<16xf32>,
    %mul3A_1312 = arith.mulf %gather3A_1305, %gather3A_1311 : vector<16xf32>
    %add3A_1313 = arith.addf %add3A_1300, %mul3A_1312 : vector<16xf32>
    %broadcast_in_dim3A_1314 = arith.constant 1 : i32
    %broadcast_in_dim3A_1315 = vector.broadcast %broadcast_in_dim3A_1314 : i32 to vector<16xi32>
    %broadcast_in_dim3A_1316 = arith.constant 12 : i32
    %broadcast_in_dim3A_1317 = vector.broadcast %broadcast_in_dim3A_1316 : i32 to vector<16xi32>
    %gather3A_1318 = tpu.vector_load_idx %arg18[%broadcast_in_dim3A_1315, %broadcast_in_dim3A_1317] : memref<2x16xf32, #tpu.memory_space<vmem>>[vector<16xi32>, vector<16xi32>], vector<16xf32>,
    %broadcast_in_dim3A_1319 = arith.constant 12 : i32
    %broadcast_in_dim3A_1320 = vector.broadcast %broadcast_in_dim3A_1319 : i32 to vector<16xi32>
    %add3A_1321 = arith.constant 80 : i32
    %add3A_1322 = vector.broadcast %add3A_1321 : i32 to vector<16xi32>
    %add3A_1323 = arith.addi %iota3A, %add3A_1322 : vector<16xi32>
    %gather3A_1324 = tpu.vector_load_idx %arg19[%broadcast_in_dim3A_1320, %add3A_1323] : memref<16x128xf32, #tpu.memory_space<vmem>>[vector<16xi32>, vector<16xi32>], vector<16xf32>,
    %mul3A_1325 = arith.mulf %gather3A_1318, %gather3A_1324 : vector<16xf32>
    %add3A_1326 = arith.addf %add3A_1313, %mul3A_1325 : vector<16xf32>
    %broadcast_in_dim3A_1327 = arith.constant 1 : i32
    %broadcast_in_dim3A_1328 = vector.broadcast %broadcast_in_dim3A_1327 : i32 to vector<16xi32>
    %broadcast_in_dim3A_1329 = arith.constant 13 : i32
    %broadcast_in_dim3A_1330 = vector.broadcast %broadcast_in_dim3A_1329 : i32 to vector<16xi32>
    %gather3A_1331 = tpu.vector_load_idx %arg18[%broadcast_in_dim3A_1328, %broadcast_in_dim3A_1330] : memref<2x16xf32, #tpu.memory_space<vmem>>[vector<16xi32>, vector<16xi32>], vector<16xf32>,
    %broadcast_in_dim3A_1332 = arith.constant 13 : i32
    %broadcast_in_dim3A_1333 = vector.broadcast %broadcast_in_dim3A_1332 : i32 to vector<16xi32>
    %add3A_1334 = arith.constant 80 : i32
    %add3A_1335 = vector.broadcast %add3A_1334 : i32 to vector<16xi32>
    %add3A_1336 = arith.addi %iota3A, %add3A_1335 : vector<16xi32>
    %gather3A_1337 = tpu.vector_load_idx %arg19[%broadcast_in_dim3A_1333, %add3A_1336] : memref<16x128xf32, #tpu.memory_space<vmem>>[vector<16xi32>, vector<16xi32>], vector<16xf32>,
    %mul3A_1338 = arith.mulf %gather3A_1331, %gather3A_1337 : vector<16xf32>
    %add3A_1339 = arith.addf %add3A_1326, %mul3A_1338 : vector<16xf32>
    %broadcast_in_dim3A_1340 = arith.constant 1 : i32
    %broadcast_in_dim3A_1341 = vector.broadcast %broadcast_in_dim3A_1340 : i32 to vector<16xi32>
    %broadcast_in_dim3A_1342 = arith.constant 14 : i32
    %broadcast_in_dim3A_1343 = vector.broadcast %broadcast_in_dim3A_1342 : i32 to vector<16xi32>
    %gather3A_1344 = tpu.vector_load_idx %arg18[%broadcast_in_dim3A_1341, %broadcast_in_dim3A_1343] : memref<2x16xf32, #tpu.memory_space<vmem>>[vector<16xi32>, vector<16xi32>], vector<16xf32>,
    %broadcast_in_dim3A_1345 = arith.constant 14 : i32
    %broadcast_in_dim3A_1346 = vector.broadcast %broadcast_in_dim3A_1345 : i32 to vector<16xi32>
    %add3A_1347 = arith.constant 80 : i32
    %add3A_1348 = vector.broadcast %add3A_1347 : i32 to vector<16xi32>
    %add3A_1349 = arith.addi %iota3A, %add3A_1348 : vector<16xi32>
    %gather3A_1350 = tpu.vector_load_idx %arg19[%broadcast_in_dim3A_1346, %add3A_1349] : memref<16x128xf32, #tpu.memory_space<vmem>>[vector<16xi32>, vector<16xi32>], vector<16xf32>,
    %mul3A_1351 = arith.mulf %gather3A_1344, %gather3A_1350 : vector<16xf32>
    %add3A_1352 = arith.addf %add3A_1339, %mul3A_1351 : vector<16xf32>
    %broadcast_in_dim3A_1353 = arith.constant 1 : i32
    %broadcast_in_dim3A_1354 = vector.broadcast %broadcast_in_dim3A_1353 : i32 to vector<16xi32>
    %broadcast_in_dim3A_1355 = arith.constant 15 : i32
    %broadcast_in_dim3A_1356 = vector.broadcast %broadcast_in_dim3A_1355 : i32 to vector<16xi32>
    %gather3A_1357 = tpu.vector_load_idx %arg18[%broadcast_in_dim3A_1354, %broadcast_in_dim3A_1356] : memref<2x16xf32, #tpu.memory_space<vmem>>[vector<16xi32>, vector<16xi32>], vector<16xf32>,
    %broadcast_in_dim3A_1358 = arith.constant 15 : i32
    %broadcast_in_dim3A_1359 = vector.broadcast %broadcast_in_dim3A_1358 : i32 to vector<16xi32>
    %add3A_1360 = arith.constant 80 : i32
    %add3A_1361 = vector.broadcast %add3A_1360 : i32 to vector<16xi32>
    %add3A_1362 = arith.addi %iota3A, %add3A_1361 : vector<16xi32>
    %gather3A_1363 = tpu.vector_load_idx %arg19[%broadcast_in_dim3A_1359, %add3A_1362] : memref<16x128xf32, #tpu.memory_space<vmem>>[vector<16xi32>, vector<16xi32>], vector<16xf32>,
    %mul3A_1364 = arith.mulf %gather3A_1357, %gather3A_1363 : vector<16xf32>
    %add3A_1365 = arith.addf %add3A_1352, %mul3A_1364 : vector<16xf32>
    %swap3A_1366 = arith.constant 0 : i32
    %swap3A_1367 = arith.constant 5 : i32
    %swap3A_1368 = arith.index_cast %swap3A_1366 : i32 to index
    %swap3A_1369 = arith.index_cast %swap3A_1367 : i32 to index
    %swap3A_1370 = arith.constant 0 : index
    %swap3A_1371 = tpu.vector_load %arg20[%swap3A_1368, %swap3A_1369, %swap3A_1370] {strides = array<i32>} : memref<1x8x16xf32, #tpu.memory_space<vmem>>, vector<16xf32>,
    tpu.vector_store %arg20[%swap3A_1368, %swap3A_1369, %swap3A_1370], %add3A_1365 {strides = array<i32>} : memref<1x8x16xf32, #tpu.memory_space<vmem>>, vector<16xf32>,
    %broadcast_in_dim3A_1372 = arith.constant 0.000000e+00 : f32
    %broadcast_in_dim3A_1373 = vector.broadcast %broadcast_in_dim3A_1372 : f32 to vector<16xf32>
    %broadcast_in_dim3A_1374 = arith.constant 1 : i32
    %broadcast_in_dim3A_1375 = vector.broadcast %broadcast_in_dim3A_1374 : i32 to vector<16xi32>
    %broadcast_in_dim3A_1376 = arith.constant 0 : i32
    %broadcast_in_dim3A_1377 = vector.broadcast %broadcast_in_dim3A_1376 : i32 to vector<16xi32>
    %gather3A_1378 = tpu.vector_load_idx %arg18[%broadcast_in_dim3A_1375, %broadcast_in_dim3A_1377] : memref<2x16xf32, #tpu.memory_space<vmem>>[vector<16xi32>, vector<16xi32>], vector<16xf32>,
    %broadcast_in_dim3A_1379 = arith.constant 0 : i32
    %broadcast_in_dim3A_1380 = vector.broadcast %broadcast_in_dim3A_1379 : i32 to vector<16xi32>
    %add3A_1381 = arith.constant 96 : i32
    %add3A_1382 = vector.broadcast %add3A_1381 : i32 to vector<16xi32>
    %add3A_1383 = arith.addi %iota3A, %add3A_1382 : vector<16xi32>
    %gather3A_1384 = tpu.vector_load_idx %arg19[%broadcast_in_dim3A_1380, %add3A_1383] : memref<16x128xf32, #tpu.memory_space<vmem>>[vector<16xi32>, vector<16xi32>], vector<16xf32>,
    %mul3A_1385 = arith.mulf %gather3A_1378, %gather3A_1384 : vector<16xf32>
    %add3A_1386 = arith.addf %broadcast_in_dim3A_1373, %mul3A_1385 : vector<16xf32>
    %broadcast_in_dim3A_1387 = arith.constant 1 : i32
    %broadcast_in_dim3A_1388 = vector.broadcast %broadcast_in_dim3A_1387 : i32 to vector<16xi32>
    %broadcast_in_dim3A_1389 = arith.constant 1 : i32
    %broadcast_in_dim3A_1390 = vector.broadcast %broadcast_in_dim3A_1389 : i32 to vector<16xi32>
    %gather3A_1391 = tpu.vector_load_idx %arg18[%broadcast_in_dim3A_1388, %broadcast_in_dim3A_1390] : memref<2x16xf32, #tpu.memory_space<vmem>>[vector<16xi32>, vector<16xi32>], vector<16xf32>,
    %broadcast_in_dim3A_1392 = arith.constant 1 : i32
    %broadcast_in_dim3A_1393 = vector.broadcast %broadcast_in_dim3A_1392 : i32 to vector<16xi32>
    %add3A_1394 = arith.constant 96 : i32
    %add3A_1395 = vector.broadcast %add3A_1394 : i32 to vector<16xi32>
    %add3A_1396 = arith.addi %iota3A, %add3A_1395 : vector<16xi32>
    %gather3A_1397 = tpu.vector_load_idx %arg19[%broadcast_in_dim3A_1393, %add3A_1396] : memref<16x128xf32, #tpu.memory_space<vmem>>[vector<16xi32>, vector<16xi32>], vector<16xf32>,
    %mul3A_1398 = arith.mulf %gather3A_1391, %gather3A_1397 : vector<16xf32>
    %add3A_1399 = arith.addf %add3A_1386, %mul3A_1398 : vector<16xf32>
    %broadcast_in_dim3A_1400 = arith.constant 1 : i32
    %broadcast_in_dim3A_1401 = vector.broadcast %broadcast_in_dim3A_1400 : i32 to vector<16xi32>
    %broadcast_in_dim3A_1402 = arith.constant 2 : i32
    %broadcast_in_dim3A_1403 = vector.broadcast %broadcast_in_dim3A_1402 : i32 to vector<16xi32>
    %gather3A_1404 = tpu.vector_load_idx %arg18[%broadcast_in_dim3A_1401, %broadcast_in_dim3A_1403] : memref<2x16xf32, #tpu.memory_space<vmem>>[vector<16xi32>, vector<16xi32>], vector<16xf32>,
    %broadcast_in_dim3A_1405 = arith.constant 2 : i32
    %broadcast_in_dim3A_1406 = vector.broadcast %broadcast_in_dim3A_1405 : i32 to vector<16xi32>
    %add3A_1407 = arith.constant 96 : i32
    %add3A_1408 = vector.broadcast %add3A_1407 : i32 to vector<16xi32>
    %add3A_1409 = arith.addi %iota3A, %add3A_1408 : vector<16xi32>
    %gather3A_1410 = tpu.vector_load_idx %arg19[%broadcast_in_dim3A_1406, %add3A_1409] : memref<16x128xf32, #tpu.memory_space<vmem>>[vector<16xi32>, vector<16xi32>], vector<16xf32>,
    %mul3A_1411 = arith.mulf %gather3A_1404, %gather3A_1410 : vector<16xf32>
    %add3A_1412 = arith.addf %add3A_1399, %mul3A_1411 : vector<16xf32>
    %broadcast_in_dim3A_1413 = arith.constant 1 : i32
    %broadcast_in_dim3A_1414 = vector.broadcast %broadcast_in_dim3A_1413 : i32 to vector<16xi32>
    %broadcast_in_dim3A_1415 = arith.constant 3 : i32
    %broadcast_in_dim3A_1416 = vector.broadcast %broadcast_in_dim3A_1415 : i32 to vector<16xi32>
    %gather3A_1417 = tpu.vector_load_idx %arg18[%broadcast_in_dim3A_1414, %broadcast_in_dim3A_1416] : memref<2x16xf32, #tpu.memory_space<vmem>>[vector<16xi32>, vector<16xi32>], vector<16xf32>,
    %broadcast_in_dim3A_1418 = arith.constant 3 : i32
    %broadcast_in_dim3A_1419 = vector.broadcast %broadcast_in_dim3A_1418 : i32 to vector<16xi32>
    %add3A_1420 = arith.constant 96 : i32
    %add3A_1421 = vector.broadcast %add3A_1420 : i32 to vector<16xi32>
    %add3A_1422 = arith.addi %iota3A, %add3A_1421 : vector<16xi32>
    %gather3A_1423 = tpu.vector_load_idx %arg19[%broadcast_in_dim3A_1419, %add3A_1422] : memref<16x128xf32, #tpu.memory_space<vmem>>[vector<16xi32>, vector<16xi32>], vector<16xf32>,
    %mul3A_1424 = arith.mulf %gather3A_1417, %gather3A_1423 : vector<16xf32>
    %add3A_1425 = arith.addf %add3A_1412, %mul3A_1424 : vector<16xf32>
    %broadcast_in_dim3A_1426 = arith.constant 1 : i32
    %broadcast_in_dim3A_1427 = vector.broadcast %broadcast_in_dim3A_1426 : i32 to vector<16xi32>
    %broadcast_in_dim3A_1428 = arith.constant 4 : i32
    %broadcast_in_dim3A_1429 = vector.broadcast %broadcast_in_dim3A_1428 : i32 to vector<16xi32>
    %gather3A_1430 = tpu.vector_load_idx %arg18[%broadcast_in_dim3A_1427, %broadcast_in_dim3A_1429] : memref<2x16xf32, #tpu.memory_space<vmem>>[vector<16xi32>, vector<16xi32>], vector<16xf32>,
    %broadcast_in_dim3A_1431 = arith.constant 4 : i32
    %broadcast_in_dim3A_1432 = vector.broadcast %broadcast_in_dim3A_1431 : i32 to vector<16xi32>
    %add3A_1433 = arith.constant 96 : i32
    %add3A_1434 = vector.broadcast %add3A_1433 : i32 to vector<16xi32>
    %add3A_1435 = arith.addi %iota3A, %add3A_1434 : vector<16xi32>
    %gather3A_1436 = tpu.vector_load_idx %arg19[%broadcast_in_dim3A_1432, %add3A_1435] : memref<16x128xf32, #tpu.memory_space<vmem>>[vector<16xi32>, vector<16xi32>], vector<16xf32>,
    %mul3A_1437 = arith.mulf %gather3A_1430, %gather3A_1436 : vector<16xf32>
    %add3A_1438 = arith.addf %add3A_1425, %mul3A_1437 : vector<16xf32>
    %broadcast_in_dim3A_1439 = arith.constant 1 : i32
    %broadcast_in_dim3A_1440 = vector.broadcast %broadcast_in_dim3A_1439 : i32 to vector<16xi32>
    %broadcast_in_dim3A_1441 = arith.constant 5 : i32
    %broadcast_in_dim3A_1442 = vector.broadcast %broadcast_in_dim3A_1441 : i32 to vector<16xi32>
    %gather3A_1443 = tpu.vector_load_idx %arg18[%broadcast_in_dim3A_1440, %broadcast_in_dim3A_1442] : memref<2x16xf32, #tpu.memory_space<vmem>>[vector<16xi32>, vector<16xi32>], vector<16xf32>,
    %broadcast_in_dim3A_1444 = arith.constant 5 : i32
    %broadcast_in_dim3A_1445 = vector.broadcast %broadcast_in_dim3A_1444 : i32 to vector<16xi32>
    %add3A_1446 = arith.constant 96 : i32
    %add3A_1447 = vector.broadcast %add3A_1446 : i32 to vector<16xi32>
    %add3A_1448 = arith.addi %iota3A, %add3A_1447 : vector<16xi32>
    %gather3A_1449 = tpu.vector_load_idx %arg19[%broadcast_in_dim3A_1445, %add3A_1448] : memref<16x128xf32, #tpu.memory_space<vmem>>[vector<16xi32>, vector<16xi32>], vector<16xf32>,
    %mul3A_1450 = arith.mulf %gather3A_1443, %gather3A_1449 : vector<16xf32>
    %add3A_1451 = arith.addf %add3A_1438, %mul3A_1450 : vector<16xf32>
    %broadcast_in_dim3A_1452 = arith.constant 1 : i32
    %broadcast_in_dim3A_1453 = vector.broadcast %broadcast_in_dim3A_1452 : i32 to vector<16xi32>
    %broadcast_in_dim3A_1454 = arith.constant 6 : i32
    %broadcast_in_dim3A_1455 = vector.broadcast %broadcast_in_dim3A_1454 : i32 to vector<16xi32>
    %gather3A_1456 = tpu.vector_load_idx %arg18[%broadcast_in_dim3A_1453, %broadcast_in_dim3A_1455] : memref<2x16xf32, #tpu.memory_space<vmem>>[vector<16xi32>, vector<16xi32>], vector<16xf32>,
    %broadcast_in_dim3A_1457 = arith.constant 6 : i32
    %broadcast_in_dim3A_1458 = vector.broadcast %broadcast_in_dim3A_1457 : i32 to vector<16xi32>
    %add3A_1459 = arith.constant 96 : i32
    %add3A_1460 = vector.broadcast %add3A_1459 : i32 to vector<16xi32>
    %add3A_1461 = arith.addi %iota3A, %add3A_1460 : vector<16xi32>
    %gather3A_1462 = tpu.vector_load_idx %arg19[%broadcast_in_dim3A_1458, %add3A_1461] : memref<16x128xf32, #tpu.memory_space<vmem>>[vector<16xi32>, vector<16xi32>], vector<16xf32>,
    %mul3A_1463 = arith.mulf %gather3A_1456, %gather3A_1462 : vector<16xf32>
    %add3A_1464 = arith.addf %add3A_1451, %mul3A_1463 : vector<16xf32>
    %broadcast_in_dim3A_1465 = arith.constant 1 : i32
    %broadcast_in_dim3A_1466 = vector.broadcast %broadcast_in_dim3A_1465 : i32 to vector<16xi32>
    %broadcast_in_dim3A_1467 = arith.constant 7 : i32
    %broadcast_in_dim3A_1468 = vector.broadcast %broadcast_in_dim3A_1467 : i32 to vector<16xi32>
    %gather3A_1469 = tpu.vector_load_idx %arg18[%broadcast_in_dim3A_1466, %broadcast_in_dim3A_1468] : memref<2x16xf32, #tpu.memory_space<vmem>>[vector<16xi32>, vector<16xi32>], vector<16xf32>,
    %broadcast_in_dim3A_1470 = arith.constant 7 : i32
    %broadcast_in_dim3A_1471 = vector.broadcast %broadcast_in_dim3A_1470 : i32 to vector<16xi32>
    %add3A_1472 = arith.constant 96 : i32
    %add3A_1473 = vector.broadcast %add3A_1472 : i32 to vector<16xi32>
    %add3A_1474 = arith.addi %iota3A, %add3A_1473 : vector<16xi32>
    %gather3A_1475 = tpu.vector_load_idx %arg19[%broadcast_in_dim3A_1471, %add3A_1474] : memref<16x128xf32, #tpu.memory_space<vmem>>[vector<16xi32>, vector<16xi32>], vector<16xf32>,
    %mul3A_1476 = arith.mulf %gather3A_1469, %gather3A_1475 : vector<16xf32>
    %add3A_1477 = arith.addf %add3A_1464, %mul3A_1476 : vector<16xf32>
    %broadcast_in_dim3A_1478 = arith.constant 1 : i32
    %broadcast_in_dim3A_1479 = vector.broadcast %broadcast_in_dim3A_1478 : i32 to vector<16xi32>
    %broadcast_in_dim3A_1480 = arith.constant 8 : i32
    %broadcast_in_dim3A_1481 = vector.broadcast %broadcast_in_dim3A_1480 : i32 to vector<16xi32>
    %gather3A_1482 = tpu.vector_load_idx %arg18[%broadcast_in_dim3A_1479, %broadcast_in_dim3A_1481] : memref<2x16xf32, #tpu.memory_space<vmem>>[vector<16xi32>, vector<16xi32>], vector<16xf32>,
    %broadcast_in_dim3A_1483 = arith.constant 8 : i32
    %broadcast_in_dim3A_1484 = vector.broadcast %broadcast_in_dim3A_1483 : i32 to vector<16xi32>
    %add3A_1485 = arith.constant 96 : i32
    %add3A_1486 = vector.broadcast %add3A_1485 : i32 to vector<16xi32>
    %add3A_1487 = arith.addi %iota3A, %add3A_1486 : vector<16xi32>
    %gather3A_1488 = tpu.vector_load_idx %arg19[%broadcast_in_dim3A_1484, %add3A_1487] : memref<16x128xf32, #tpu.memory_space<vmem>>[vector<16xi32>, vector<16xi32>], vector<16xf32>,
    %mul3A_1489 = arith.mulf %gather3A_1482, %gather3A_1488 : vector<16xf32>
    %add3A_1490 = arith.addf %add3A_1477, %mul3A_1489 : vector<16xf32>
    %broadcast_in_dim3A_1491 = arith.constant 1 : i32
    %broadcast_in_dim3A_1492 = vector.broadcast %broadcast_in_dim3A_1491 : i32 to vector<16xi32>
    %broadcast_in_dim3A_1493 = arith.constant 9 : i32
    %broadcast_in_dim3A_1494 = vector.broadcast %broadcast_in_dim3A_1493 : i32 to vector<16xi32>
    %gather3A_1495 = tpu.vector_load_idx %arg18[%broadcast_in_dim3A_1492, %broadcast_in_dim3A_1494] : memref<2x16xf32, #tpu.memory_space<vmem>>[vector<16xi32>, vector<16xi32>], vector<16xf32>,
    %broadcast_in_dim3A_1496 = arith.constant 9 : i32
    %broadcast_in_dim3A_1497 = vector.broadcast %broadcast_in_dim3A_1496 : i32 to vector<16xi32>
    %add3A_1498 = arith.constant 96 : i32
    %add3A_1499 = vector.broadcast %add3A_1498 : i32 to vector<16xi32>
    %add3A_1500 = arith.addi %iota3A, %add3A_1499 : vector<16xi32>
    %gather3A_1501 = tpu.vector_load_idx %arg19[%broadcast_in_dim3A_1497, %add3A_1500] : memref<16x128xf32, #tpu.memory_space<vmem>>[vector<16xi32>, vector<16xi32>], vector<16xf32>,
    %mul3A_1502 = arith.mulf %gather3A_1495, %gather3A_1501 : vector<16xf32>
    %add3A_1503 = arith.addf %add3A_1490, %mul3A_1502 : vector<16xf32>
    %broadcast_in_dim3A_1504 = arith.constant 1 : i32
    %broadcast_in_dim3A_1505 = vector.broadcast %broadcast_in_dim3A_1504 : i32 to vector<16xi32>
    %broadcast_in_dim3A_1506 = arith.constant 10 : i32
    %broadcast_in_dim3A_1507 = vector.broadcast %broadcast_in_dim3A_1506 : i32 to vector<16xi32>
    %gather3A_1508 = tpu.vector_load_idx %arg18[%broadcast_in_dim3A_1505, %broadcast_in_dim3A_1507] : memref<2x16xf32, #tpu.memory_space<vmem>>[vector<16xi32>, vector<16xi32>], vector<16xf32>,
    %broadcast_in_dim3A_1509 = arith.constant 10 : i32
    %broadcast_in_dim3A_1510 = vector.broadcast %broadcast_in_dim3A_1509 : i32 to vector<16xi32>
    %add3A_1511 = arith.constant 96 : i32
    %add3A_1512 = vector.broadcast %add3A_1511 : i32 to vector<16xi32>
    %add3A_1513 = arith.addi %iota3A, %add3A_1512 : vector<16xi32>
    %gather3A_1514 = tpu.vector_load_idx %arg19[%broadcast_in_dim3A_1510, %add3A_1513] : memref<16x128xf32, #tpu.memory_space<vmem>>[vector<16xi32>, vector<16xi32>], vector<16xf32>,
    %mul3A_1515 = arith.mulf %gather3A_1508, %gather3A_1514 : vector<16xf32>
    %add3A_1516 = arith.addf %add3A_1503, %mul3A_1515 : vector<16xf32>
    %broadcast_in_dim3A_1517 = arith.constant 1 : i32
    %broadcast_in_dim3A_1518 = vector.broadcast %broadcast_in_dim3A_1517 : i32 to vector<16xi32>
    %broadcast_in_dim3A_1519 = arith.constant 11 : i32
    %broadcast_in_dim3A_1520 = vector.broadcast %broadcast_in_dim3A_1519 : i32 to vector<16xi32>
    %gather3A_1521 = tpu.vector_load_idx %arg18[%broadcast_in_dim3A_1518, %broadcast_in_dim3A_1520] : memref<2x16xf32, #tpu.memory_space<vmem>>[vector<16xi32>, vector<16xi32>], vector<16xf32>,
    %broadcast_in_dim3A_1522 = arith.constant 11 : i32
    %broadcast_in_dim3A_1523 = vector.broadcast %broadcast_in_dim3A_1522 : i32 to vector<16xi32>
    %add3A_1524 = arith.constant 96 : i32
    %add3A_1525 = vector.broadcast %add3A_1524 : i32 to vector<16xi32>
    %add3A_1526 = arith.addi %iota3A, %add3A_1525 : vector<16xi32>
    %gather3A_1527 = tpu.vector_load_idx %arg19[%broadcast_in_dim3A_1523, %add3A_1526] : memref<16x128xf32, #tpu.memory_space<vmem>>[vector<16xi32>, vector<16xi32>], vector<16xf32>,
    %mul3A_1528 = arith.mulf %gather3A_1521, %gather3A_1527 : vector<16xf32>
    %add3A_1529 = arith.addf %add3A_1516, %mul3A_1528 : vector<16xf32>
    %broadcast_in_dim3A_1530 = arith.constant 1 : i32
    %broadcast_in_dim3A_1531 = vector.broadcast %broadcast_in_dim3A_1530 : i32 to vector<16xi32>
    %broadcast_in_dim3A_1532 = arith.constant 12 : i32
    %broadcast_in_dim3A_1533 = vector.broadcast %broadcast_in_dim3A_1532 : i32 to vector<16xi32>
    %gather3A_1534 = tpu.vector_load_idx %arg18[%broadcast_in_dim3A_1531, %broadcast_in_dim3A_1533] : memref<2x16xf32, #tpu.memory_space<vmem>>[vector<16xi32>, vector<16xi32>], vector<16xf32>,
    %broadcast_in_dim3A_1535 = arith.constant 12 : i32
    %broadcast_in_dim3A_1536 = vector.broadcast %broadcast_in_dim3A_1535 : i32 to vector<16xi32>
    %add3A_1537 = arith.constant 96 : i32
    %add3A_1538 = vector.broadcast %add3A_1537 : i32 to vector<16xi32>
    %add3A_1539 = arith.addi %iota3A, %add3A_1538 : vector<16xi32>
    %gather3A_1540 = tpu.vector_load_idx %arg19[%broadcast_in_dim3A_1536, %add3A_1539] : memref<16x128xf32, #tpu.memory_space<vmem>>[vector<16xi32>, vector<16xi32>], vector<16xf32>,
    %mul3A_1541 = arith.mulf %gather3A_1534, %gather3A_1540 : vector<16xf32>
    %add3A_1542 = arith.addf %add3A_1529, %mul3A_1541 : vector<16xf32>
    %broadcast_in_dim3A_1543 = arith.constant 1 : i32
    %broadcast_in_dim3A_1544 = vector.broadcast %broadcast_in_dim3A_1543 : i32 to vector<16xi32>
    %broadcast_in_dim3A_1545 = arith.constant 13 : i32
    %broadcast_in_dim3A_1546 = vector.broadcast %broadcast_in_dim3A_1545 : i32 to vector<16xi32>
    %gather3A_1547 = tpu.vector_load_idx %arg18[%broadcast_in_dim3A_1544, %broadcast_in_dim3A_1546] : memref<2x16xf32, #tpu.memory_space<vmem>>[vector<16xi32>, vector<16xi32>], vector<16xf32>,
    %broadcast_in_dim3A_1548 = arith.constant 13 : i32
    %broadcast_in_dim3A_1549 = vector.broadcast %broadcast_in_dim3A_1548 : i32 to vector<16xi32>
    %add3A_1550 = arith.constant 96 : i32
    %add3A_1551 = vector.broadcast %add3A_1550 : i32 to vector<16xi32>
    %add3A_1552 = arith.addi %iota3A, %add3A_1551 : vector<16xi32>
    %gather3A_1553 = tpu.vector_load_idx %arg19[%broadcast_in_dim3A_1549, %add3A_1552] : memref<16x128xf32, #tpu.memory_space<vmem>>[vector<16xi32>, vector<16xi32>], vector<16xf32>,
    %mul3A_1554 = arith.mulf %gather3A_1547, %gather3A_1553 : vector<16xf32>
    %add3A_1555 = arith.addf %add3A_1542, %mul3A_1554 : vector<16xf32>
    %broadcast_in_dim3A_1556 = arith.constant 1 : i32
    %broadcast_in_dim3A_1557 = vector.broadcast %broadcast_in_dim3A_1556 : i32 to vector<16xi32>
    %broadcast_in_dim3A_1558 = arith.constant 14 : i32
    %broadcast_in_dim3A_1559 = vector.broadcast %broadcast_in_dim3A_1558 : i32 to vector<16xi32>
    %gather3A_1560 = tpu.vector_load_idx %arg18[%broadcast_in_dim3A_1557, %broadcast_in_dim3A_1559] : memref<2x16xf32, #tpu.memory_space<vmem>>[vector<16xi32>, vector<16xi32>], vector<16xf32>,
    %broadcast_in_dim3A_1561 = arith.constant 14 : i32
    %broadcast_in_dim3A_1562 = vector.broadcast %broadcast_in_dim3A_1561 : i32 to vector<16xi32>
    %add3A_1563 = arith.constant 96 : i32
    %add3A_1564 = vector.broadcast %add3A_1563 : i32 to vector<16xi32>
    %add3A_1565 = arith.addi %iota3A, %add3A_1564 : vector<16xi32>
    %gather3A_1566 = tpu.vector_load_idx %arg19[%broadcast_in_dim3A_1562, %add3A_1565] : memref<16x128xf32, #tpu.memory_space<vmem>>[vector<16xi32>, vector<16xi32>], vector<16xf32>,
    %mul3A_1567 = arith.mulf %gather3A_1560, %gather3A_1566 : vector<16xf32>
    %add3A_1568 = arith.addf %add3A_1555, %mul3A_1567 : vector<16xf32>
    %broadcast_in_dim3A_1569 = arith.constant 1 : i32
    %broadcast_in_dim3A_1570 = vector.broadcast %broadcast_in_dim3A_1569 : i32 to vector<16xi32>
    %broadcast_in_dim3A_1571 = arith.constant 15 : i32
    %broadcast_in_dim3A_1572 = vector.broadcast %broadcast_in_dim3A_1571 : i32 to vector<16xi32>
    %gather3A_1573 = tpu.vector_load_idx %arg18[%broadcast_in_dim3A_1570, %broadcast_in_dim3A_1572] : memref<2x16xf32, #tpu.memory_space<vmem>>[vector<16xi32>, vector<16xi32>], vector<16xf32>,
    %broadcast_in_dim3A_1574 = arith.constant 15 : i32
    %broadcast_in_dim3A_1575 = vector.broadcast %broadcast_in_dim3A_1574 : i32 to vector<16xi32>
    %add3A_1576 = arith.constant 96 : i32
    %add3A_1577 = vector.broadcast %add3A_1576 : i32 to vector<16xi32>
    %add3A_1578 = arith.addi %iota3A, %add3A_1577 : vector<16xi32>
    %gather3A_1579 = tpu.vector_load_idx %arg19[%broadcast_in_dim3A_1575, %add3A_1578] : memref<16x128xf32, #tpu.memory_space<vmem>>[vector<16xi32>, vector<16xi32>], vector<16xf32>,
    %mul3A_1580 = arith.mulf %gather3A_1573, %gather3A_1579 : vector<16xf32>
    %add3A_1581 = arith.addf %add3A_1568, %mul3A_1580 : vector<16xf32>
    %swap3A_1582 = arith.constant 0 : i32
    %swap3A_1583 = arith.constant 6 : i32
    %swap3A_1584 = arith.index_cast %swap3A_1582 : i32 to index
    %swap3A_1585 = arith.index_cast %swap3A_1583 : i32 to index
    %swap3A_1586 = arith.constant 0 : index
    %swap3A_1587 = tpu.vector_load %arg20[%swap3A_1584, %swap3A_1585, %swap3A_1586] {strides = array<i32>} : memref<1x8x16xf32, #tpu.memory_space<vmem>>, vector<16xf32>,
    tpu.vector_store %arg20[%swap3A_1584, %swap3A_1585, %swap3A_1586], %add3A_1581 {strides = array<i32>} : memref<1x8x16xf32, #tpu.memory_space<vmem>>, vector<16xf32>,
    %broadcast_in_dim3A_1588 = arith.constant 0.000000e+00 : f32
    %broadcast_in_dim3A_1589 = vector.broadcast %broadcast_in_dim3A_1588 : f32 to vector<16xf32>
    %broadcast_in_dim3A_1590 = arith.constant 1 : i32
    %broadcast_in_dim3A_1591 = vector.broadcast %broadcast_in_dim3A_1590 : i32 to vector<16xi32>
    %broadcast_in_dim3A_1592 = arith.constant 0 : i32
    %broadcast_in_dim3A_1593 = vector.broadcast %broadcast_in_dim3A_1592 : i32 to vector<16xi32>
    %gather3A_1594 = tpu.vector_load_idx %arg18[%broadcast_in_dim3A_1591, %broadcast_in_dim3A_1593] : memref<2x16xf32, #tpu.memory_space<vmem>>[vector<16xi32>, vector<16xi32>], vector<16xf32>,
    %broadcast_in_dim3A_1595 = arith.constant 0 : i32
    %broadcast_in_dim3A_1596 = vector.broadcast %broadcast_in_dim3A_1595 : i32 to vector<16xi32>
    %add3A_1597 = arith.constant 112 : i32
    %add3A_1598 = vector.broadcast %add3A_1597 : i32 to vector<16xi32>
    %add3A_1599 = arith.addi %iota3A, %add3A_1598 : vector<16xi32>
    %gather3A_1600 = tpu.vector_load_idx %arg19[%broadcast_in_dim3A_1596, %add3A_1599] : memref<16x128xf32, #tpu.memory_space<vmem>>[vector<16xi32>, vector<16xi32>], vector<16xf32>,
    %mul3A_1601 = arith.mulf %gather3A_1594, %gather3A_1600 : vector<16xf32>
    %add3A_1602 = arith.addf %broadcast_in_dim3A_1589, %mul3A_1601 : vector<16xf32>
    %broadcast_in_dim3A_1603 = arith.constant 1 : i32
    %broadcast_in_dim3A_1604 = vector.broadcast %broadcast_in_dim3A_1603 : i32 to vector<16xi32>
    %broadcast_in_dim3A_1605 = arith.constant 1 : i32
    %broadcast_in_dim3A_1606 = vector.broadcast %broadcast_in_dim3A_1605 : i32 to vector<16xi32>
    %gather3A_1607 = tpu.vector_load_idx %arg18[%broadcast_in_dim3A_1604, %broadcast_in_dim3A_1606] : memref<2x16xf32, #tpu.memory_space<vmem>>[vector<16xi32>, vector<16xi32>], vector<16xf32>,
    %broadcast_in_dim3A_1608 = arith.constant 1 : i32
    %broadcast_in_dim3A_1609 = vector.broadcast %broadcast_in_dim3A_1608 : i32 to vector<16xi32>
    %add3A_1610 = arith.constant 112 : i32
    %add3A_1611 = vector.broadcast %add3A_1610 : i32 to vector<16xi32>
    %add3A_1612 = arith.addi %iota3A, %add3A_1611 : vector<16xi32>
    %gather3A_1613 = tpu.vector_load_idx %arg19[%broadcast_in_dim3A_1609, %add3A_1612] : memref<16x128xf32, #tpu.memory_space<vmem>>[vector<16xi32>, vector<16xi32>], vector<16xf32>,
    %mul3A_1614 = arith.mulf %gather3A_1607, %gather3A_1613 : vector<16xf32>
    %add3A_1615 = arith.addf %add3A_1602, %mul3A_1614 : vector<16xf32>
    %broadcast_in_dim3A_1616 = arith.constant 1 : i32
    %broadcast_in_dim3A_1617 = vector.broadcast %broadcast_in_dim3A_1616 : i32 to vector<16xi32>
    %broadcast_in_dim3A_1618 = arith.constant 2 : i32
    %broadcast_in_dim3A_1619 = vector.broadcast %broadcast_in_dim3A_1618 : i32 to vector<16xi32>
    %gather3A_1620 = tpu.vector_load_idx %arg18[%broadcast_in_dim3A_1617, %broadcast_in_dim3A_1619] : memref<2x16xf32, #tpu.memory_space<vmem>>[vector<16xi32>, vector<16xi32>], vector<16xf32>,
    %broadcast_in_dim3A_1621 = arith.constant 2 : i32
    %broadcast_in_dim3A_1622 = vector.broadcast %broadcast_in_dim3A_1621 : i32 to vector<16xi32>
    %add3A_1623 = arith.constant 112 : i32
    %add3A_1624 = vector.broadcast %add3A_1623 : i32 to vector<16xi32>
    %add3A_1625 = arith.addi %iota3A, %add3A_1624 : vector<16xi32>
    %gather3A_1626 = tpu.vector_load_idx %arg19[%broadcast_in_dim3A_1622, %add3A_1625] : memref<16x128xf32, #tpu.memory_space<vmem>>[vector<16xi32>, vector<16xi32>], vector<16xf32>,
    %mul3A_1627 = arith.mulf %gather3A_1620, %gather3A_1626 : vector<16xf32>
    %add3A_1628 = arith.addf %add3A_1615, %mul3A_1627 : vector<16xf32>
    %broadcast_in_dim3A_1629 = arith.constant 1 : i32
    %broadcast_in_dim3A_1630 = vector.broadcast %broadcast_in_dim3A_1629 : i32 to vector<16xi32>
    %broadcast_in_dim3A_1631 = arith.constant 3 : i32
    %broadcast_in_dim3A_1632 = vector.broadcast %broadcast_in_dim3A_1631 : i32 to vector<16xi32>
    %gather3A_1633 = tpu.vector_load_idx %arg18[%broadcast_in_dim3A_1630, %broadcast_in_dim3A_1632] : memref<2x16xf32, #tpu.memory_space<vmem>>[vector<16xi32>, vector<16xi32>], vector<16xf32>,
    %broadcast_in_dim3A_1634 = arith.constant 3 : i32
    %broadcast_in_dim3A_1635 = vector.broadcast %broadcast_in_dim3A_1634 : i32 to vector<16xi32>
    %add3A_1636 = arith.constant 112 : i32
    %add3A_1637 = vector.broadcast %add3A_1636 : i32 to vector<16xi32>
    %add3A_1638 = arith.addi %iota3A, %add3A_1637 : vector<16xi32>
    %gather3A_1639 = tpu.vector_load_idx %arg19[%broadcast_in_dim3A_1635, %add3A_1638] : memref<16x128xf32, #tpu.memory_space<vmem>>[vector<16xi32>, vector<16xi32>], vector<16xf32>,
    %mul3A_1640 = arith.mulf %gather3A_1633, %gather3A_1639 : vector<16xf32>
    %add3A_1641 = arith.addf %add3A_1628, %mul3A_1640 : vector<16xf32>
    %broadcast_in_dim3A_1642 = arith.constant 1 : i32
    %broadcast_in_dim3A_1643 = vector.broadcast %broadcast_in_dim3A_1642 : i32 to vector<16xi32>
    %broadcast_in_dim3A_1644 = arith.constant 4 : i32
    %broadcast_in_dim3A_1645 = vector.broadcast %broadcast_in_dim3A_1644 : i32 to vector<16xi32>
    %gather3A_1646 = tpu.vector_load_idx %arg18[%broadcast_in_dim3A_1643, %broadcast_in_dim3A_1645] : memref<2x16xf32, #tpu.memory_space<vmem>>[vector<16xi32>, vector<16xi32>], vector<16xf32>,
    %broadcast_in_dim3A_1647 = arith.constant 4 : i32
    %broadcast_in_dim3A_1648 = vector.broadcast %broadcast_in_dim3A_1647 : i32 to vector<16xi32>
    %add3A_1649 = arith.constant 112 : i32
    %add3A_1650 = vector.broadcast %add3A_1649 : i32 to vector<16xi32>
    %add3A_1651 = arith.addi %iota3A, %add3A_1650 : vector<16xi32>
    %gather3A_1652 = tpu.vector_load_idx %arg19[%broadcast_in_dim3A_1648, %add3A_1651] : memref<16x128xf32, #tpu.memory_space<vmem>>[vector<16xi32>, vector<16xi32>], vector<16xf32>,
    %mul3A_1653 = arith.mulf %gather3A_1646, %gather3A_1652 : vector<16xf32>
    %add3A_1654 = arith.addf %add3A_1641, %mul3A_1653 : vector<16xf32>
    %broadcast_in_dim3A_1655 = arith.constant 1 : i32
    %broadcast_in_dim3A_1656 = vector.broadcast %broadcast_in_dim3A_1655 : i32 to vector<16xi32>
    %broadcast_in_dim3A_1657 = arith.constant 5 : i32
    %broadcast_in_dim3A_1658 = vector.broadcast %broadcast_in_dim3A_1657 : i32 to vector<16xi32>
    %gather3A_1659 = tpu.vector_load_idx %arg18[%broadcast_in_dim3A_1656, %broadcast_in_dim3A_1658] : memref<2x16xf32, #tpu.memory_space<vmem>>[vector<16xi32>, vector<16xi32>], vector<16xf32>,
    %broadcast_in_dim3A_1660 = arith.constant 5 : i32
    %broadcast_in_dim3A_1661 = vector.broadcast %broadcast_in_dim3A_1660 : i32 to vector<16xi32>
    %add3A_1662 = arith.constant 112 : i32
    %add3A_1663 = vector.broadcast %add3A_1662 : i32 to vector<16xi32>
    %add3A_1664 = arith.addi %iota3A, %add3A_1663 : vector<16xi32>
    %gather3A_1665 = tpu.vector_load_idx %arg19[%broadcast_in_dim3A_1661, %add3A_1664] : memref<16x128xf32, #tpu.memory_space<vmem>>[vector<16xi32>, vector<16xi32>], vector<16xf32>,
    %mul3A_1666 = arith.mulf %gather3A_1659, %gather3A_1665 : vector<16xf32>
    %add3A_1667 = arith.addf %add3A_1654, %mul3A_1666 : vector<16xf32>
    %broadcast_in_dim3A_1668 = arith.constant 1 : i32
    %broadcast_in_dim3A_1669 = vector.broadcast %broadcast_in_dim3A_1668 : i32 to vector<16xi32>
    %broadcast_in_dim3A_1670 = arith.constant 6 : i32
    %broadcast_in_dim3A_1671 = vector.broadcast %broadcast_in_dim3A_1670 : i32 to vector<16xi32>
    %gather3A_1672 = tpu.vector_load_idx %arg18[%broadcast_in_dim3A_1669, %broadcast_in_dim3A_1671] : memref<2x16xf32, #tpu.memory_space<vmem>>[vector<16xi32>, vector<16xi32>], vector<16xf32>,
    %broadcast_in_dim3A_1673 = arith.constant 6 : i32
    %broadcast_in_dim3A_1674 = vector.broadcast %broadcast_in_dim3A_1673 : i32 to vector<16xi32>
    %add3A_1675 = arith.constant 112 : i32
    %add3A_1676 = vector.broadcast %add3A_1675 : i32 to vector<16xi32>
    %add3A_1677 = arith.addi %iota3A, %add3A_1676 : vector<16xi32>
    %gather3A_1678 = tpu.vector_load_idx %arg19[%broadcast_in_dim3A_1674, %add3A_1677] : memref<16x128xf32, #tpu.memory_space<vmem>>[vector<16xi32>, vector<16xi32>], vector<16xf32>,
    %mul3A_1679 = arith.mulf %gather3A_1672, %gather3A_1678 : vector<16xf32>
    %add3A_1680 = arith.addf %add3A_1667, %mul3A_1679 : vector<16xf32>
    %broadcast_in_dim3A_1681 = arith.constant 1 : i32
    %broadcast_in_dim3A_1682 = vector.broadcast %broadcast_in_dim3A_1681 : i32 to vector<16xi32>
    %broadcast_in_dim3A_1683 = arith.constant 7 : i32
    %broadcast_in_dim3A_1684 = vector.broadcast %broadcast_in_dim3A_1683 : i32 to vector<16xi32>
    %gather3A_1685 = tpu.vector_load_idx %arg18[%broadcast_in_dim3A_1682, %broadcast_in_dim3A_1684] : memref<2x16xf32, #tpu.memory_space<vmem>>[vector<16xi32>, vector<16xi32>], vector<16xf32>,
    %broadcast_in_dim3A_1686 = arith.constant 7 : i32
    %broadcast_in_dim3A_1687 = vector.broadcast %broadcast_in_dim3A_1686 : i32 to vector<16xi32>
    %add3A_1688 = arith.constant 112 : i32
    %add3A_1689 = vector.broadcast %add3A_1688 : i32 to vector<16xi32>
    %add3A_1690 = arith.addi %iota3A, %add3A_1689 : vector<16xi32>
    %gather3A_1691 = tpu.vector_load_idx %arg19[%broadcast_in_dim3A_1687, %add3A_1690] : memref<16x128xf32, #tpu.memory_space<vmem>>[vector<16xi32>, vector<16xi32>], vector<16xf32>,
    %mul3A_1692 = arith.mulf %gather3A_1685, %gather3A_1691 : vector<16xf32>
    %add3A_1693 = arith.addf %add3A_1680, %mul3A_1692 : vector<16xf32>
    %broadcast_in_dim3A_1694 = arith.constant 1 : i32
    %broadcast_in_dim3A_1695 = vector.broadcast %broadcast_in_dim3A_1694 : i32 to vector<16xi32>
    %broadcast_in_dim3A_1696 = arith.constant 8 : i32
    %broadcast_in_dim3A_1697 = vector.broadcast %broadcast_in_dim3A_1696 : i32 to vector<16xi32>
    %gather3A_1698 = tpu.vector_load_idx %arg18[%broadcast_in_dim3A_1695, %broadcast_in_dim3A_1697] : memref<2x16xf32, #tpu.memory_space<vmem>>[vector<16xi32>, vector<16xi32>], vector<16xf32>,
    %broadcast_in_dim3A_1699 = arith.constant 8 : i32
    %broadcast_in_dim3A_1700 = vector.broadcast %broadcast_in_dim3A_1699 : i32 to vector<16xi32>
    %add3A_1701 = arith.constant 112 : i32
    %add3A_1702 = vector.broadcast %add3A_1701 : i32 to vector<16xi32>
    %add3A_1703 = arith.addi %iota3A, %add3A_1702 : vector<16xi32>
    %gather3A_1704 = tpu.vector_load_idx %arg19[%broadcast_in_dim3A_1700, %add3A_1703] : memref<16x128xf32, #tpu.memory_space<vmem>>[vector<16xi32>, vector<16xi32>], vector<16xf32>,
    %mul3A_1705 = arith.mulf %gather3A_1698, %gather3A_1704 : vector<16xf32>
    %add3A_1706 = arith.addf %add3A_1693, %mul3A_1705 : vector<16xf32>
    %broadcast_in_dim3A_1707 = arith.constant 1 : i32
    %broadcast_in_dim3A_1708 = vector.broadcast %broadcast_in_dim3A_1707 : i32 to vector<16xi32>
    %broadcast_in_dim3A_1709 = arith.constant 9 : i32
    %broadcast_in_dim3A_1710 = vector.broadcast %broadcast_in_dim3A_1709 : i32 to vector<16xi32>
    %gather3A_1711 = tpu.vector_load_idx %arg18[%broadcast_in_dim3A_1708, %broadcast_in_dim3A_1710] : memref<2x16xf32, #tpu.memory_space<vmem>>[vector<16xi32>, vector<16xi32>], vector<16xf32>,
    %broadcast_in_dim3A_1712 = arith.constant 9 : i32
    %broadcast_in_dim3A_1713 = vector.broadcast %broadcast_in_dim3A_1712 : i32 to vector<16xi32>
    %add3A_1714 = arith.constant 112 : i32
    %add3A_1715 = vector.broadcast %add3A_1714 : i32 to vector<16xi32>
    %add3A_1716 = arith.addi %iota3A, %add3A_1715 : vector<16xi32>
    %gather3A_1717 = tpu.vector_load_idx %arg19[%broadcast_in_dim3A_1713, %add3A_1716] : memref<16x128xf32, #tpu.memory_space<vmem>>[vector<16xi32>, vector<16xi32>], vector<16xf32>,
    %mul3A_1718 = arith.mulf %gather3A_1711, %gather3A_1717 : vector<16xf32>
    %add3A_1719 = arith.addf %add3A_1706, %mul3A_1718 : vector<16xf32>
    %broadcast_in_dim3A_1720 = arith.constant 1 : i32
    %broadcast_in_dim3A_1721 = vector.broadcast %broadcast_in_dim3A_1720 : i32 to vector<16xi32>
    %broadcast_in_dim3A_1722 = arith.constant 10 : i32
    %broadcast_in_dim3A_1723 = vector.broadcast %broadcast_in_dim3A_1722 : i32 to vector<16xi32>
    %gather3A_1724 = tpu.vector_load_idx %arg18[%broadcast_in_dim3A_1721, %broadcast_in_dim3A_1723] : memref<2x16xf32, #tpu.memory_space<vmem>>[vector<16xi32>, vector<16xi32>], vector<16xf32>,
    %broadcast_in_dim3A_1725 = arith.constant 10 : i32
    %broadcast_in_dim3A_1726 = vector.broadcast %broadcast_in_dim3A_1725 : i32 to vector<16xi32>
    %add3A_1727 = arith.constant 112 : i32
    %add3A_1728 = vector.broadcast %add3A_1727 : i32 to vector<16xi32>
    %add3A_1729 = arith.addi %iota3A, %add3A_1728 : vector<16xi32>
    %gather3A_1730 = tpu.vector_load_idx %arg19[%broadcast_in_dim3A_1726, %add3A_1729] : memref<16x128xf32, #tpu.memory_space<vmem>>[vector<16xi32>, vector<16xi32>], vector<16xf32>,
    %mul3A_1731 = arith.mulf %gather3A_1724, %gather3A_1730 : vector<16xf32>
    %add3A_1732 = arith.addf %add3A_1719, %mul3A_1731 : vector<16xf32>
    %broadcast_in_dim3A_1733 = arith.constant 1 : i32
    %broadcast_in_dim3A_1734 = vector.broadcast %broadcast_in_dim3A_1733 : i32 to vector<16xi32>
    %broadcast_in_dim3A_1735 = arith.constant 11 : i32
    %broadcast_in_dim3A_1736 = vector.broadcast %broadcast_in_dim3A_1735 : i32 to vector<16xi32>
    %gather3A_1737 = tpu.vector_load_idx %arg18[%broadcast_in_dim3A_1734, %broadcast_in_dim3A_1736] : memref<2x16xf32, #tpu.memory_space<vmem>>[vector<16xi32>, vector<16xi32>], vector<16xf32>,
    %broadcast_in_dim3A_1738 = arith.constant 11 : i32
    %broadcast_in_dim3A_1739 = vector.broadcast %broadcast_in_dim3A_1738 : i32 to vector<16xi32>
    %add3A_1740 = arith.constant 112 : i32
    %add3A_1741 = vector.broadcast %add3A_1740 : i32 to vector<16xi32>
    %add3A_1742 = arith.addi %iota3A, %add3A_1741 : vector<16xi32>
    %gather3A_1743 = tpu.vector_load_idx %arg19[%broadcast_in_dim3A_1739, %add3A_1742] : memref<16x128xf32, #tpu.memory_space<vmem>>[vector<16xi32>, vector<16xi32>], vector<16xf32>,
    %mul3A_1744 = arith.mulf %gather3A_1737, %gather3A_1743 : vector<16xf32>
    %add3A_1745 = arith.addf %add3A_1732, %mul3A_1744 : vector<16xf32>
    %broadcast_in_dim3A_1746 = arith.constant 1 : i32
    %broadcast_in_dim3A_1747 = vector.broadcast %broadcast_in_dim3A_1746 : i32 to vector<16xi32>
    %broadcast_in_dim3A_1748 = arith.constant 12 : i32
    %broadcast_in_dim3A_1749 = vector.broadcast %broadcast_in_dim3A_1748 : i32 to vector<16xi32>
    %gather3A_1750 = tpu.vector_load_idx %arg18[%broadcast_in_dim3A_1747, %broadcast_in_dim3A_1749] : memref<2x16xf32, #tpu.memory_space<vmem>>[vector<16xi32>, vector<16xi32>], vector<16xf32>,
    %broadcast_in_dim3A_1751 = arith.constant 12 : i32
    %broadcast_in_dim3A_1752 = vector.broadcast %broadcast_in_dim3A_1751 : i32 to vector<16xi32>
    %add3A_1753 = arith.constant 112 : i32
    %add3A_1754 = vector.broadcast %add3A_1753 : i32 to vector<16xi32>
    %add3A_1755 = arith.addi %iota3A, %add3A_1754 : vector<16xi32>
    %gather3A_1756 = tpu.vector_load_idx %arg19[%broadcast_in_dim3A_1752, %add3A_1755] : memref<16x128xf32, #tpu.memory_space<vmem>>[vector<16xi32>, vector<16xi32>], vector<16xf32>,
    %mul3A_1757 = arith.mulf %gather3A_1750, %gather3A_1756 : vector<16xf32>
    %add3A_1758 = arith.addf %add3A_1745, %mul3A_1757 : vector<16xf32>
    %broadcast_in_dim3A_1759 = arith.constant 1 : i32
    %broadcast_in_dim3A_1760 = vector.broadcast %broadcast_in_dim3A_1759 : i32 to vector<16xi32>
    %broadcast_in_dim3A_1761 = arith.constant 13 : i32
    %broadcast_in_dim3A_1762 = vector.broadcast %broadcast_in_dim3A_1761 : i32 to vector<16xi32>
    %gather3A_1763 = tpu.vector_load_idx %arg18[%broadcast_in_dim3A_1760, %broadcast_in_dim3A_1762] : memref<2x16xf32, #tpu.memory_space<vmem>>[vector<16xi32>, vector<16xi32>], vector<16xf32>,
    %broadcast_in_dim3A_1764 = arith.constant 13 : i32
    %broadcast_in_dim3A_1765 = vector.broadcast %broadcast_in_dim3A_1764 : i32 to vector<16xi32>
    %add3A_1766 = arith.constant 112 : i32
    %add3A_1767 = vector.broadcast %add3A_1766 : i32 to vector<16xi32>
    %add3A_1768 = arith.addi %iota3A, %add3A_1767 : vector<16xi32>
    %gather3A_1769 = tpu.vector_load_idx %arg19[%broadcast_in_dim3A_1765, %add3A_1768] : memref<16x128xf32, #tpu.memory_space<vmem>>[vector<16xi32>, vector<16xi32>], vector<16xf32>,
    %mul3A_1770 = arith.mulf %gather3A_1763, %gather3A_1769 : vector<16xf32>
    %add3A_1771 = arith.addf %add3A_1758, %mul3A_1770 : vector<16xf32>
    %broadcast_in_dim3A_1772 = arith.constant 1 : i32
    %broadcast_in_dim3A_1773 = vector.broadcast %broadcast_in_dim3A_1772 : i32 to vector<16xi32>
    %broadcast_in_dim3A_1774 = arith.constant 14 : i32
    %broadcast_in_dim3A_1775 = vector.broadcast %broadcast_in_dim3A_1774 : i32 to vector<16xi32>
    %gather3A_1776 = tpu.vector_load_idx %arg18[%broadcast_in_dim3A_1773, %broadcast_in_dim3A_1775] : memref<2x16xf32, #tpu.memory_space<vmem>>[vector<16xi32>, vector<16xi32>], vector<16xf32>,
    %broadcast_in_dim3A_1777 = arith.constant 14 : i32
    %broadcast_in_dim3A_1778 = vector.broadcast %broadcast_in_dim3A_1777 : i32 to vector<16xi32>
    %add3A_1779 = arith.constant 112 : i32
    %add3A_1780 = vector.broadcast %add3A_1779 : i32 to vector<16xi32>
    %add3A_1781 = arith.addi %iota3A, %add3A_1780 : vector<16xi32>
    %gather3A_1782 = tpu.vector_load_idx %arg19[%broadcast_in_dim3A_1778, %add3A_1781] : memref<16x128xf32, #tpu.memory_space<vmem>>[vector<16xi32>, vector<16xi32>], vector<16xf32>,
    %mul3A_1783 = arith.mulf %gather3A_1776, %gather3A_1782 : vector<16xf32>
    %add3A_1784 = arith.addf %add3A_1771, %mul3A_1783 : vector<16xf32>
    %broadcast_in_dim3A_1785 = arith.constant 1 : i32
    %broadcast_in_dim3A_1786 = vector.broadcast %broadcast_in_dim3A_1785 : i32 to vector<16xi32>
    %broadcast_in_dim3A_1787 = arith.constant 15 : i32
    %broadcast_in_dim3A_1788 = vector.broadcast %broadcast_in_dim3A_1787 : i32 to vector<16xi32>
    %gather3A_1789 = tpu.vector_load_idx %arg18[%broadcast_in_dim3A_1786, %broadcast_in_dim3A_1788] : memref<2x16xf32, #tpu.memory_space<vmem>>[vector<16xi32>, vector<16xi32>], vector<16xf32>,
    %broadcast_in_dim3A_1790 = arith.constant 15 : i32
    %broadcast_in_dim3A_1791 = vector.broadcast %broadcast_in_dim3A_1790 : i32 to vector<16xi32>
    %add3A_1792 = arith.constant 112 : i32
    %add3A_1793 = vector.broadcast %add3A_1792 : i32 to vector<16xi32>
    %add3A_1794 = arith.addi %iota3A, %add3A_1793 : vector<16xi32>
    %gather3A_1795 = tpu.vector_load_idx %arg19[%broadcast_in_dim3A_1791, %add3A_1794] : memref<16x128xf32, #tpu.memory_space<vmem>>[vector<16xi32>, vector<16xi32>], vector<16xf32>,
    %mul3A_1796 = arith.mulf %gather3A_1789, %gather3A_1795 : vector<16xf32>
    %add3A_1797 = arith.addf %add3A_1784, %mul3A_1796 : vector<16xf32>
    %swap3A_1798 = arith.constant 0 : i32
    %swap3A_1799 = arith.constant 7 : i32
    %swap3A_1800 = arith.index_cast %swap3A_1798 : i32 to index
    %swap3A_1801 = arith.index_cast %swap3A_1799 : i32 to index
    %swap3A_1802 = arith.constant 0 : index
    %swap3A_1803 = tpu.vector_load %arg20[%swap3A_1800, %swap3A_1801, %swap3A_1802] {strides = array<i32>} : memref<1x8x16xf32, #tpu.memory_space<vmem>>, vector<16xf32>,
    tpu.vector_store %arg20[%swap3A_1800, %swap3A_1801, %swap3A_1802], %add3A_1797 {strides = array<i32>} : memref<1x8x16xf32, #tpu.memory_space<vmem>>, vector<16xf32>,
    "tpu.region"() ({
      %run_scoped3A = tpu.sem_alloc : memref<!tpu.dma_semaphore, #tpu.memory_space<semaphore_mem>>
      %dma_start3A_1804 = arith.constant 0 : i32
      %dma_start3A_1805 = arith.constant 0 : i32
      %dma_start3A_1806 = tpu.memref_slice %arg10[%add3A, %dma_start3A_1804, %dma_start3A_1805] : memref<32x8x16xf32, #tpu.memory_space<hbm>> -> memref<1x8x16xf32, #tpu.memory_space<hbm>>
      %dma_start3A_1807 = arith.constant 0 : i32
      %dma_start3A_1808 = arith.constant 0 : i32
      %dma_start3A_1809 = tpu.memref_slice %arg10[%add3A, %dma_start3A_1807, %dma_start3A_1808] : memref<32x8x16xf32, #tpu.memory_space<hbm>> -> memref<1x8x16xf32, #tpu.memory_space<hbm>>
      tpu.enqueue_dma source(%arg20 : memref<1x8x16xf32, #tpu.memory_space<vmem>>) target(%dma_start3A_1809 : memref<1x8x16xf32, #tpu.memory_space<hbm>>) target_semaphore(%run_scoped3A : memref<!tpu.dma_semaphore, #tpu.memory_space<semaphore_mem>>)
      %dma_wait3A_1810 = arith.constant 0 : i32
      %dma_wait3A_1811 = arith.constant 0 : i32
      %dma_wait3A_1812 = tpu.memref_slice %arg10[%add3A, %dma_wait3A_1810, %dma_wait3A_1811] : memref<32x8x16xf32, #tpu.memory_space<hbm>> -> memref<1x8x16xf32, #tpu.memory_space<hbm>>
      %dma_wait3A_1813 = arith.constant 0 : i32
      %dma_wait3A_1814 = arith.constant 0 : i32
      %dma_wait3A_1815 = tpu.memref_slice %arg10[%add3A, %dma_wait3A_1813, %dma_wait3A_1814] : memref<32x8x16xf32, #tpu.memory_space<hbm>> -> memref<1x8x16xf32, #tpu.memory_space<hbm>>
      tpu.wait_dma2 semaphore(%run_scoped3A : memref<!tpu.dma_semaphore, #tpu.memory_space<semaphore_mem>>) src(%arg20 : memref<1x8x16xf32, #tpu.memory_space<vmem>>) dst(%dma_wait3A_1815 : memref<1x8x16xf32, #tpu.memory_space<hbm>>)
      tpu.yield
    }) : () -> ()
    return
  }
}

</mosaic_0001>

<sc_bundles>
// kernel: kernel.3.cloned.1.call-start
scs
__scs_entry_jumppad:
0x0: {  	(pc) =	sbr.rel $0x88, $3  }
0x1: {  	(tag) =	ssettag $0x0;
	lr =	simm.s32 $0x1  }
0x2: {  	[smem:$0x3F98] =	sst lr;
	_ =	strace $0xD0000000  }
0x3: {  	_ = 	snop  }
0x4: {  	_ = 	snop  }
0x5: {  	_ = 	snop  }
0x6: {  	_ = 	snop  }
0x7: {  	_ = 	snop  }
__scs_overlays_trampoline_lowered:
0x8: {  	[smem:$0x3FA7] =	sst s0  }
0x9: {  	[smem:$0x3FA8] =	sst s1  }
0xa: {  	[smem:$0x3FA9] =	sst s2  }
0xb: {  	[smem:$0x3FAA] =	sst s3  }
0xc: {  	[smem:$0x3FAB] =	sst s4  }
0xd: {  	[smem:$0x3FAC] =	sst s5  }
0xe: {  	[smem:$0x3FAD] =	sst s6  }
0xf: {  	[smem:$0x3FAE] =	sst s7  }
0x10: {  	[smem:$0x3FAF] =	sst s8  }
0x11: {  	[smem:$0x3FB0] =	sst s9;
	s0 =	simm.s32 @!p0 $0x0  }
0x12: {  	s1 =	sld [smem:$0x3F96];
	s0 =	simm.s32 @p0 $0x1  }
0x13: {  	[smem:$0x3FB1] =	sst s0;
	s0 =	simm.s32 @!p1 $0x0  }
0x14: {  	s2 =	sld [smem:$0x3F95];
	s0 =	simm.s32 @p1 $0x1  }
0x15: {  	[smem:$0x3FB2] =	sst s0;
	s0 =	simm.s32 @!p2 $0x0  }
0x16: {  	s3 =	sld [smem:$0x3FDB];
	s0 =	simm.s32 @p2 $0x1  }
0x17: {  	s4 =	simm.s32 $0x1BF5;
	[smem:$0x3FB4] =	sst s0  }
0x18: {  	s0 =	sld [smem:$0x3F97];
	_ =	swait.ge [sflag:s4], $0x0  }
0x19: {  	s7 =	sld [smem:$0x3F98]  }
0x1a: {  	s8 =	sadd.s32 $0xFFFFE003, lr  }
0x1b: {  	s9 =	sadd.s32 $0xFFFFFEF7, lr;
	s5 =	simm.s32 $0xFFFFFFFF;
	p2 =	slt.u32 s8, $0xFFFFF086  }
0x1c: {  	p1 =	slt.u32 s9, $0xF7A;
	s5 =	simm.s32 @!p2 $0x0  }
0x1d: {  	s5 =	simm.s32 @p1 $0x1;
	p0 =	seq.s32 s7, s2  }
0x1e: {  	s7 =	smul.u32 @!p0 $0xF7A, s2;
	p2 =	seq.s32 @!p0 s5, $0x0  }
0x1f: {  	s9 =	smul.u32 $0xF7A, s1;
	s8 =	simm.s32 @!p0 $0x1BF5;
	p2 =	por !p2, p0  }
0x20: {  	[sflag:s8] =	ssyncset.s32 @!p0 $0xFFFFF086;
	s6 =	sadd.s32 @!p0 s3, s7;
	s7 =	simm.s32 @!p0 $0x108  }
0x21: {  	s3 =	sadd.s32 s3, s9;
	s6 =	sadd.s32 @!p0 $0x88, s6;
	s7 =	simm.s32 @p2 $0x1082  }
0x22: {  	[simem:s7], [sflag:s8] =	dma.local @!p0 [hbm:s6], $0xF7A  }
0x23: {  	s9 =	sor.u32 $0xD0000000, s2;
	s6 =	simm.s32 $0x108;
	_ =	swait.ge @!p0 [sflag:s8], $0x0  }
0x24: {  	s3 =	sadd.s32 $0x88, s3;
	s6 =	simm.s32 @!p1 $0x1082;
	[sflag:s4] =	ssyncset.s32 $0xFFFFF086  }
0x25: {  	[simem:s6], [sflag:s4] =	dma.local [hbm:s3], $0xF7A  }
0x26: {  	[smem:$0x3F98] =	sst s1;
	(tag) =	ssettag s2;
	_ =	strace s9  }
0x27: {  	s1 =	sld [smem:$0x3FA8]  }
0x28: {  	s2 =	sld [smem:$0x3FA9]  }
0x29: {  	s4 =	sld [smem:$0x3FAB]  }
0x2a: {  	p0 =	seq.s32 s5, $0x0;
	s5 =	sld [smem:$0x3FAC]  }
0x2b: {  	s6 =	sld [smem:$0x3FAD]  }
0x2c: {  	s7 =	sld [smem:$0x3FAE]  }
0x2d: {  	s3 =	simm.s32 $0x108;
	s8 =	sld [smem:$0x3FAF]  }
0x2e: {  	s3 =	simm.s32 @!p0 $0x1082;
	s9 =	sld [smem:$0x3FB0]  }
0x2f: {  	lr =	sadd.s32 s0, s3;
	s0 =	sld [smem:$0x3FA7]  }
0x30: {  	s3 =	sld [smem:$0x3FAA]  }
0x31: {  	[smem:$0x3FB3] =	sst s10  }
0x32: {  	s10 =	sld [smem:$0x3FB1];
	_ =	sdelay $0x3  }
0x33: {  	p0 =	seq.s32 s10, $0x1;
	s10 =	sld [smem:$0x3FB3];
	_ =	sdelay $0x3  }
0x34: {  	[smem:$0x3FB3] =	sst s10  }
0x35: {  	s10 =	sld [smem:$0x3FB2];
	_ =	sdelay $0x3  }
0x36: {  	p1 =	seq.s32 s10, $0x1;
	s10 =	sld [smem:$0x3FB3];
	_ =	sdelay $0x3  }
0x37: {  	[smem:$0x3FB3] =	sst s10  }
0x38: {  	s10 =	sld [smem:$0x3FB4]  }
0x39: {  	_ = 	snop;
	(pc) =	sbr.ind lr, $3  }
0x3a: {  	_ = 	snop  }
0x3b: {  	_ = 	snop  }
0x3c: {  	p2 =	seq.s32 s10, $0x1;
	s10 =	sld [smem:$0x3FB3]  }
0x3d: {  	_ =	shalt  }
0x3e: {  	_ =	shalt  }
0x3f: {  	_ =	shalt  }
0x40: {  	_ =	shalt  }
0x41: {  	_ =	shalt  }
0x42: {  	_ =	shalt  }
0x43: {  	_ =	shalt  }
0x44: {  	_ =	shalt  }
0x45: {  	_ =	shalt  }
0x46: {  	_ =	shalt  }
0x47: {  	_ =	shalt  }
0x48: {  	_ =	shalt  }
0x49: {  	_ =	shalt  }
0x4a: {  	_ =	shalt  }
0x4b: {  	_ =	shalt  }
0x4c: {  	_ =	shalt  }
0x4d: {  	_ =	shalt  }
0x4e: {  	_ =	shalt  }
0x4f: {  	_ =	shalt  }
0x50: {  	_ =	shalt  }
0x51: {  	_ =	shalt  }
0x52: {  	_ =	shalt  }
0x53: {  	_ =	shalt  }
0x54: {  	_ =	shalt  }
0x55: {  	_ =	shalt  }
0x56: {  	_ =	shalt  }
0x57: {  	_ =	shalt  }
0x58: {  	_ =	shalt  }
0x59: {  	_ =	shalt  }
0x5a: {  	_ =	shalt  }
0x5b: {  	_ =	shalt  }
0x5c: {  	_ =	shalt  }
0x5d: {  	_ =	shalt  }
0x5e: {  	_ =	shalt  }
0x5f: {  	_ =	shalt  }
0x60: {  	_ =	shalt  }
0x61: {  	_ =	shalt  }
0x62: {  	_ =	shalt  }
0x63: {  	_ =	shalt  }
0x64: {  	_ =	shalt  }
0x65: {  	_ =	shalt  }
0x66: {  	_ =	shalt  }
0x67: {  	_ =	shalt  }
0x68: {  	_ =	shalt  }
0x69: {  	_ =	shalt  }
0x6a: {  	_ =	shalt  }
0x6b: {  	_ =	shalt  }
0x6c: {  	_ =	shalt  }
0x6d: {  	_ =	shalt  }
0x6e: {  	_ =	shalt  }
0x6f: {  	_ =	shalt  }
0x70: {  	_ =	shalt  }
0x71: {  	_ =	shalt  }
0x72: {  	_ =	shalt  }
0x73: {  	_ =	shalt  }
0x74: {  	_ =	shalt  }
0x75: {  	_ =	shalt  }
0x76: {  	_ =	shalt  }
0x77: {  	_ =	shalt  }
0x78: {  	_ =	shalt  }
0x79: {  	_ =	shalt  }
0x7a: {  	_ =	shalt  }
0x7b: {  	_ =	shalt  }
0x7c: {  	_ =	shalt  }
0x7d: {  	_ =	shalt  }
0x7e: {  	_ =	shalt  }
0x7f: {  	_ =	shalt  }
0x80: {  	_ =	shalt  }
0x81: {  	_ =	shalt  }
0x82: {  	_ =	shalt  }
0x83: {  	_ =	shalt  }
0x84: {  	_ =	shalt  }
0x85: {  	_ =	shalt  }
0x86: {  	_ =	shalt  }
0x87: {  	_ =	shalt  }
.Lfunc_end0:
.L_simem_size_0:
called_computation_lowered:
.L_overlay_start_0:
0x88: {  	s2 =	sld [smem:$0x3FD9]  }
0x89: {  	s3 =	sld [smem:$0x3FFE];
	_ =	sdelay $0x1  }
0x8a: {  	s1 =	srdreg.scid  }
0x8b: {  	s0 =	sand.u32 $0x1, s1  }
0x8c: {  	s17 =	sshll.u32 s0, $0xA;
	s2 =	sadd.s32 s3, s2  }
0x8d: {  	s2 =	sadd.s32 s2, s17  }
0x8e: {  	[smem:$0x3FBF] =	sst s2  }
0x8f: {  	_ = 	snop  }
0x90: {  	s2 =	sld [smem:$0x3FC9]  }
0x91: {  	s18 =	sld [smem:$0x3FC7]  }
0x92: {  	s4 =	sld [smem:$0x3FC6]  }
0x93: {  	s5 =	sld [smem:$0x3FC5]  }
0x94: {  	s6 =	sld [smem:$0x3FD0];
	(tm) =	ssettm $0x1  }
0x95: {  	s7 =	sld [smem:$0x3FFB];
	_ =	sdelay $0x3  }
0x96: {  	_ =	strace s7  }
0x97: {  	s7 =	sld [smem:$0x3FFC];
	_ =	sdelay $0x3  }
0x98: {  	_ =	strace s7  }
0x99: {  	s7 =	sld [smem:$0x3FFD];
	_ =	sdelay $0x3  }
0x9a: {  	_ =	strace s7  }
0x9b: {  	_ =	strace $0x8FFFFFFF  }
0x9c: {  	s19 =	sld [smem:$0x3FDB];
	_ =	sdelay $0x1  }
0x9d: {  	s8 =	simm.s32 $_scs_section_size  }
0x9e: {  	s9 =	simm.s32 $_size__tile_overlayer_lowered;
	s10 =	simm.s32 $_tile_overlayer_lowered  }
0x9f: {  	s22 =	simm.s32 $0x1BFF;
	s21 =	sshll.u32 s10, $0x1;
	s7 =	sadd.s32 s8, s19  }
0xa0: {  	s11 =	simm.s32 $0x0;
	s20 =	sshll.u32 s9, $0x1;
	s9 =	sadd.s32 s21, s7  }
0xa1: {  	[timem:s11], [sflag:s22] =	dma.local [hbm:s9], s20  }
0xa2: {  	_ =	swait.ge [sflag:s22], s20  }
0xa3: {  	s8 =	ssub.s32 $0x0, s20;
	[sflag:s22] =	ssyncset.done $0x0  }
0xa4: {  	[sflag:s22] =	ssyncadd.s32 s8;
	_ =	sdelay $0x1  }
0xa5: {  	s23 =	simm.s32 $0x1B8B  }
0xa6: {  	_ =	swait.ge [sflag:s23], $0x1  }
0xa7: {  	[sflag:s23] =	ssyncset.done $0x0  }
0xa8: {  	s25 =	simm.s32 $0x1B8E;
	s24 =	sld [smem:$0x3FFE];
	[sflag:s23] =	ssyncadd.s32 $0xFFFFFFFF  }
0xa9: {  	s26 =	simm.s32 $execute0_lowered;
	[smem:$0x3FD2] =	sst s25  }
0xaa: {  	s9 =	sshll.u32 s26, $0x1;
	_ =	strace $0x80000046;
	[dreg:$0x1] =	wrdreg $0xFFFFFFFF  }
0xab: {  	s28 =	simm.s32 $_size_execute0_lowered;
	s7 =	sadd.s32 s7, s9;
	[dreg:$0x0] =	wrdreg $0x0  }
0xac: {  	s9 =	sshll.u32 s28, $0x1;
	[dreg:$0x2] =	wrdreg s7  }
0xad: {  	[dreg:$0x3] =	wrdreg s9  }
0xae: {  	[dreg:$0x4] =	wrdreg $0xC0  }
0xaf: {  	_ =	task [dreg:s11], $0x5FFFF  }
0xb0: {  	[dreg:$0x1] =	wrdreg $0xFFFFFFFF  }
0xb1: {  	[dreg:$0x0] =	wrdreg $0x60  }
0xb2: {  	[dreg:$0x2] =	wrdreg s2  }
0xb3: {  	[dreg:$0x3] =	wrdreg s6  }
0xb4: {  	[dreg:$0x4] =	wrdreg s18  }
0xb5: {  	[dreg:$0x5] =	wrdreg s4  }
0xb6: {  	[dreg:$0x6] =	wrdreg s5  }
0xb7: {  	[dreg:$0x7] =	wrdreg s24  }
0xb8: {  	[dreg:$0x8] =	wrdreg $0x9  }
0xb9: {  	_ =	task.clear_ibuf [dreg:s11], $0x9FFFF;
	_ =	strace $0x90000046  }
0xba: {  	s29 =	simm.s32 $0x9;
	_ =	strace $0x80000048  }
0xbb: {  	_ =	swait.ge [sflag:s29], $0x1  }
0xbc: {  	[sflag:s29] =	ssyncadd.s32 $0xFFFFFFFF  }
0xbd: {  	_ =	strace $0x90000048  }
0xbe: {  	_ =	sfence  }
0xbf: {  	s30 =	sld [smem:$0x0];
	_ =	sdelay $0x2  }
0xc0: {  	s31 =	sshll.u32 s1, $0xD;
	s1 =	sshrl.u32 s1, $0x2  }
0xc1: {  	s3 =	sand.u32 $0x4000, s31;
	s1 =	sadd.s32 s1, s30  }
0xc2: {  	s0 =	sor.u32 s3, s0;
	s1 =	sshll.u32 s1, $0x11  }
0xc3: {  	s0 =	sor.u32 s1, s0  }
0xc4: {  	s0 =	sadd.s32 $0x8F2B, s0  }
0xc5: {  	[sflag:s0] =	ssyncadd.remote.s32 $0x1  }
0xc6: {  	_ =	sfence.sel $0xFFFF  }
0xc7: {  	[dreg:$0x0] =	wrdreg $0xFFFFFFFF;
	(pc) =	sbr.abs _section_cstart, $3  }
0xc8: {  	[dreg:$0x1] =	wrdreg $0xFFFFFFFF  }
0xc9: {  	_ =	task.clear_ibuf [dreg:s11], $0x2FFFF;
	_ =	strace $0x9FFFFFFF  }
0xca: {  	(tm) =	ssettm $0x7FFFFFFF  }
0xcb: {  	_ =	shalt  }
tec
execute0_lowered:
.L_overlay_start_1:
0x0: {  	(tag) =	ssettag $0x1  }
0x1: {  	v0 =	vimm.s32 $0x1380  }
0x2: {  	vm9 =	vcmask $0x300;
	vm8 =	vcmask $0x704;
	vm7 =	vcmask $0xB08  }
0x3: {  	vm5 =	vcmask $0xF0C;
	vm4 =	vcmask $0x1310;
	vm3 =	vcmask $0x1714  }
0x4: {  	vm1 =	vcmask $0x1B18;
	vm0 =	vcmask $0x1F1C;
	v1 =	vimm.s32 $0x1780  }
0x5: {  	v2 =	vimm.s32 $0x1B80;
	vm2 =	vcmask $0x2320;
	vm6 =	vcmask $0x2724  }
0x6: {  	vm10 =	vcmask $0x2B28;
	vm11 =	vcmask $0x2F2C;
	vm12 =	vcmask $0x3330  }
0x7: {  	vm13 =	vcmask $0x3734;
	vm14 =	vcmask $0x3B38;
	v3 =	vimm.s32 $0x1F80  }
0x8: {  	v4 =	vimm.s32 $0x1F81;
	v5 =	vimm.s32 $0x1F82;
	v9 =	vlaneseq.u32  }
0x9: {  	v10 =	vimm.s32 $0x80;
	v11 =	vimm.s32 $0x81;
	v13 =	vimm.s32 $0x82  }
0xa: {  	v15 =	vimm.s32 $0x83;
	v17 =	vimm.s32 $0x84;
	v19 =	vimm.s32 $0x85  }
0xb: {  	v21 =	vimm.s32 $0x86;
	v23 =	vimm.s32 $0x87;
	v25 =	vimm.s32 $0x88  }
0xc: {  	v27 =	vimm.s32 $0x89;
	v29 =	vimm.s32 $0x8A;
	v31 =	vimm.s32 $0x8B  }
0xd: {  	v33 =	vimm.s32 $0x8C;
	v35 =	vimm.s32 $0x8D;
	v37 =	vimm.s32 $0x8E  }
0xe: {  	v39 =	vimm.s32 $0x8F;
	v0 =	vsel vm9, $0x0, v0;
	v1 =	vsel vm9, $0x400, v1  }
0xf: {  	v2 =	vsel vm9, $0x800, v2;
	v3 =	vsel vm9, $0xC00, v3;
	v4 =	vsel vm9, $0xC01, v4  }
0x10: {  	v5 =	vsel vm9, $0xC02, v5;
	v22 =	vor.u32 $0x300, v9;
	v24 =	vor.u32 $0x380, v9  }
0x11: {  	v26 =	vor.u32 $0x400, v9;
	v28 =	vor.u32 $0x480, v9;
	v30 =	vor.u32 $0x500, v9  }
0x12: {  	v32 =	vor.u32 $0x580, v9;
	v34 =	vor.u32 $0x600, v9;
	v36 =	vor.u32 $0x680, v9  }
0x13: {  	v38 =	vor.u32 $0x700, v9;
	v40 =	vor.u32 $0x780, v9;
	v41 =	vor.u32 $0x10, v9  }
0x14: {  	v42 =	vor.u32 $0x90, v9;
	v43 =	vor.u32 $0x110, v9;
	v44 =	vor.u32 $0x190, v9  }
0x15: {  	v45 =	vor.u32 $0x210, v9;
	v46 =	vor.u32 $0x290, v9;
	v47 =	vor.u32 $0x310, v9  }
0x16: {  	v48 =	vor.u32 $0x390, v9;
	v49 =	vor.u32 $0x410, v9;
	v50 =	vor.u32 $0x490, v9  }
0x17: {  	v51 =	vor.u32 $0x510, v9;
	v52 =	vor.u32 $0x590, v9;
	v53 =	vor.u32 $0x610, v9  }
0x18: {  	v54 =	vor.u32 $0x690, v9;
	v55 =	vor.u32 $0x710, v9;
	v56 =	vor.u32 $0x790, v9  }
0x19: {  	v57 =	vor.u32 $0x20, v9;
	v58 =	vor.u32 $0xA0, v9;
	v59 =	vor.u32 $0x120, v9  }
0x1a: {  	v60 =	vor.u32 $0x1A0, v9;
	v0 =	vsel vm8, $0x80, v0;
	v1 =	vsel vm8, $0x480, v1  }
0x1b: {  	v2 =	vsel vm8, $0x880, v2;
	v3 =	vsel vm8, $0xC80, v3;
	v4 =	vsel vm8, $0xC81, v4  }
0x1c: {  	v5 =	vsel vm8, $0xC82, v5;
	v0 =	vsel vm7, $0x100, v0;
	v1 =	vsel vm7, $0x500, v1  }
0x1d: {  	v2 =	vsel vm7, $0x900, v2;
	v3 =	vsel vm7, $0xD00, v3;
	v4 =	vsel vm7, $0xD01, v4  }
0x1e: {  	v5 =	vsel vm7, $0xD02, v5;
	v0 =	vsel vm5, $0x180, v0;
	v1 =	vsel vm5, $0x580, v1  }
0x1f: {  	v2 =	vsel vm5, $0x980, v2;
	v3 =	vsel vm5, $0xD80, v3;
	v4 =	vsel vm5, $0xD81, v4  }
0x20: {  	v5 =	vsel vm5, $0xD82, v5;
	v0 =	vsel vm4, $0x200, v0;
	v1 =	vsel vm4, $0x600, v1  }
0x21: {  	v2 =	vsel vm4, $0xA00, v2;
	v3 =	vsel vm4, $0xE00, v3;
	v4 =	vsel vm4, $0xE01, v4  }
0x22: {  	v5 =	vsel vm4, $0xE02, v5;
	v0 =	vsel vm3, $0x280, v0;
	v1 =	vsel vm3, $0x680, v1  }
0x23: {  	v2 =	vsel vm3, $0xA80, v2;
	v3 =	vsel vm3, $0xE80, v3;
	v4 =	vsel vm3, $0xE81, v4  }
0x24: {  	v5 =	vsel vm3, $0xE82, v5;
	v0 =	vsel vm1, $0x300, v0;
	v3 =	vsel vm1, $0xF00, v3  }
0x25: {  	v1 =	vsel vm1, $0x700, v1;
	v2 =	vsel vm1, $0xB00, v2;
	v3 =	vsel vm0, $0xF80, v3  }
0x26: {  	s0 =	rddreg [dreg:$0x0];
	v4 =	vsel vm1, $0xF01, v4;
	v5 =	vsel vm1, $0xF02, v5;
	v3 =	vsel vm2, $0x1C00, v3  }
0x27: {  	s1 =	rddreg [dreg:$0x1];
	v0 =	vsel vm0, $0x380, v0;
	v4 =	vsel vm0, $0xF81, v4;
	v3 =	vsel vm6, $0x1C80, v3  }
0x28: {  	s2 =	rddreg [dreg:$0x2];
	v1 =	vsel vm0, $0x780, v1;
	v4 =	vsel vm2, $0x1C01, v4;
	v3 =	vsel vm10, $0x1D00, v3  }
0x29: {  	s3 =	rddreg [dreg:$0x3];
	v5 =	vsel vm0, $0xF82, v5;
	v4 =	vsel vm6, $0x1C81, v4;
	v3 =	vsel vm11, $0x1D80, v3  }
0x2a: {  	s4 =	rddreg [dreg:$0x4];
	s6 =	srdreg.scid;
	v5 =	vsel vm2, $0x1C02, v5;
	v4 =	vsel vm10, $0x1D01, v4;
	v3 =	vsel vm12, $0x1E00, v3  }
0x2b: {  	s5 =	stileid.u32;
	s9 =	rddreg [dreg:$0x5];
	v5 =	vsel vm6, $0x1C82, v5;
	v4 =	vsel vm11, $0x1D81, v4;
	v3 =	vsel vm13, $0x1E80, v3  }
0x2c: {  	s7 =	simm.s32 $0x0;
	s16 =	simm.s32 $0x100;
	s18 =	simm.s32 $0x300;
	v5 =	vsel vm10, $0x1D02, v5;
	v4 =	vsel vm12, $0x1E01, v4;
	v3 =	vsel vm14, $0x1F00, v3  }
0x2d: {  	s17 =	simm.s32 $0x1;
	s19 =	simm.s32 $0x500;
	s20 =	simm.s32 $0x700;
	v2 =	vsel vm0, $0xB80, v2;
	v5 =	vsel vm11, $0x1D82, v5;
	[tilespmem:$0x1FF80] =	vst v3;
	v3 =	vsel vm13, $0x1E81, v4  }
0x2e: {  	s21 =	simm.s32 $0x2700;
	s22 =	simm.s32 $0x3800;
	s24 =	simm.s32 $0x3700;
	v0 =	vsel vm2, $0x1000, v0;
	v63 =	vsel vm12, $0x1E02, v5;
	v3 =	vsel vm14, $0x1F01, v3  }
0x2f: {  	s25 =	simm.s32 $0x4000;
	s10 =	sand.u32 $0x1, s6;
	s8 =	sshll.u32 s5, $0x1;
	v1 =	vsel vm2, $0x1400, v1;
	v2 =	vsel vm2, $0x1800, v2;
	[tilespmem:$0x1FF90] =	vst v3;
	v3 =	vsel vm13, $0x1E82, v63  }
0x30: {  	s26 =	simm.s32 $0x0;
	s6 =	rddreg [dreg:$0x6];
	s11 =	sor.u32 s10, s8;
	v0 =	vsel vm6, $0x1080, v0;
	v1 =	vsel vm6, $0x1480, v1;
	v3 =	vsel vm14, $0x1F02, v3  }
0x31: {  	[smem:$0x7FF] =	sst s7;
	s10 =	ssub.s32 $0x2, s10;
	s8 =	sshll.u32 s11, $0xA;
	v2 =	vsel vm6, $0x1880, v2;
	v0 =	vsel vm10, $0x1100, v0;
	[tilespmem:$0x1FFA0] =	vst v3;
	v3 =	vor.u32 $0x80, v9  }
0x32: {  	s13 =	sshll.u32 s11, $0x8;
	s14 =	sshll.u32 s11, $0x7;
	s15 =	sshrl.u32 s10, $0x1;
	v1 =	vsel vm10, $0x1500, v1;
	v2 =	vsel vm10, $0x1900, v2;
	[tilespmem:$0x1FFB0] =	vst v3;
	v3 =	vor.u32 $0x100, v9  }
0x33: {  	s23 =	sshll.u32 s11, $0x9;
	s12 =	sadd.s32 s8, s9;
	s8 =	sadd.s32 $0x200, s9;
	v0 =	vsel vm11, $0x1180, v0;
	v1 =	vsel vm11, $0x1580, v1;
	[tilespmem:$0x1FFC0] =	vst v3;
	v3 =	vor.u32 $0x180, v9  }
0x34: {  	s13 =	sadd.s32 s13, s9;
	s14 =	sadd.s32 s14, s9;
	s15 =	ssub.s32 s10, s15;
	v2 =	vsel vm11, $0x1980, v2;
	v0 =	vsel vm12, $0x1200, v0;
	[tilespmem:$0x1FFD0] =	vst v3;
	v3 =	vor.u32 $0x200, v9  }
0x35: {  	s23 =	sshrl.u32 s23, $0x2;
	s9 =	sadd.s32 $0x2400, s12;
	s10 =	sadd.s32 $0x400, s13;
	v1 =	vsel vm12, $0x1600, v1;
	v2 =	vsel vm12, $0x1A00, v2;
	[tilespmem:$0x1FFE0] =	vst v3;
	v3 =	vor.u32 $0x280, v9  }
0x36: {  	s11 =	sadd.s32 $0xA400, s14;
	s12 =	smax.u32 s15, $0x1;
	s13 =	simm.s32 $0x2;
	v0 =	vsel vm13, $0x1280, v0;
	v1 =	vsel vm13, $0x1680, v1;
	v2 =	vsel vm13, $0x1A80, v2;
	[tilespmem:$0x1FFF0] =	vst v3  }
0x37: {  	s14 =	simm.s32 $0x80;
	s15 =	simm.s32 $0x3;
	v0 =	vsel vm14, $0x1300, v0;
	v1 =	vsel vm14, $0x1700, v1;
	v2 =	vsel vm14, $0x1B00, v2;
	_ =	strace $0x80000047  }
.LBB2_1:
0x38: {  	[tilespmem:s7], [sflag:$0x2] =	stream.linear.gather [hbm4b:s0+s7], $0x80, $0x38;
	[tilespmem:$0x4400] =	vst v63  }
0x39: {  	_ =	swait.ge [sflag:s13], $0x80  }
0x3a: {  	[sflag:s13] =	ssyncset.done $0x0  }
0x3b: {  	[sflag:s13] =	ssyncadd.s32 $0xFFFFFF80  }
0x3c: {  	[tilespmem:s14], [sflag:$0x2] =	stream.linear.gather [hbm4b:s1+s7], $0x80, $0x38;
	[tilespmem:$0x4400] =	vst v63  }
0x3d: {  	_ =	swait.ge [sflag:s13], $0x80  }
0x3e: {  	[sflag:s13] =	ssyncset.done $0x0  }
0x3f: {  	[sflag:s13] =	ssyncadd.s32 $0xFFFFFF80  }
0x40: {  	[tilespmem:s16], [sflag:$0x1] =	stream.indirect.gather [hbm4b:s2+s15], $0x80, s7, s15, $0xb8;
	[tilespmem:$0x4400] =	vst v63  }
0x41: {  	_ =	swait.ge [sflag:s17], $0x180  }
0x42: {  	[sflag:s17] =	ssyncset.done $0x0  }
0x43: {  	[sflag:s17] =	ssyncadd.s32 $0xFFFFFE80  }
0x44: {  	[tilespmem:s18], [sflag:$0x1] =	stream.indirect.gather [hbm4b:s3+s15], $0x80, s7, s15, $0xb8;
	[tilespmem:$0x4400] =	vst v63  }
0x45: {  	_ =	swait.ge [sflag:s17], $0x180  }
0x46: {  	[sflag:s17] =	ssyncset.done $0x0  }
0x47: {  	[sflag:s17] =	ssyncadd.s32 $0xFFFFFE80  }
0x48: {  	[tilespmem:s19], [sflag:$0x1] =	stream.indirect.gather [hbm4b:s4+s15], $0x80, s7, s15, $0xb8;
	[tilespmem:$0x4400] =	vst v63  }
0x49: {  	_ =	swait.ge [sflag:s17], $0x180  }
0x4a: {  	[sflag:s17] =	ssyncset.done $0x0  }
0x4b: {  	[sflag:s17] =	ssyncadd.s32 $0xFFFFFE80  }
0x4c: {  	[tilespmem:s20], [sflag:$0x2] =	stream.linear.gather [hbm4b:s9+s7], $0x2000, $0x38;
	[tilespmem:$0x4400] =	vst v63  }
0x4d: {  	_ =	swait.ge [sflag:s13], $0x2000  }
0x4e: {  	[sflag:s13] =	ssyncset.done $0x0  }
0x4f: {  	[sflag:s13] =	ssyncadd.s32 $0xFFFFE000  }
0x50: {  	[tilespmem:s21], [sflag:$0x2] =	stream.linear.gather [hbm4b:s8+s7], $0x1000, $0x38;
	[tilespmem:$0x4400] =	vst v63  }
0x51: {  	_ =	swait.ge [sflag:s13], $0x1000  }
0x52: {  	[sflag:s13] =	ssyncset.done $0x0  }
0x53: {  	v3 =	vmov s7;
	[sflag:s13] =	ssyncadd.s32 $0xFFFFF000  }
0x54: {  	v4 =	vor.u32 s7, v0;
	[tilespmem:s22], [sflag:$0x2] =	stream.linear.gather [hbm4b:s10+s7], $0x800, $0x38;
	[tilespmem:$0x4400] =	vst v63  }
0x55: {  	_ =	swait.ge [sflag:s13], $0x800  }
0x56: {  	[sflag:s13] =	ssyncset.done $0x0  }
0x57: {  	s28 =	simm.s32 $0x1;
	[sflag:s13] =	ssyncadd.s32 $0xFFFFF800  }
0x58: {  	v5 =	vmov s28;
	v8 =	vld.idx.msk [tilespmem:v3+s16+$0x0], $0xffff  }
0x59: {  	v6 =	vor.u32 s28, v0;
	v4 =	vld.idx.msk [tilespmem:v4+s20+$0x0], $0xffff;
	_ =	sdelay $0x3  }
0x5a: {  	v7 =	vimm.f32 $0.0e+00;
	s28 =	simm.s32 $0x2;
	v63 =	vld.idx.msk [tilespmem:v5+s16+$0x0], $0xffff  }
.LBB2_2:
0x5b: {  	v3 =	vmov s28;
	v5 =	vmul.f32 v4, v8;
	v4 =	vld.idx.msk [tilespmem:v6+s20+$0x0], $0xffff;
	p0 =	sne.s32 s28, $0x7F  }
.Ltmp0:
0x5c: {  	v6 =	vor.u32 s28, v0;
	s28 =	sadd.s32 $0x1, s28;
	(pc) =	sbr.rel @p0 .LBB2_2-.Ltmp0, $2  }
0x5d: {  	v7 =	vadd.f32 v5, v7;
	_ =	sdelay $0x2  }
0x5e: {  	v8 =	vmov v63;
	v63 =	vld.idx.msk [tilespmem:v3+s16+$0x0], $0xffff  }
0x5f: {  	s28 =	simm.s32 $0x0  }
0x60: {  	v3 =	vmov s28  }
0x61: {  	v61 =	vand.u32 $0x7F, v3  }
0x62: {  	v3 =	vor.u32 $0x80, v61  }
0x63: {  	v12 =	vbroadcast v3, $0x0;
	v3 =	vbroadcast v61, $0x0  }
0x64: {  	s28 =	simm.s32 $0x1  }
0x65: {  	v5 =	vmov s28;
	v14 =	vor.u32 v1, v3  }
0x66: {  	v5 =	vand.u32 $0x7F, v5  }
0x67: {  	v6 =	vld.idx.msk [tilespmem:v6+s20+$0x0], $0xffff;
	v16 =	vor.u32 $0x80, v5  }
0x68: {  	v62 =	vbroadcast v5, $0x0;
	v16 =	vbroadcast v16, $0x0  }
0x69: {  	v18 =	vld.idx.msk [tilespmem:v12+s18+$0x0], $0xffff  }
0x6a: {  	v4 =	vmul.f32 v4, v8;
	s28 =	simm.s32 $0x2;
	v8 =	vor.u32 v1, v62;
	v14 =	vld.idx.msk [tilespmem:v14+s20+$0x0], $0xffff  }
0x6b: {  	v12 =	vmov s28  }
0x6c: {  	v4 =	vadd.f32 v4, v7;
	v6 =	vmul.f32 v6, v63;
	v7 =	vand.u32 $0x7F, v12  }
0x6d: {  	v63 =	vbroadcast v7, $0x0;
	v12 =	vor.u32 $0x80, v7  }
0x6e: {  	v4 =	vadd.f32 v6, v4;
	v6 =	vld.idx.msk [tilespmem:v16+s18+$0x0], $0xffff;
	v12 =	vbroadcast v12, $0x0  }
0x6f: {  	s28 =	simm.s32 $0x3;
	v8 =	vld.idx.msk [tilespmem:v8+s20+$0x0], $0xffff;
	v16 =	vmul.f32 v14, v18;
	v14 =	vor.u32 v1, v63  }
.LBB2_4:
0x70: {  	v18 =	vmov s28  }
0x71: {  	v4 =	vadd.f32 v16, v4;
	p0 =	sne.s32 s28, $0x7F;
	v16 =	vand.u32 $0x7F, v18  }
.Ltmp1:
0x72: {  	s28 =	sadd.s32 $0x1, s28;
	(pc) =	sbr.rel @p0 .LBB2_4-.Ltmp1, $4  }
0x73: {  	v18 =	vor.u32 $0x80, v16  }
0x74: {  	v20 =	vbroadcast v16, $0x0;
	v16 =	vmov v6;
	v6 =	vld.idx.msk [tilespmem:v12+s18+$0x0], $0xffff;
	v12 =	vbroadcast v18, $0x0  }
0x75: {  	v16 =	vmul.f32 v8, v16;
	v8 =	vld.idx.msk [tilespmem:v14+s20+$0x0], $0xffff  }
0x76: {  	v14 =	vor.u32 v1, v20  }
0x77: {  	v18 =	vor.u32 $0x100, v61  }
0x78: {  	v3 =	vor.u32 v2, v3;
	v18 =	vbroadcast v18, $0x0;
	_ =	sdelay $0x2  }
0x79: {  	v12 =	vld.idx.msk [tilespmem:v12+s18+$0x0], $0xffff  }
0x7a: {  	v14 =	vld.idx.msk [tilespmem:v14+s20+$0x0], $0xffff;
	v5 =	vor.u32 $0x100, v5  }
0x7b: {  	v5 =	vbroadcast v5, $0x0;
	v6 =	vmul.f32 v8, v6;
	v8 =	vld.idx.msk [tilespmem:v3+s20+$0x0], $0xffff  }
0x7c: {  	v18 =	vld.idx.msk [tilespmem:v18+s19+$0x0], $0xffff  }
0x7d: {  	v4 =	vadd.f32 v16, v4;
	v16 =	vor.u32 v2, v62;
	_ =	sdelay $0x1  }
0x7e: {  	v3 =	vadd.f32 v6, v4;
	v4 =	vmul.f32 v14, v12;
	v6 =	vor.u32 $0x100, v7  }
0x7f: {  	v6 =	vbroadcast v6, $0x0  }
0x80: {  	v3 =	vadd.f32 v4, v3;
	v4 =	vld.idx.msk [tilespmem:v5+s19+$0x0], $0xffff;
	v8 =	vmul.f32 v8, v18  }
0x81: {  	s28 =	simm.s32 $0x3;
	v7 =	vor.u32 v2, v63;
	v5 =	vld.idx.msk [tilespmem:v16+s20+$0x0], $0xffff  }
.LBB2_6:
0x82: {  	v12 =	vmov s28;
	v3 =	vadd.f32 v8, v3;
	p0 =	sne.s32 s28, $0x7F  }
.Ltmp2:
0x83: {  	s28 =	sadd.s32 $0x1, s28;
	v16 =	vand.u32 $0x7F, v12;
	(pc) =	sbr.rel @p0 .LBB2_6-.Ltmp2, $4  }
0x84: {  	v12 =	vor.u32 $0x100, v16  }
0x85: {  	v14 =	vbroadcast v16, $0x0;
	v8 =	vmov v4;
	v4 =	vld.idx.msk [tilespmem:v6+s19+$0x0], $0xffff;
	v6 =	vbroadcast v12, $0x0  }
0x86: {  	v8 =	vmul.f32 v5, v8;
	v5 =	vld.idx.msk [tilespmem:v7+s20+$0x0], $0xffff  }
0x87: {  	v7 =	vor.u32 v2, v14  }
0x88: {  	v61 =	vimm.s32 $0x9;
	_ =	sdelay $0x1  }
0x89: {  	v14 =	vld [tilespmem:$0x1FF80];
	_ =	sdelay $0x1  }
0x8a: {  	v12 =	vimm.s32 $0x8;
	v3 =	vadd.f32 v8, v3;
	v8 =	vld [tilespmem:$0x1FF90]  }
0x8b: {  	v4 =	vmul.f32 v5, v4;
	v5 =	vld.idx.msk [tilespmem:v61+s14+$0x0], $0xffff  }
0x8c: {  	v61 =	vld [tilespmem:$0x1FFA0]  }
0x8d: {  	v6 =	vld.idx.msk [tilespmem:v6+s19+$0x0], $0xffff  }
0x8e: {  	v7 =	vld.idx.msk [tilespmem:v7+s20+$0x0], $0xffff;
	v63 =	vimm.s32 $0xA  }
0x8f: {  	v12 =	vld.idx.msk [tilespmem:v12+s14+$0x0], $0xffff  }
0x90: {  	v14 =	vld.idx.msk [tilespmem:v14+s20+$0x0], $0xffff;
	_ =	sdelay $0x1  }
0x91: {  	v8 =	vld.idx.msk [tilespmem:v8+s20+$0x0], $0xffff  }
0x92: {  	v3 =	vadd.f32 v4, v3;
	v62 =	vmul.f32 v7, v6;
	v6 =	vld.idx.msk [tilespmem:v63+s14+$0x0], $0xffff  }
0x93: {  	v7 =	vld.idx.msk [tilespmem:v61+s20+$0x0], $0xffff  }
0x94: {  	v3 =	vadd.f32 v62, v3;
	v62 =	vmul.f32 v14, v12;
	_ =	sdelay $0x1  }
0x95: {  	v63 =	vmul.f32 v8, v5;
	v3 =	vadd.f32 v62, v3  }
0x96: {  	v61 =	vld [tilespmem:s23+$0x2700]  }
0x97: {  	v3 =	vadd.f32 v63, v3;
	v62 =	vmul.f32 v7, v6  }
0x98: {  	v8 =	vld [tilespmem:$0x1FFC0]  }
0x99: {  	v3 =	vadd.f32 v62, v3;
	_ =	sdelay $0x1  }
0x9a: {  	v3 =	vadd.f32 v3, v61  }
0x9b: {  	v61 =	vld [tilespmem:$0x1FFB0]  }
0x9c: {  	v12 =	vld [tilespmem:$0x1FFD0];
	v3 =	vmax.f32 v3, $0.0e+00  }
0x9d: {  	v14 =	vld [tilespmem:$0x1FFE0];
	[tilespmem:$0x3780] =	vst v3  }
0x9e: {  	v62 =	vld.idx.msk [tilespmem:v13+s24+$0x0], $0xffff  }
0x9f: {  	v8 =	vld.idx.msk [tilespmem:v8+s22+$0x0], $0xffff  }
0xa0: {  	v3 =	vld.idx.msk [tilespmem:v10+s24+$0x0], $0xffff  }
0xa1: {  	v63 =	vld.idx.msk [tilespmem:v9+s22+$0x0], $0xffff  }
0xa2: {  	v5 =	vld.idx.msk [tilespmem:v11+s24+$0x0], $0xffff  }
0xa3: {  	v6 =	vld.idx.msk [tilespmem:v61+s22+$0x0], $0xffff  }
0xa4: {  	v61 =	vmul.f32 v8, v62;
	v8 =	vld [tilespmem:$0x1FFF0];
	_ =	sdelay $0x2  }
0xa5: {  	v12 =	vld.idx.msk [tilespmem:v12+s22+$0x0], $0xffff;
	v3 =	vmul.f32 v63, v3  }
0xa6: {  	v63 =	vld.idx.msk [tilespmem:v15+s24+$0x0], $0xffff  }
0xa7: {  	v14 =	vld.idx.msk [tilespmem:v14+s22+$0x0], $0xffff;
	v3 =	vadd.f32 $0.0e+00, v3;
	v5 =	vmul.f32 v6, v5  }
0xa8: {  	v6 =	vld.idx.msk [tilespmem:v17+s24+$0x0], $0xffff  }
0xa9: {  	v62 =	vld.idx.msk [tilespmem:v19+s24+$0x0], $0xffff;
	v3 =	vadd.f32 v5, v3  }
0xaa: {  	v8 =	vld.idx.msk [tilespmem:v8+s22+$0x0], $0xffff  }
0xab: {  	v4 =	vmul.f32 v12, v63;
	v63 =	vld.idx.msk [tilespmem:v21+s24+$0x0], $0xffff;
	v3 =	vadd.f32 v61, v3  }
0xac: {  	v12 =	vld.idx.msk [tilespmem:v22+s22+$0x0], $0xffff  }
0xad: {  	v61 =	vmul.f32 v14, v6;
	v6 =	vld.idx.msk [tilespmem:v23+s24+$0x0], $0xffff;
	v3 =	vadd.f32 v4, v3  }
0xae: {  	v14 =	vld.idx.msk [tilespmem:v24+s22+$0x0], $0xffff  }
0xaf: {  	v7 =	vld.idx.msk [tilespmem:v25+s24+$0x0], $0xffff;
	v3 =	vadd.f32 v61, v3;
	v62 =	vmul.f32 v8, v62  }
0xb0: {  	v8 =	vld.idx.msk [tilespmem:v26+s22+$0x0], $0xffff  }
0xb1: {  	v63 =	vmul.f32 v12, v63;
	v12 =	vld.idx.msk [tilespmem:v28+s22+$0x0], $0xffff;
	v3 =	vadd.f32 v62, v3  }
0xb2: {  	v61 =	vld.idx.msk [tilespmem:v27+s24+$0x0], $0xffff  }
0xb3: {  	v62 =	vmul.f32 v14, v6;
	v6 =	vld.idx.msk [tilespmem:v29+s24+$0x0], $0xffff;
	v3 =	vadd.f32 v63, v3  }
0xb4: {  	v14 =	vld.idx.msk [tilespmem:v30+s22+$0x0], $0xffff  }
0xb5: {  	v63 =	vmul.f32 v8, v7;
	v7 =	vld.idx.msk [tilespmem:v31+s24+$0x0], $0xffff;
	v3 =	vadd.f32 v62, v3  }
0xb6: {  	v8 =	vld.idx.msk [tilespmem:v32+s22+$0x0], $0xffff  }
0xb7: {  	v61 =	vmul.f32 v12, v61;
	v12 =	vld.idx.msk [tilespmem:v34+s22+$0x0], $0xffff;
	v3 =	vadd.f32 v63, v3  }
0xb8: {  	v62 =	vld.idx.msk [tilespmem:v33+s24+$0x0], $0xffff  }
0xb9: {  	v63 =	vmul.f32 v14, v6;
	v6 =	vld.idx.msk [tilespmem:v35+s24+$0x0], $0xffff;
	v3 =	vadd.f32 v61, v3  }
0xba: {  	v14 =	vld.idx.msk [tilespmem:v36+s22+$0x0], $0xffff  }
0xbb: {  	v61 =	vmul.f32 v8, v7;
	v7 =	vld.idx.msk [tilespmem:v37+s24+$0x0], $0xffff;
	v3 =	vadd.f32 v63, v3  }
0xbc: {  	v8 =	vld.idx.msk [tilespmem:v38+s22+$0x0], $0xffff  }
0xbd: {  	v62 =	vmul.f32 v12, v62;
	v12 =	vld.idx.msk [tilespmem:v40+s22+$0x0], $0xffff;
	v3 =	vadd.f32 v61, v3  }
0xbe: {  	v63 =	vld.idx.msk [tilespmem:v39+s24+$0x0], $0xffff  }
0xbf: {  	v61 =	vmul.f32 v14, v6;
	v3 =	vadd.f32 v62, v3;
	_ =	sdelay $0x1  }
0xc0: {  	v62 =	vmul.f32 v8, v7;
	v3 =	vadd.f32 v61, v3;
	_ =	sdelay $0x1  }
0xc1: {  	v63 =	vmul.f32 v12, v63;
	v3 =	vadd.f32 v62, v3;
	_ =	sdelay $0x1  }
0xc2: {  	v3 =	vadd.f32 v63, v3;
	_ =	sdelay $0x1  }
0xc3: {  	[tilespmem:$0x4000] =	vst v3  }
0xc4: {  	v3 =	vld.idx.msk [tilespmem:v10+s24+$0x0], $0xffff  }
0xc5: {  	v61 =	vld.idx.msk [tilespmem:v41+s22+$0x0], $0xffff  }
0xc6: {  	v5 =	vld.idx.msk [tilespmem:v11+s24+$0x0], $0xffff  }
0xc7: {  	v62 =	vld.idx.msk [tilespmem:v42+s22+$0x0], $0xffff  }
0xc8: {  	v63 =	vld.idx.msk [tilespmem:v13+s24+$0x0], $0xffff  }
0xc9: {  	v8 =	vld.idx.msk [tilespmem:v43+s22+$0x0], $0xffff  }
0xca: {  	v12 =	vld.idx.msk [tilespmem:v44+s22+$0x0], $0xffff;
	v3 =	vmul.f32 v61, v3  }
0xcb: {  	v61 =	vld.idx.msk [tilespmem:v15+s24+$0x0], $0xffff  }
0xcc: {  	v6 =	vld.idx.msk [tilespmem:v17+s24+$0x0], $0xffff;
	v5 =	vmul.f32 v62, v5;
	v3 =	vadd.f32 $0.0e+00, v3  }
0xcd: {  	v14 =	vld.idx.msk [tilespmem:v45+s22+$0x0], $0xffff  }
0xce: {  	v62 =	vmul.f32 v8, v63;
	v63 =	vld.idx.msk [tilespmem:v19+s24+$0x0], $0xffff;
	v3 =	vadd.f32 v5, v3  }
0xcf: {  	v8 =	vld.idx.msk [tilespmem:v46+s22+$0x0], $0xffff  }
0xd0: {  	v4 =	vmul.f32 v12, v61;
	v61 =	vld.idx.msk [tilespmem:v21+s24+$0x0], $0xffff;
	v3 =	vadd.f32 v62, v3  }
0xd1: {  	v12 =	vld.idx.msk [tilespmem:v47+s22+$0x0], $0xffff  }
0xd2: {  	v62 =	vmul.f32 v14, v6;
	v6 =	vld.idx.msk [tilespmem:v23+s24+$0x0], $0xffff;
	v3 =	vadd.f32 v4, v3  }
0xd3: {  	v14 =	vld.idx.msk [tilespmem:v48+s22+$0x0], $0xffff  }
0xd4: {  	v7 =	vld.idx.msk [tilespmem:v25+s24+$0x0], $0xffff;
	v63 =	vmul.f32 v8, v63;
	v3 =	vadd.f32 v62, v3  }
0xd5: {  	v8 =	vld.idx.msk [tilespmem:v49+s22+$0x0], $0xffff  }
0xd6: {  	v61 =	vmul.f32 v12, v61;
	v62 =	vld.idx.msk [tilespmem:v27+s24+$0x0], $0xffff;
	v3 =	vadd.f32 v63, v3  }
0xd7: {  	v12 =	vld.idx.msk [tilespmem:v50+s22+$0x0], $0xffff  }
0xd8: {  	v63 =	vmul.f32 v14, v6;
	v6 =	vld.idx.msk [tilespmem:v29+s24+$0x0], $0xffff;
	v3 =	vadd.f32 v61, v3  }
0xd9: {  	v14 =	vld.idx.msk [tilespmem:v51+s22+$0x0], $0xffff  }
0xda: {  	v61 =	vmul.f32 v8, v7;
	v7 =	vld.idx.msk [tilespmem:v31+s24+$0x0], $0xffff;
	v3 =	vadd.f32 v63, v3  }
0xdb: {  	v8 =	vld.idx.msk [tilespmem:v52+s22+$0x0], $0xffff  }
0xdc: {  	v62 =	vmul.f32 v12, v62;
	v12 =	vld.idx.msk [tilespmem:v53+s22+$0x0], $0xffff;
	v3 =	vadd.f32 v61, v3  }
0xdd: {  	v63 =	vld.idx.msk [tilespmem:v33+s24+$0x0], $0xffff  }
0xde: {  	v61 =	vmul.f32 v14, v6;
	v6 =	vld.idx.msk [tilespmem:v35+s24+$0x0], $0xffff;
	v3 =	vadd.f32 v62, v3  }
0xdf: {  	v14 =	vld.idx.msk [tilespmem:v54+s22+$0x0], $0xffff  }
0xe0: {  	v62 =	vmul.f32 v8, v7;
	v7 =	vld.idx.msk [tilespmem:v37+s24+$0x0], $0xffff;
	v3 =	vadd.f32 v61, v3  }
0xe1: {  	v8 =	vld.idx.msk [tilespmem:v55+s22+$0x0], $0xffff  }
0xe2: {  	v63 =	vmul.f32 v12, v63;
	v12 =	vld.idx.msk [tilespmem:v56+s22+$0x0], $0xffff;
	v3 =	vadd.f32 v62, v3  }
0xe3: {  	v61 =	vld.idx.msk [tilespmem:v39+s24+$0x0], $0xffff  }
0xe4: {  	v62 =	vmul.f32 v14, v6;
	v3 =	vadd.f32 v63, v3;
	_ =	sdelay $0x1  }
0xe5: {  	v63 =	vmul.f32 v8, v7;
	v3 =	vadd.f32 v62, v3;
	_ =	sdelay $0x1  }
0xe6: {  	v61 =	vmul.f32 v12, v61;
	v3 =	vadd.f32 v63, v3;
	_ =	sdelay $0x1  }
0xe7: {  	v3 =	vadd.f32 v61, v3;
	_ =	sdelay $0x1  }
0xe8: {  	[tilespmem:$0x4080] =	vst v3  }
0xe9: {  	v3 =	vld.idx.msk [tilespmem:v10+s24+$0x0], $0xffff  }
0xea: {  	v62 =	vld.idx.msk [tilespmem:v57+s22+$0x0], $0xffff  }
0xeb: {  	v5 =	vld.idx.msk [tilespmem:v11+s24+$0x0], $0xffff  }
0xec: {  	v63 =	vld.idx.msk [tilespmem:v58+s22+$0x0], $0xffff  }
0xed: {  	v8 =	vor.u32 $0x220, v9;
	v61 =	vld.idx.msk [tilespmem:v13+s24+$0x0], $0xffff  }
0xee: {  	v14 =	vor.u32 $0x2A0, v9;
	v12 =	vld.idx.msk [tilespmem:v59+s22+$0x0], $0xffff  }
0xef: {  	v16 =	vld.idx.msk [tilespmem:v60+s22+$0x0], $0xffff  }
0xf0: {  	v6 =	vld.idx.msk [tilespmem:v17+s24+$0x0], $0xffff;
	v3 =	vmul.f32 v62, v3  }
0xf1: {  	v18 =	vor.u32 $0x320, v9;
	v62 =	vld.idx.msk [tilespmem:v15+s24+$0x0], $0xffff  }
0xf2: {  	v8 =	vld.idx.msk [tilespmem:v8+s22+$0x0], $0xffff;
	v5 =	vmul.f32 v63, v5;
	v3 =	vadd.f32 $0.0e+00, v3  }
0xf3: {  	v14 =	vld.idx.msk [tilespmem:v14+s22+$0x0], $0xffff;
	v63 =	vmul.f32 v12, v61;
	v12 =	vor.u32 $0x3A0, v9  }
0xf4: {  	v61 =	vld.idx.msk [tilespmem:v19+s24+$0x0], $0xffff;
	v3 =	vadd.f32 v5, v3;
	_ =	sdelay $0x1  }
0xf5: {  	v18 =	vld.idx.msk [tilespmem:v18+s22+$0x0], $0xffff;
	v4 =	vmul.f32 v16, v62;
	v16 =	vor.u32 $0x420, v9;
	v3 =	vadd.f32 v63, v3  }
0xf6: {  	v62 =	vld.idx.msk [tilespmem:v21+s24+$0x0], $0xffff  }
0xf7: {  	v12 =	vld.idx.msk [tilespmem:v12+s22+$0x0], $0xffff;
	v63 =	vmul.f32 v8, v6;
	v8 =	vor.u32 $0x4A0, v9;
	v3 =	vadd.f32 v4, v3  }
0xf8: {  	v61 =	vmul.f32 v14, v61;
	v14 =	vor.u32 $0x520, v9;
	v6 =	vld.idx.msk [tilespmem:v23+s24+$0x0], $0xffff  }
0xf9: {  	v7 =	vld.idx.msk [tilespmem:v25+s24+$0x0], $0xffff;
	v3 =	vadd.f32 v63, v3  }
0xfa: {  	v16 =	vld.idx.msk [tilespmem:v16+s22+$0x0], $0xffff  }
0xfb: {  	v62 =	vmul.f32 v18, v62;
	v63 =	vld.idx.msk [tilespmem:v27+s24+$0x0], $0xffff;
	v18 =	vor.u32 $0x5A0, v9;
	v3 =	vadd.f32 v61, v3  }
0xfc: {  	v8 =	vld.idx.msk [tilespmem:v8+s22+$0x0], $0xffff  }
0xfd: {  	v14 =	vld.idx.msk [tilespmem:v14+s22+$0x0], $0xffff;
	v61 =	vmul.f32 v12, v6;
	v12 =	vor.u32 $0x620, v9;
	v3 =	vadd.f32 v62, v3  }
0xfe: {  	v6 =	vld.idx.msk [tilespmem:v29+s24+$0x0], $0xffff  }
0xff: {  	v62 =	vmul.f32 v16, v7;
	v7 =	vld.idx.msk [tilespmem:v31+s24+$0x0], $0xffff;
	v16 =	vor.u32 $0x6A0, v9;
	v3 =	vadd.f32 v61, v3  }
0x100: {  	v18 =	vld.idx.msk [tilespmem:v18+s22+$0x0], $0xffff  }
0x101: {  	v63 =	vmul.f32 v8, v63;
	v61 =	vld.idx.msk [tilespmem:v33+s24+$0x0], $0xffff;
	v8 =	vor.u32 $0x720, v9;
	v3 =	vadd.f32 v62, v3  }
0x102: {  	v12 =	vld.idx.msk [tilespmem:v12+s22+$0x0], $0xffff  }
0x103: {  	v62 =	vmul.f32 v14, v6;
	v6 =	vld.idx.msk [tilespmem:v35+s24+$0x0], $0xffff;
	v14 =	vor.u32 $0x7A0, v9;
	v3 =	vadd.f32 v63, v3  }
0x104: {  	v16 =	vld.idx.msk [tilespmem:v16+s22+$0x0], $0xffff  }
0x105: {  	v63 =	vmul.f32 v18, v7;
	v7 =	vld.idx.msk [tilespmem:v37+s24+$0x0], $0xffff;
	v3 =	vadd.f32 v62, v3  }
0x106: {  	v8 =	vld.idx.msk [tilespmem:v8+s22+$0x0], $0xffff  }
0x107: {  	v61 =	vmul.f32 v12, v61;
	v62 =	vld.idx.msk [tilespmem:v39+s24+$0x0], $0xffff;
	v3 =	vadd.f32 v63, v3  }
0x108: {  	v12 =	vld.idx.msk [tilespmem:v14+s22+$0x0], $0xffff  }
0x109: {  	v63 =	vmul.f32 v16, v6;
	v3 =	vadd.f32 v61, v3;
	_ =	sdelay $0x1  }
0x10a: {  	v61 =	vmul.f32 v8, v7;
	v3 =	vadd.f32 v63, v3;
	_ =	sdelay $0x1  }
0x10b: {  	v62 =	vmul.f32 v12, v62;
	v3 =	vadd.f32 v61, v3  }
0x10c: {  	v63 =	vor.u32 $0x30, v9  }
0x10d: {  	v3 =	vadd.f32 v62, v3  }
0x10e: {  	v61 =	vor.u32 $0xB0, v9  }
0x10f: {  	[tilespmem:$0x4100] =	vst v3  }
0x110: {  	v3 =	vld.idx.msk [tilespmem:v10+s24+$0x0], $0xffff  }
0x111: {  	v62 =	vor.u32 $0x130, v9;
	v5 =	vld.idx.msk [tilespmem:v63+s22+$0x0], $0xffff  }
0x112: {  	v8 =	vor.u32 $0x1B0, v9;
	v63 =	vld.idx.msk [tilespmem:v11+s24+$0x0], $0xffff  }
0x113: {  	v4 =	vld.idx.msk [tilespmem:v61+s22+$0x0], $0xffff  }
0x114: {  	v14 =	vor.u32 $0x230, v9;
	v12 =	vld.idx.msk [tilespmem:v13+s24+$0x0], $0xffff  }
0x115: {  	v16 =	vor.u32 $0x2B0, v9;
	v61 =	vld.idx.msk [tilespmem:v15+s24+$0x0], $0xffff  }
0x116: {  	v18 =	vor.u32 $0x330, v9;
	v6 =	vld.idx.msk [tilespmem:v62+s22+$0x0], $0xffff  }
0x117: {  	v8 =	vld.idx.msk [tilespmem:v8+s22+$0x0], $0xffff;
	v3 =	vmul.f32 v5, v3  }
0x118: {  	v7 =	vld.idx.msk [tilespmem:v17+s24+$0x0], $0xffff  }
0x119: {  	v14 =	vld.idx.msk [tilespmem:v14+s22+$0x0], $0xffff;
	v4 =	vmul.f32 v4, v63;
	v3 =	vadd.f32 $0.0e+00, v3  }
0x11a: {  	v16 =	vld.idx.msk [tilespmem:v16+s22+$0x0], $0xffff  }
0x11b: {  	v18 =	vld.idx.msk [tilespmem:v18+s22+$0x0], $0xffff;
	v62 =	vmul.f32 v6, v12;
	v12 =	vor.u32 $0x3B0, v9;
	v3 =	vadd.f32 v4, v3  }
0x11c: {  	v63 =	vmul.f32 v8, v61;
	v8 =	vor.u32 $0x430, v9;
	v6 =	vld.idx.msk [tilespmem:v19+s24+$0x0], $0xffff  }
0x11d: {  	v61 =	vld.idx.msk [tilespmem:v21+s24+$0x0], $0xffff;
	v3 =	vadd.f32 v62, v3;
	_ =	sdelay $0x1  }
0x11e: {  	v62 =	vmul.f32 v14, v7;
	v7 =	vld.idx.msk [tilespmem:v23+s24+$0x0], $0xffff;
	v14 =	vor.u32 $0x4B0, v9;
	v3 =	vadd.f32 v63, v3  }
0x11f: {  	v12 =	vld.idx.msk [tilespmem:v12+s22+$0x0], $0xffff  }
0x120: {  	v8 =	vld.idx.msk [tilespmem:v8+s22+$0x0], $0xffff;
	v63 =	vmul.f32 v16, v6;
	v16 =	vor.u32 $0x530, v9;
	v3 =	vadd.f32 v62, v3  }
0x121: {  	v61 =	vmul.f32 v18, v61;
	v18 =	vor.u32 $0x5B0, v9;
	v6 =	vld.idx.msk [tilespmem:v25+s24+$0x0], $0xffff  }
0x122: {  	v62 =	vld.idx.msk [tilespmem:v27+s24+$0x0], $0xffff;
	v3 =	vadd.f32 v63, v3  }
0x123: {  	v14 =	vld.idx.msk [tilespmem:v14+s22+$0x0], $0xffff  }
0x124: {  	v63 =	vmul.f32 v12, v7;
	v7 =	vld.idx.msk [tilespmem:v29+s24+$0x0], $0xffff;
	v12 =	vor.u32 $0x630, v9;
	v3 =	vadd.f32 v61, v3  }
0x125: {  	v16 =	vld.idx.msk [tilespmem:v16+s22+$0x0], $0xffff  }
0x126: {  	v18 =	vld.idx.msk [tilespmem:v18+s22+$0x0], $0xffff;
	v61 =	vmul.f32 v8, v6;
	v8 =	vor.u32 $0x6B0, v9;
	v3 =	vadd.f32 v63, v3  }
0x127: {  	v6 =	vld.idx.msk [tilespmem:v31+s24+$0x0], $0xffff  }
0x128: {  	v62 =	vmul.f32 v14, v62;
	v63 =	vld.idx.msk [tilespmem:v33+s24+$0x0], $0xffff;
	v14 =	vor.u32 $0x730, v9;
	v3 =	vadd.f32 v61, v3  }
0x129: {  	v12 =	vld.idx.msk [tilespmem:v12+s22+$0x0], $0xffff  }
0x12a: {  	v61 =	vmul.f32 v16, v7;
	v7 =	vld.idx.msk [tilespmem:v35+s24+$0x0], $0xffff;
	v16 =	vor.u32 $0x7B0, v9;
	v3 =	vadd.f32 v62, v3  }
0x12b: {  	v8 =	vld.idx.msk [tilespmem:v8+s22+$0x0], $0xffff  }
0x12c: {  	v62 =	vmul.f32 v18, v6;
	v6 =	vld.idx.msk [tilespmem:v37+s24+$0x0], $0xffff;
	v3 =	vadd.f32 v61, v3  }
0x12d: {  	v14 =	vld.idx.msk [tilespmem:v14+s22+$0x0], $0xffff  }
0x12e: {  	v63 =	vmul.f32 v12, v63;
	v61 =	vld.idx.msk [tilespmem:v39+s24+$0x0], $0xffff;
	v3 =	vadd.f32 v62, v3  }
0x12f: {  	v12 =	vld.idx.msk [tilespmem:v16+s22+$0x0], $0xffff  }
0x130: {  	v62 =	vmul.f32 v8, v7;
	v3 =	vadd.f32 v63, v3;
	_ =	sdelay $0x1  }
0x131: {  	v63 =	vmul.f32 v14, v6;
	v3 =	vadd.f32 v62, v3;
	_ =	sdelay $0x1  }
0x132: {  	v61 =	vmul.f32 v12, v61;
	v3 =	vadd.f32 v63, v3  }
0x133: {  	v62 =	vor.u32 $0x40, v9  }
0x134: {  	v3 =	vadd.f32 v61, v3  }
0x135: {  	v63 =	vor.u32 $0xC0, v9  }
0x136: {  	[tilespmem:$0x4180] =	vst v3  }
0x137: {  	v3 =	vld.idx.msk [tilespmem:v10+s24+$0x0], $0xffff  }
0x138: {  	v61 =	vor.u32 $0x140, v9;
	v5 =	vld.idx.msk [tilespmem:v62+s22+$0x0], $0xffff  }
0x139: {  	v8 =	vor.u32 $0x1C0, v9;
	v62 =	vld.idx.msk [tilespmem:v11+s24+$0x0], $0xffff  }
0x13a: {  	v4 =	vld.idx.msk [tilespmem:v63+s22+$0x0], $0xffff  }
0x13b: {  	v14 =	vor.u32 $0x240, v9;
	v12 =	vld.idx.msk [tilespmem:v13+s24+$0x0], $0xffff  }
0x13c: {  	v16 =	vor.u32 $0x2C0, v9;
	v63 =	vld.idx.msk [tilespmem:v15+s24+$0x0], $0xffff  }
0x13d: {  	v18 =	vor.u32 $0x340, v9;
	v6 =	vld.idx.msk [tilespmem:v61+s22+$0x0], $0xffff  }
0x13e: {  	v8 =	vld.idx.msk [tilespmem:v8+s22+$0x0], $0xffff;
	v3 =	vmul.f32 v5, v3  }
0x13f: {  	v7 =	vld.idx.msk [tilespmem:v17+s24+$0x0], $0xffff  }
0x140: {  	v14 =	vld.idx.msk [tilespmem:v14+s22+$0x0], $0xffff;
	v4 =	vmul.f32 v4, v62;
	v3 =	vadd.f32 $0.0e+00, v3  }
0x141: {  	v16 =	vld.idx.msk [tilespmem:v16+s22+$0x0], $0xffff  }
0x142: {  	v18 =	vld.idx.msk [tilespmem:v18+s22+$0x0], $0xffff;
	v61 =	vmul.f32 v6, v12;
	v12 =	vor.u32 $0x3C0, v9;
	v3 =	vadd.f32 v4, v3  }
0x143: {  	v62 =	vmul.f32 v8, v63;
	v8 =	vor.u32 $0x440, v9;
	v6 =	vld.idx.msk [tilespmem:v19+s24+$0x0], $0xffff  }
0x144: {  	v63 =	vld.idx.msk [tilespmem:v21+s24+$0x0], $0xffff;
	v3 =	vadd.f32 v61, v3;
	_ =	sdelay $0x1  }
0x145: {  	v61 =	vmul.f32 v14, v7;
	v7 =	vld.idx.msk [tilespmem:v23+s24+$0x0], $0xffff;
	v14 =	vor.u32 $0x4C0, v9;
	v3 =	vadd.f32 v62, v3  }
0x146: {  	v12 =	vld.idx.msk [tilespmem:v12+s22+$0x0], $0xffff  }
0x147: {  	v8 =	vld.idx.msk [tilespmem:v8+s22+$0x0], $0xffff;
	v62 =	vmul.f32 v16, v6;
	v16 =	vor.u32 $0x540, v9;
	v3 =	vadd.f32 v61, v3  }
0x148: {  	v63 =	vmul.f32 v18, v63;
	v18 =	vor.u32 $0x5C0, v9;
	v6 =	vld.idx.msk [tilespmem:v25+s24+$0x0], $0xffff  }
0x149: {  	v61 =	vld.idx.msk [tilespmem:v27+s24+$0x0], $0xffff;
	v3 =	vadd.f32 v62, v3  }
0x14a: {  	v14 =	vld.idx.msk [tilespmem:v14+s22+$0x0], $0xffff  }
0x14b: {  	v62 =	vmul.f32 v12, v7;
	v7 =	vld.idx.msk [tilespmem:v29+s24+$0x0], $0xffff;
	v12 =	vor.u32 $0x640, v9;
	v3 =	vadd.f32 v63, v3  }
0x14c: {  	v16 =	vld.idx.msk [tilespmem:v16+s22+$0x0], $0xffff  }
0x14d: {  	v18 =	vld.idx.msk [tilespmem:v18+s22+$0x0], $0xffff;
	v63 =	vmul.f32 v8, v6;
	v8 =	vor.u32 $0x6C0, v9;
	v3 =	vadd.f32 v62, v3  }
0x14e: {  	v6 =	vld.idx.msk [tilespmem:v31+s24+$0x0], $0xffff  }
0x14f: {  	v61 =	vmul.f32 v14, v61;
	v62 =	vld.idx.msk [tilespmem:v33+s24+$0x0], $0xffff;
	v14 =	vor.u32 $0x740, v9;
	v3 =	vadd.f32 v63, v3  }
0x150: {  	v12 =	vld.idx.msk [tilespmem:v12+s22+$0x0], $0xffff  }
0x151: {  	v63 =	vmul.f32 v16, v7;
	v7 =	vld.idx.msk [tilespmem:v35+s24+$0x0], $0xffff;
	v16 =	vor.u32 $0x7C0, v9;
	v3 =	vadd.f32 v61, v3  }
0x152: {  	v8 =	vld.idx.msk [tilespmem:v8+s22+$0x0], $0xffff  }
0x153: {  	v61 =	vmul.f32 v18, v6;
	v6 =	vld.idx.msk [tilespmem:v37+s24+$0x0], $0xffff;
	v3 =	vadd.f32 v63, v3  }
0x154: {  	v14 =	vld.idx.msk [tilespmem:v14+s22+$0x0], $0xffff  }
0x155: {  	v62 =	vmul.f32 v12, v62;
	v63 =	vld.idx.msk [tilespmem:v39+s24+$0x0], $0xffff;
	v3 =	vadd.f32 v61, v3  }
0x156: {  	v12 =	vld.idx.msk [tilespmem:v16+s22+$0x0], $0xffff  }
0x157: {  	v61 =	vmul.f32 v8, v7;
	v3 =	vadd.f32 v62, v3;
	_ =	sdelay $0x1  }
0x158: {  	v62 =	vmul.f32 v14, v6;
	v3 =	vadd.f32 v61, v3;
	_ =	sdelay $0x1  }
0x159: {  	v63 =	vmul.f32 v12, v63;
	v3 =	vadd.f32 v62, v3  }
0x15a: {  	v61 =	vor.u32 $0x50, v9  }
0x15b: {  	v3 =	vadd.f32 v63, v3  }
0x15c: {  	v62 =	vor.u32 $0xD0, v9  }
0x15d: {  	[tilespmem:$0x4200] =	vst v3  }
0x15e: {  	v3 =	vld.idx.msk [tilespmem:v10+s24+$0x0], $0xffff  }
0x15f: {  	v63 =	vor.u32 $0x150, v9;
	v5 =	vld.idx.msk [tilespmem:v61+s22+$0x0], $0xffff  }
0x160: {  	v8 =	vor.u32 $0x1D0, v9;
	v61 =	vld.idx.msk [tilespmem:v11+s24+$0x0], $0xffff  }
0x161: {  	v4 =	vld.idx.msk [tilespmem:v62+s22+$0x0], $0xffff  }
0x162: {  	v14 =	vor.u32 $0x250, v9;
	v12 =	vld.idx.msk [tilespmem:v13+s24+$0x0], $0xffff  }
0x163: {  	v16 =	vor.u32 $0x2D0, v9;
	v62 =	vld.idx.msk [tilespmem:v15+s24+$0x0], $0xffff  }
0x164: {  	v18 =	vor.u32 $0x350, v9;
	v6 =	vld.idx.msk [tilespmem:v63+s22+$0x0], $0xffff  }
0x165: {  	v8 =	vld.idx.msk [tilespmem:v8+s22+$0x0], $0xffff;
	v3 =	vmul.f32 v5, v3  }
0x166: {  	v7 =	vld.idx.msk [tilespmem:v17+s24+$0x0], $0xffff  }
0x167: {  	v14 =	vld.idx.msk [tilespmem:v14+s22+$0x0], $0xffff;
	v4 =	vmul.f32 v4, v61;
	v3 =	vadd.f32 $0.0e+00, v3  }
0x168: {  	v16 =	vld.idx.msk [tilespmem:v16+s22+$0x0], $0xffff  }
0x169: {  	v18 =	vld.idx.msk [tilespmem:v18+s22+$0x0], $0xffff;
	v63 =	vmul.f32 v6, v12;
	v12 =	vor.u32 $0x3D0, v9;
	v3 =	vadd.f32 v4, v3  }
0x16a: {  	v61 =	vmul.f32 v8, v62;
	v8 =	vor.u32 $0x450, v9;
	v6 =	vld.idx.msk [tilespmem:v19+s24+$0x0], $0xffff  }
0x16b: {  	v62 =	vld.idx.msk [tilespmem:v21+s24+$0x0], $0xffff;
	v3 =	vadd.f32 v63, v3;
	_ =	sdelay $0x1  }
0x16c: {  	v63 =	vmul.f32 v14, v7;
	v7 =	vld.idx.msk [tilespmem:v23+s24+$0x0], $0xffff;
	v14 =	vor.u32 $0x4D0, v9;
	v3 =	vadd.f32 v61, v3  }
0x16d: {  	v12 =	vld.idx.msk [tilespmem:v12+s22+$0x0], $0xffff  }
0x16e: {  	v8 =	vld.idx.msk [tilespmem:v8+s22+$0x0], $0xffff;
	v61 =	vmul.f32 v16, v6;
	v16 =	vor.u32 $0x550, v9;
	v3 =	vadd.f32 v63, v3  }
0x16f: {  	v62 =	vmul.f32 v18, v62;
	v18 =	vor.u32 $0x5D0, v9;
	v6 =	vld.idx.msk [tilespmem:v25+s24+$0x0], $0xffff  }
0x170: {  	v63 =	vld.idx.msk [tilespmem:v27+s24+$0x0], $0xffff;
	v3 =	vadd.f32 v61, v3  }
0x171: {  	v14 =	vld.idx.msk [tilespmem:v14+s22+$0x0], $0xffff  }
0x172: {  	v61 =	vmul.f32 v12, v7;
	v7 =	vld.idx.msk [tilespmem:v29+s24+$0x0], $0xffff;
	v12 =	vor.u32 $0x650, v9;
	v3 =	vadd.f32 v62, v3  }
0x173: {  	v16 =	vld.idx.msk [tilespmem:v16+s22+$0x0], $0xffff  }
0x174: {  	v18 =	vld.idx.msk [tilespmem:v18+s22+$0x0], $0xffff;
	v62 =	vmul.f32 v8, v6;
	v8 =	vor.u32 $0x6D0, v9;
	v3 =	vadd.f32 v61, v3  }
0x175: {  	v6 =	vld.idx.msk [tilespmem:v31+s24+$0x0], $0xffff  }
0x176: {  	v63 =	vmul.f32 v14, v63;
	v61 =	vld.idx.msk [tilespmem:v33+s24+$0x0], $0xffff;
	v14 =	vor.u32 $0x750, v9;
	v3 =	vadd.f32 v62, v3  }
0x177: {  	v12 =	vld.idx.msk [tilespmem:v12+s22+$0x0], $0xffff  }
0x178: {  	v62 =	vmul.f32 v16, v7;
	v7 =	vld.idx.msk [tilespmem:v35+s24+$0x0], $0xffff;
	v16 =	vor.u32 $0x7D0, v9;
	v3 =	vadd.f32 v63, v3  }
0x179: {  	v8 =	vld.idx.msk [tilespmem:v8+s22+$0x0], $0xffff  }
0x17a: {  	v63 =	vmul.f32 v18, v6;
	v6 =	vld.idx.msk [tilespmem:v37+s24+$0x0], $0xffff;
	v3 =	vadd.f32 v62, v3  }
0x17b: {  	v14 =	vld.idx.msk [tilespmem:v14+s22+$0x0], $0xffff  }
0x17c: {  	v61 =	vmul.f32 v12, v61;
	v62 =	vld.idx.msk [tilespmem:v39+s24+$0x0], $0xffff;
	v3 =	vadd.f32 v63, v3  }
0x17d: {  	v12 =	vld.idx.msk [tilespmem:v16+s22+$0x0], $0xffff  }
0x17e: {  	v63 =	vmul.f32 v8, v7;
	v3 =	vadd.f32 v61, v3;
	_ =	sdelay $0x1  }
0x17f: {  	v61 =	vmul.f32 v14, v6;
	v3 =	vadd.f32 v63, v3;
	_ =	sdelay $0x1  }
0x180: {  	v62 =	vmul.f32 v12, v62;
	v3 =	vadd.f32 v61, v3  }
0x181: {  	v63 =	vor.u32 $0x60, v9  }
0x182: {  	v3 =	vadd.f32 v62, v3  }
0x183: {  	v61 =	vor.u32 $0xE0, v9  }
0x184: {  	[tilespmem:$0x4280] =	vst v3  }
0x185: {  	v3 =	vld.idx.msk [tilespmem:v10+s24+$0x0], $0xffff  }
0x186: {  	v62 =	vor.u32 $0x160, v9;
	v5 =	vld.idx.msk [tilespmem:v63+s22+$0x0], $0xffff  }
0x187: {  	v8 =	vor.u32 $0x1E0, v9;
	v63 =	vld.idx.msk [tilespmem:v11+s24+$0x0], $0xffff  }
0x188: {  	v4 =	vld.idx.msk [tilespmem:v61+s22+$0x0], $0xffff  }
0x189: {  	v14 =	vor.u32 $0x260, v9;
	v12 =	vld.idx.msk [tilespmem:v13+s24+$0x0], $0xffff  }
0x18a: {  	v16 =	vor.u32 $0x2E0, v9;
	v61 =	vld.idx.msk [tilespmem:v15+s24+$0x0], $0xffff  }
0x18b: {  	v18 =	vor.u32 $0x360, v9;
	v6 =	vld.idx.msk [tilespmem:v62+s22+$0x0], $0xffff  }
0x18c: {  	v8 =	vld.idx.msk [tilespmem:v8+s22+$0x0], $0xffff;
	v3 =	vmul.f32 v5, v3  }
0x18d: {  	v7 =	vld.idx.msk [tilespmem:v17+s24+$0x0], $0xffff  }
0x18e: {  	v14 =	vld.idx.msk [tilespmem:v14+s22+$0x0], $0xffff;
	v4 =	vmul.f32 v4, v63;
	v3 =	vadd.f32 $0.0e+00, v3  }
0x18f: {  	v16 =	vld.idx.msk [tilespmem:v16+s22+$0x0], $0xffff  }
0x190: {  	v18 =	vld.idx.msk [tilespmem:v18+s22+$0x0], $0xffff;
	v62 =	vmul.f32 v6, v12;
	v12 =	vor.u32 $0x3E0, v9;
	v3 =	vadd.f32 v4, v3  }
0x191: {  	v63 =	vmul.f32 v8, v61;
	v8 =	vor.u32 $0x460, v9;
	v6 =	vld.idx.msk [tilespmem:v19+s24+$0x0], $0xffff  }
0x192: {  	v61 =	vld.idx.msk [tilespmem:v21+s24+$0x0], $0xffff;
	v3 =	vadd.f32 v62, v3;
	_ =	sdelay $0x1  }
0x193: {  	v62 =	vmul.f32 v14, v7;
	v7 =	vld.idx.msk [tilespmem:v23+s24+$0x0], $0xffff;
	v14 =	vor.u32 $0x4E0, v9;
	v3 =	vadd.f32 v63, v3  }
0x194: {  	v12 =	vld.idx.msk [tilespmem:v12+s22+$0x0], $0xffff  }
0x195: {  	v8 =	vld.idx.msk [tilespmem:v8+s22+$0x0], $0xffff;
	v63 =	vmul.f32 v16, v6;
	v16 =	vor.u32 $0x560, v9;
	v3 =	vadd.f32 v62, v3  }
0x196: {  	v61 =	vmul.f32 v18, v61;
	v18 =	vor.u32 $0x5E0, v9;
	v6 =	vld.idx.msk [tilespmem:v25+s24+$0x0], $0xffff  }
0x197: {  	v62 =	vld.idx.msk [tilespmem:v27+s24+$0x0], $0xffff;
	v3 =	vadd.f32 v63, v3  }
0x198: {  	v14 =	vld.idx.msk [tilespmem:v14+s22+$0x0], $0xffff  }
0x199: {  	v63 =	vmul.f32 v12, v7;
	v7 =	vld.idx.msk [tilespmem:v29+s24+$0x0], $0xffff;
	v12 =	vor.u32 $0x660, v9;
	v3 =	vadd.f32 v61, v3  }
0x19a: {  	v16 =	vld.idx.msk [tilespmem:v16+s22+$0x0], $0xffff  }
0x19b: {  	v18 =	vld.idx.msk [tilespmem:v18+s22+$0x0], $0xffff;
	v61 =	vmul.f32 v8, v6;
	v8 =	vor.u32 $0x6E0, v9;
	v3 =	vadd.f32 v63, v3  }
0x19c: {  	v6 =	vld.idx.msk [tilespmem:v31+s24+$0x0], $0xffff  }
0x19d: {  	v62 =	vmul.f32 v14, v62;
	v63 =	vld.idx.msk [tilespmem:v33+s24+$0x0], $0xffff;
	v14 =	vor.u32 $0x760, v9;
	v3 =	vadd.f32 v61, v3  }
0x19e: {  	v12 =	vld.idx.msk [tilespmem:v12+s22+$0x0], $0xffff  }
0x19f: {  	v61 =	vmul.f32 v16, v7;
	v7 =	vld.idx.msk [tilespmem:v35+s24+$0x0], $0xffff;
	v16 =	vor.u32 $0x7E0, v9;
	v3 =	vadd.f32 v62, v3  }
0x1a0: {  	v8 =	vld.idx.msk [tilespmem:v8+s22+$0x0], $0xffff  }
0x1a1: {  	v62 =	vmul.f32 v18, v6;
	v6 =	vld.idx.msk [tilespmem:v37+s24+$0x0], $0xffff;
	v3 =	vadd.f32 v61, v3  }
0x1a2: {  	v14 =	vld.idx.msk [tilespmem:v14+s22+$0x0], $0xffff  }
0x1a3: {  	v63 =	vmul.f32 v12, v63;
	v61 =	vld.idx.msk [tilespmem:v39+s24+$0x0], $0xffff;
	v3 =	vadd.f32 v62, v3  }
0x1a4: {  	v12 =	vld.idx.msk [tilespmem:v16+s22+$0x0], $0xffff  }
0x1a5: {  	v62 =	vmul.f32 v8, v7;
	v3 =	vadd.f32 v63, v3;
	_ =	sdelay $0x1  }
0x1a6: {  	v63 =	vmul.f32 v14, v6;
	v3 =	vadd.f32 v62, v3;
	_ =	sdelay $0x1  }
0x1a7: {  	v61 =	vmul.f32 v12, v61;
	v3 =	vadd.f32 v63, v3  }
0x1a8: {  	v62 =	vor.u32 $0x70, v9  }
0x1a9: {  	v3 =	vadd.f32 v61, v3  }
0x1aa: {  	v63 =	vor.u32 $0xF0, v9  }
0x1ab: {  	[tilespmem:$0x4300] =	vst v3  }
0x1ac: {  	v3 =	vld.idx.msk [tilespmem:v10+s24+$0x0], $0xffff  }
0x1ad: {  	v61 =	vor.u32 $0x170, v9;
	v5 =	vld.idx.msk [tilespmem:v62+s22+$0x0], $0xffff  }
0x1ae: {  	v8 =	vor.u32 $0x1F0, v9;
	v62 =	vld.idx.msk [tilespmem:v11+s24+$0x0], $0xffff  }
0x1af: {  	v4 =	vld.idx.msk [tilespmem:v63+s22+$0x0], $0xffff  }
0x1b0: {  	v14 =	vor.u32 $0x270, v9;
	v12 =	vld.idx.msk [tilespmem:v13+s24+$0x0], $0xffff  }
0x1b1: {  	v16 =	vor.u32 $0x2F0, v9;
	v63 =	vld.idx.msk [tilespmem:v15+s24+$0x0], $0xffff  }
0x1b2: {  	v18 =	vor.u32 $0x370, v9;
	v6 =	vld.idx.msk [tilespmem:v61+s22+$0x0], $0xffff  }
0x1b3: {  	v8 =	vld.idx.msk [tilespmem:v8+s22+$0x0], $0xffff;
	v3 =	vmul.f32 v5, v3  }
0x1b4: {  	v7 =	vld.idx.msk [tilespmem:v17+s24+$0x0], $0xffff  }
0x1b5: {  	v14 =	vld.idx.msk [tilespmem:v14+s22+$0x0], $0xffff;
	v4 =	vmul.f32 v4, v62;
	v3 =	vadd.f32 $0.0e+00, v3  }
0x1b6: {  	v16 =	vld.idx.msk [tilespmem:v16+s22+$0x0], $0xffff  }
0x1b7: {  	v18 =	vld.idx.msk [tilespmem:v18+s22+$0x0], $0xffff;
	v61 =	vmul.f32 v6, v12;
	v12 =	vor.u32 $0x3F0, v9;
	v3 =	vadd.f32 v4, v3  }
0x1b8: {  	v62 =	vmul.f32 v8, v63;
	v8 =	vor.u32 $0x470, v9;
	v6 =	vld.idx.msk [tilespmem:v19+s24+$0x0], $0xffff  }
0x1b9: {  	v63 =	vld.idx.msk [tilespmem:v21+s24+$0x0], $0xffff;
	v3 =	vadd.f32 v61, v3;
	_ =	sdelay $0x1  }
0x1ba: {  	v61 =	vmul.f32 v14, v7;
	v7 =	vld.idx.msk [tilespmem:v23+s24+$0x0], $0xffff;
	v14 =	vor.u32 $0x4F0, v9;
	v3 =	vadd.f32 v62, v3  }
0x1bb: {  	v12 =	vld.idx.msk [tilespmem:v12+s22+$0x0], $0xffff  }
0x1bc: {  	v8 =	vld.idx.msk [tilespmem:v8+s22+$0x0], $0xffff;
	v62 =	vmul.f32 v16, v6;
	v16 =	vor.u32 $0x570, v9;
	v3 =	vadd.f32 v61, v3  }
0x1bd: {  	v63 =	vmul.f32 v18, v63;
	v18 =	vor.u32 $0x5F0, v9;
	v6 =	vld.idx.msk [tilespmem:v25+s24+$0x0], $0xffff  }
0x1be: {  	v61 =	vld.idx.msk [tilespmem:v27+s24+$0x0], $0xffff;
	v3 =	vadd.f32 v62, v3  }
0x1bf: {  	v14 =	vld.idx.msk [tilespmem:v14+s22+$0x0], $0xffff  }
0x1c0: {  	v62 =	vmul.f32 v12, v7;
	v7 =	vld.idx.msk [tilespmem:v29+s24+$0x0], $0xffff;
	v12 =	vor.u32 $0x670, v9;
	v3 =	vadd.f32 v63, v3  }
0x1c1: {  	v16 =	vld.idx.msk [tilespmem:v16+s22+$0x0], $0xffff  }
0x1c2: {  	v18 =	vld.idx.msk [tilespmem:v18+s22+$0x0], $0xffff;
	v63 =	vmul.f32 v8, v6;
	v8 =	vor.u32 $0x6F0, v9;
	v3 =	vadd.f32 v62, v3  }
0x1c3: {  	v6 =	vld.idx.msk [tilespmem:v31+s24+$0x0], $0xffff  }
0x1c4: {  	v61 =	vmul.f32 v14, v61;
	v62 =	vld.idx.msk [tilespmem:v33+s24+$0x0], $0xffff;
	v14 =	vor.u32 $0x770, v9;
	v3 =	vadd.f32 v63, v3  }
0x1c5: {  	v12 =	vld.idx.msk [tilespmem:v12+s22+$0x0], $0xffff  }
0x1c6: {  	v63 =	vmul.f32 v16, v7;
	v7 =	vld.idx.msk [tilespmem:v35+s24+$0x0], $0xffff;
	v16 =	vor.u32 $0x7F0, v9;
	v3 =	vadd.f32 v61, v3  }
0x1c7: {  	v8 =	vld.idx.msk [tilespmem:v8+s22+$0x0], $0xffff  }
0x1c8: {  	v61 =	vmul.f32 v18, v6;
	v6 =	vld.idx.msk [tilespmem:v37+s24+$0x0], $0xffff;
	v3 =	vadd.f32 v63, v3  }
0x1c9: {  	v14 =	vld.idx.msk [tilespmem:v14+s22+$0x0], $0xffff  }
0x1ca: {  	v62 =	vmul.f32 v12, v62;
	v63 =	vld.idx.msk [tilespmem:v39+s24+$0x0], $0xffff;
	v3 =	vadd.f32 v61, v3  }
0x1cb: {  	v12 =	vld.idx.msk [tilespmem:v16+s22+$0x0], $0xffff  }
0x1cc: {  	v61 =	vmul.f32 v8, v7;
	v3 =	vadd.f32 v62, v3;
	_ =	sdelay $0x1  }
0x1cd: {  	v62 =	vmul.f32 v14, v6;
	v3 =	vadd.f32 v61, v3;
	_ =	sdelay $0x1  }
0x1ce: {  	v63 =	vmul.f32 v12, v63;
	v3 =	vadd.f32 v62, v3;
	_ =	sdelay $0x1  }
0x1cf: {  	s26 =	sadd.s32 $0x1, s26;
	v3 =	vadd.f32 v63, v3  }
0x1d0: {  	p0 =	sne.s32 s26, s12  }
.Ltmp3:
0x1d1: {  	[tilespmem:$0x4380] =	vst v3;
	(pc) =	sbr.rel @p0 .LBB2_1-.Ltmp3, $4  }
0x1d2: {  	[hbm4b:s11+s7] =	stream.linear.scatter [tilespmem:s25], [sflag:$0x2], $0x400, $0x38;
	[tilespmem:$0x4400] =	vst v63  }
0x1d3: {  	_ =	swait.ge [sflag:s13], $0x400  }
0x1d4: {  	[sflag:s13] =	ssyncset.done $0x0  }
0x1d5: {  	[sflag:s13] =	ssyncadd.s32 $0xFFFFFC00  }
0x1d6: {  	_ =	sfence.sel $0x180000  }
0x1d7: {  	[bflag:$0x0] =	sbarrier.arrive $0xFFFF  }
0x1d8: {  	p0 =	sne.s32 s5, $0x0;
	_ =	strace $0x90000047  }
0x1d9: {  	s0 =	sadd.s32 @!p0 $0x100000, s6;
	[bflag:$0x2] =	sbarrier.arrive $0xFFFF  }
0x1da: {  	[sflag:s0] =	ssyncadd.tile.s32 @!p0 $0x1;
	_ =	shalt  }
.Lfunc_end2:
_tile_overlayer_lowered:
.L_overlay_start_2:
0x1db: {  	(tag) =	ssettag $0x2  }
0x1dc: {  	s0 =	rddreg [dreg:$0x0];
	s2 =	stileid.u32  }
0x1dd: {  	s1 =	rddreg [dreg:$0x1];
	p0 =	sne.s32 s2, $0x0  }
0x1de: {  	s3 =	rddreg [dreg:$0x2];
	[bflag:$0x3] =	sbarrier.arrive $0xFFFF;
	s2 =	simm.s32 @!p0 $0x1C02  }
0x1df: {  	[timem:s3], [sflag:s2] =	dma.local @!p0 [hbm:s0], s1  }
0x1e0: {  	s0 =	simm.s32 @!p0 $0x2  }
0x1e1: {  	_ =	swait.ge @!p0 [sflag:s0], s1  }
0x1e2: {  	s1 =	ssub.s32 @!p0 $0x0, s1;
	[sflag:s0] =	ssyncset.done @!p0 $0x0  }
0x1e3: {  	[sflag:s0] =	ssyncadd.s32 @!p0 s1  }
0x1e4: {  	[bflag:$0x3] =	sbarrier.arrive $0xFFFF  }
0x1e5: {  	_ =	shalt  }

</sc_bundles>
